<compile_context>
chip_gen: v7x
topology: tpu7x:2x2x1
jax: 0.10.2.dev20260603
libtpu: 0.0.44.dev20260713+nightly
codegen_flags: <defaults>
</compile_context>

<pallas_src>
import functools

import jax
import jax.numpy as jnp
from jax import lax
from jax.experimental import pallas as pl
from jax.experimental.pallas import tpu as pltpu
from jax.experimental.pallas import tpu_sc as plsc

V = 100000
D = 64
B = 4096
X_MAX = 100.0
ALPHA = 0.75

_NC = 2
_NS = 16
_NW = _NC * _NS
_BPW = B // _NW
_L = 16

_VBLK = 1024
_NBLK = 49
_H = _VBLK * _NBLK

_GATHER_DN = lax.GatherDimensionNumbers(
    offset_dims=(), collapsed_slice_dims=(0,), start_index_map=(0,))


def _lane_perm(x, idx):
    return lax.gather(x, idx.reshape(_L, 1), _GATHER_DN, (1,),
                      mode=lax.GatherScatterMode.PROMISE_IN_BOUNDS)


def _tc_transpose(ftl_ref, fth_ref, ctl_ref, cth_ref, fo_ref, co_ref):
    eye = jnp.eye(D, dtype=jnp.float32)

    def t(ref):
        return lax.dot_general(ref[...], eye, (((0,), (0,)), ((), ())),
                               preferred_element_type=jnp.float32)

    fo_ref[...] = jnp.concatenate([t(ftl_ref), t(fth_ref)], axis=1)
    co_ref[...] = jnp.concatenate([t(ctl_ref), t(cth_ref)], axis=1)


def _sc_gather_dot(fe_hbm, ce_hbm, fb_hbm, cb_hbm, fi_hbm, ci_hbm,
                   ep_hbm, bs_hbm,
                   fi_v, ci_v, fi2_v, ci2_v, fe_v, ce_v, fb_v, cb_v,
                   ep_v, bs_v,
                   sem0, sem1, sem2, sem3):
    wid = lax.axis_index("s") * _NC + lax.axis_index("c")
    base = wid * _BPW

    pltpu.sync_copy(fi_hbm.at[pl.ds(base, _BPW)], fi_v)
    pltpu.sync_copy(ci_hbm.at[pl.ds(base, _BPW)], ci_v)

    for g in range(_BPW // _L):
        sl = pl.ds(g * _L, _L)
        fh = jnp.where(fi_v[sl] >= _H, 1, 0)
        ch = jnp.where(ci_v[sl] >= _H, 1, 0)
        fi2_v[sl] = fi_v[sl] - fh * _H
        ci2_v[sl] = ci_v[sl] - ch * _H

    g0 = pltpu.async_copy(fe_hbm.at[fi2_v], fe_v, sem0)
    g1 = pltpu.async_copy(ce_hbm.at[ci2_v], ce_v, sem1)
    g2 = pltpu.async_copy(fb_hbm.at[fi_v], fb_v, sem2)
    g3 = pltpu.async_copy(cb_hbm.at[ci_v], cb_v, sem3)
    g2.wait()
    g3.wait()

    for g in range(_BPW // _L):
        sl = pl.ds(g * _L, _L)
        bs_v[sl] = fb_v[sl] + cb_v[sl]

    g0.wait()
    g1.wait()

    lane = lax.broadcasted_iota(jnp.int32, (_L,), 0)

    def gbody(g, carry):
        ep_vec = jnp.zeros((_L,), jnp.float32)
        fo_vec = jnp.where(fi_v[pl.ds(g * _L, _L)] >= _H, D, 0)
        co_vec = jnp.where(ci_v[pl.ds(g * _L, _L)] >= _H, D, 0)
        for j in range(_L):
            b = g * _L + j
            foff = fo_vec[j]
            coff = co_vec[j]
            acc = fe_v[b, pl.ds(foff, _L)] * ce_v[b, pl.ds(coff, _L)]
            for k in range(1, D // _L):
                acc = acc + (fe_v[b, pl.ds(foff + k * _L, _L)]
                             * ce_v[b, pl.ds(coff + k * _L, _L)])
            for sh in (8, 4, 2, 1):
                acc = acc + _lane_perm(acc, lane ^ sh)
            ep_vec = jnp.where(lane == j, acc, ep_vec)
        ep_v[pl.ds(g * _L, _L)] = ep_vec
        return carry

    lax.fori_loop(0, _BPW // _L, gbody, 0)

    pltpu.sync_copy(ep_v, ep_hbm.at[pl.ds(base, _BPW)])
    pltpu.sync_copy(bs_v, bs_hbm.at[pl.ds(base, _BPW)])


def _tc_finish(c_ref, ep_ref, bs_ref, o_ref):
    c = c_ref[...]
    lc = jnp.log(c)
    w = jnp.minimum(jnp.exp(lc * ALPHA) * (X_MAX ** -ALPHA), 1.0)
    a = ep_ref[...] - lc
    bs = bs_ref[...]
    s_wa2 = jnp.sum(w * a * a)
    s_wa = jnp.sum(w * a)
    s_w = jnp.sum(w)
    s_b = jnp.sum(bs)
    s_b2 = jnp.sum(bs * bs)
    val = (B * s_wa2 + 2.0 * s_wa * s_b + s_w * s_b2) / (B * B)
    o_ref[...] = jnp.broadcast_to(val, (1, 1))


def kernel(focal_emb, context_emb, focal_bias, context_bias,
           focal_input, context_input, coocurrence_count):
    fe2, ce2 = pl.pallas_call(
        _tc_transpose,
        grid=(_NBLK,),
        in_specs=[
            pl.BlockSpec((D, _VBLK), lambda i: (0, i)),
            pl.BlockSpec((D, _VBLK), lambda i: (0, i + _NBLK)),
            pl.BlockSpec((D, _VBLK), lambda i: (0, i)),
            pl.BlockSpec((D, _VBLK), lambda i: (0, i + _NBLK)),
        ],
        out_specs=[
            pl.BlockSpec((_VBLK, 2 * D), lambda i: (i, 0)),
            pl.BlockSpec((_VBLK, 2 * D), lambda i: (i, 0)),
        ],
        out_shape=[
            jax.ShapeDtypeStruct((_H, 2 * D), jnp.float32),
            jax.ShapeDtypeStruct((_H, 2 * D), jnp.float32),
        ],
    )(focal_emb.T, focal_emb.T, context_emb.T, context_emb.T)

    mesh = plsc.VectorSubcoreMesh(core_axis_name="c", subcore_axis_name="s")
    sc_fn = functools.partial(
        pl.kernel,
        mesh=mesh,
        out_type=[
            jax.ShapeDtypeStruct((B,), jnp.float32),
            jax.ShapeDtypeStruct((B,), jnp.float32),
        ],
        scratch_types=[
            pltpu.VMEM((_BPW,), jnp.int32),
            pltpu.VMEM((_BPW,), jnp.int32),
            pltpu.VMEM((_BPW,), jnp.int32),
            pltpu.VMEM((_BPW,), jnp.int32),
            pltpu.VMEM((_BPW, 2 * D), jnp.float32),
            pltpu.VMEM((_BPW, 2 * D), jnp.float32),
            pltpu.VMEM((_BPW,), jnp.float32),
            pltpu.VMEM((_BPW,), jnp.float32),
            pltpu.VMEM((_BPW,), jnp.float32),
            pltpu.VMEM((_BPW,), jnp.float32),
            pltpu.SemaphoreType.DMA,
            pltpu.SemaphoreType.DMA,
            pltpu.SemaphoreType.DMA,
            pltpu.SemaphoreType.DMA,
        ],
    )(_sc_gather_dot)

    ep, bs = sc_fn(fe2, ce2,
                   focal_bias.reshape(V), context_bias.reshape(V),
                   focal_input, context_input)

    out = pl.pallas_call(
        _tc_finish,
        out_shape=jax.ShapeDtypeStruct((1, 1), jnp.float32),
    )(coocurrence_count.reshape(32, B // 32),
      ep.reshape(32, B // 32), bs.reshape(32, B // 32))
    return out.reshape(())

# --- scband reference (transcript-rebuilt; emitter-appended) ---
"""Pipeline reference for scband-glo-ve-model-36996848288366 (READ-ONLY COPY).

The authoritative reference and input builder live on the scoring server;
editing this copy changes nothing except your own understanding.
"""

import jax, jax.numpy as jnp
import numpy as np

V = 100000
D = 64
B = 4096
X_MAX = 100.0
ALPHA = 0.75


def setup_inputs(seed: int = 0) -> dict:
    key = jax.random.key(seed)
    ks = jax.random.split(key, 7)
    focal_emb = jax.random.uniform(ks[0], (V, D), dtype=jnp.float32, minval=-1.0, maxval=1.0)
    context_emb = jax.random.uniform(ks[1], (V, D), dtype=jnp.float32, minval=-1.0, maxval=1.0)
    focal_bias = jax.random.uniform(ks[2], (V, 1), dtype=jnp.float32, minval=-1.0, maxval=1.0)
    context_bias = jax.random.uniform(ks[3], (V, 1), dtype=jnp.float32, minval=-1.0, maxval=1.0)
    focal_input = jax.random.randint(ks[4], (B,), 0, V, dtype=jnp.int64 if jax.config.jax_enable_x64 else jnp.int32).astype(jnp.int32)
    context_input = jax.random.randint(ks[5], (B,), 0, V).astype(jnp.int32)
    # co-occurrence counts: strictly positive (log is taken in the loss)
    coocurrence_count = jax.random.uniform(ks[6], (B,), dtype=jnp.float32, minval=0.0, maxval=1.0) * 200.0 + 1e-3
    return {
        "focal_emb": focal_emb,
        "context_emb": context_emb,
        "focal_bias": focal_bias,
        "context_bias": context_bias,
        "focal_input": focal_input,
        "context_input": context_input,
        "coocurrence_count": coocurrence_count,
    }


def reference(focal_emb, context_emb, focal_bias, context_bias, focal_input, context_input, coocurrence_count):
    # Faithful translation of GloVeModel._loss
    focal_embed = jnp.take(focal_emb, focal_input, axis=0)          # [B, D] gather
    context_embed = jnp.take(context_emb, context_input, axis=0)    # [B, D] gather
    f_bias = jnp.take(focal_bias, focal_input, axis=0)              # [B, 1] gather
    c_bias = jnp.take(context_bias, context_input, axis=0)          # [B, 1] gather
    weight_factor = jnp.power(coocurrence_count / X_MAX, ALPHA)     # [B]
    weight_factor = jnp.where(weight_factor > 1.0, 1.0, weight_factor)
    embedding_products = jnp.sum(focal_embed * context_embed, axis=1)  # [B]
    log_cooccurrences = jnp.log(coocurrence_count)                  # [B]
    # NOTE: faithful to the original torch broadcasting: [B] + [B,1] -> [B,B]
    distance_expr = (embedding_products + f_bias + c_bias - log_cooccurrences) ** 2  # [B, B]
    single_losses = weight_factor * distance_expr                   # [B, B]
    return jnp.mean(single_losses)


if False:  # reference __main__ guard neutralized (emitter)
    out = reference(**setup_inputs())
    print(out)

if __name__ == "__main__":
    import jax
    _d = setup_inputs()
    print(jax.jit(kernel)(*tuple(_d.values())))

</pallas_src>

<mosaic_0001>
#map = affine_map<(d0, d1) -> (0, 0)>
#map1 = affine_map<(d0, d1) -> (0)>
module attributes {stable_mosaic.version = 14 : i64} {
  func.func @_sc_gather_dot(%arg0: i32, %arg1: i32, %arg2: memref<50176x128xf32, #tpu.memory_space<hbm>>, %arg3: memref<50176x128xf32, #tpu.memory_space<hbm>>, %arg4: memref<100000xf32, #tpu.memory_space<hbm>>, %arg5: memref<100000xf32, #tpu.memory_space<hbm>>, %arg6: memref<4096xi32, #tpu.memory_space<hbm>>, %arg7: memref<4096xi32, #tpu.memory_space<hbm>>, %arg8: memref<4096xf32, #tpu.memory_space<hbm>>, %arg9: memref<4096xf32, #tpu.memory_space<hbm>>, %arg10: memref<128xi32, #tpu.memory_space<vmem>>, %arg11: memref<128xi32, #tpu.memory_space<vmem>>, %arg12: memref<128xi32, #tpu.memory_space<vmem>>, %arg13: memref<128xi32, #tpu.memory_space<vmem>>, %arg14: memref<128x128xf32, #tpu.memory_space<vmem>>, %arg15: memref<128x128xf32, #tpu.memory_space<vmem>>, %arg16: memref<128xf32, #tpu.memory_space<vmem>>, %arg17: memref<128xf32, #tpu.memory_space<vmem>>, %arg18: memref<128xf32, #tpu.memory_space<vmem>>, %arg19: memref<128xf32, #tpu.memory_space<vmem>>, %arg20: memref<!tpu.dma_semaphore, #tpu.memory_space<semaphore_mem>>, %arg21: memref<!tpu.dma_semaphore, #tpu.memory_space<semaphore_mem>>, %arg22: memref<!tpu.dma_semaphore, #tpu.memory_space<semaphore_mem>>, %arg23: memref<!tpu.dma_semaphore, #tpu.memory_space<semaphore_mem>>) attributes {dimension_semantics = [#tpu.dimension_semantics<core_parallel>, #tpu.dimension_semantics<subcore_parallel>], iteration_bounds = array<i64: 2, 16>, scalar_prefetch = 0 : i64, scratch_operands = 14 : i64, tpu.core_type = #tpu.core_type<sc_vector_subcore>, window_params = [{transform_indices = #map}, {transform_indices = #map}, {transform_indices = #map1}, {transform_indices = #map1}, {transform_indices = #map1}, {transform_indices = #map1}, {transform_indices = #map1}, {transform_indices = #map1}]} {
    %mul3A = arith.constant 2 : i32
    %mul3A_0 = arith.muli %arg1, %mul3A : i32
    %add3A = arith.addi %mul3A_0, %arg0 : i32
    %mul3A_1 = arith.constant 128 : i32
    %mul3A_2 = arith.muli %add3A, %mul3A_1 : i32
    "tpu.region"() ({
      %run_scoped3A = tpu.sem_alloc : memref<!tpu.dma_semaphore, #tpu.memory_space<semaphore_mem>>
      %dma_start3A_459 = tpu.memref_slice %arg6[%mul3A_2] : memref<4096xi32, #tpu.memory_space<hbm>> -> memref<128xi32, #tpu.memory_space<hbm>>
      %dma_start3A_460 = tpu.memref_slice %arg6[%mul3A_2] : memref<4096xi32, #tpu.memory_space<hbm>> -> memref<128xi32, #tpu.memory_space<hbm>>
      tpu.enqueue_dma source(%dma_start3A_460 : memref<128xi32, #tpu.memory_space<hbm>>) target(%arg10 : memref<128xi32, #tpu.memory_space<vmem>>) target_semaphore(%run_scoped3A : memref<!tpu.dma_semaphore, #tpu.memory_space<semaphore_mem>>)
      %dma_wait3A_461 = tpu.memref_slice %arg6[%mul3A_2] : memref<4096xi32, #tpu.memory_space<hbm>> -> memref<128xi32, #tpu.memory_space<hbm>>
      %dma_wait3A_462 = tpu.memref_slice %arg6[%mul3A_2] : memref<4096xi32, #tpu.memory_space<hbm>> -> memref<128xi32, #tpu.memory_space<hbm>>
      tpu.wait_dma2 semaphore(%run_scoped3A : memref<!tpu.dma_semaphore, #tpu.memory_space<semaphore_mem>>) src(%dma_wait3A_462 : memref<128xi32, #tpu.memory_space<hbm>>) dst(%arg10 : memref<128xi32, #tpu.memory_space<vmem>>)
      tpu.yield
    }) : () -> ()
    "tpu.region"() ({
      %run_scoped3A = tpu.sem_alloc : memref<!tpu.dma_semaphore, #tpu.memory_space<semaphore_mem>>
      %dma_start3A_459 = tpu.memref_slice %arg7[%mul3A_2] : memref<4096xi32, #tpu.memory_space<hbm>> -> memref<128xi32, #tpu.memory_space<hbm>>
      %dma_start3A_460 = tpu.memref_slice %arg7[%mul3A_2] : memref<4096xi32, #tpu.memory_space<hbm>> -> memref<128xi32, #tpu.memory_space<hbm>>
      tpu.enqueue_dma source(%dma_start3A_460 : memref<128xi32, #tpu.memory_space<hbm>>) target(%arg11 : memref<128xi32, #tpu.memory_space<vmem>>) target_semaphore(%run_scoped3A : memref<!tpu.dma_semaphore, #tpu.memory_space<semaphore_mem>>)
      %dma_wait3A_461 = tpu.memref_slice %arg7[%mul3A_2] : memref<4096xi32, #tpu.memory_space<hbm>> -> memref<128xi32, #tpu.memory_space<hbm>>
      %dma_wait3A_462 = tpu.memref_slice %arg7[%mul3A_2] : memref<4096xi32, #tpu.memory_space<hbm>> -> memref<128xi32, #tpu.memory_space<hbm>>
      tpu.wait_dma2 semaphore(%run_scoped3A : memref<!tpu.dma_semaphore, #tpu.memory_space<semaphore_mem>>) src(%dma_wait3A_462 : memref<128xi32, #tpu.memory_space<hbm>>) dst(%arg11 : memref<128xi32, #tpu.memory_space<vmem>>)
      tpu.yield
    }) : () -> ()
    %get3A = arith.constant 0 : index
    %get3A_3 = tpu.vector_load %arg10[%get3A] {strides = array<i32>} : memref<128xi32, #tpu.memory_space<vmem>>, vector<16xi32>,
    %get3A_4 = vector.shape_cast %get3A_3 : vector<16xi32> to vector<16xi32>
    %ge3A = arith.constant 50176 : i32
    %ge3A_5 = vector.broadcast %ge3A : i32 to vector<16xi32>
    %ge3A_6 = arith.cmpi sge, %get3A_4, %ge3A_5 : vector<16xi32>
    %jit3A = arith.constant 1 : i32
    %jit3A_7 = arith.constant 0 : i32
    %broadcast_in_dim3A = vector.broadcast %jit3A : i32 to vector<16xi32>
    %broadcast_in_dim3A_8 = vector.broadcast %jit3A_7 : i32 to vector<16xi32>
    %select_n3A = arith.select %ge3A_6, %broadcast_in_dim3A, %broadcast_in_dim3A_8 : vector<16xi1>, vector<16xi32>
    %get3A_9 = arith.constant 0 : index
    %get3A_10 = tpu.vector_load %arg11[%get3A_9] {strides = array<i32>} : memref<128xi32, #tpu.memory_space<vmem>>, vector<16xi32>,
    %get3A_11 = vector.shape_cast %get3A_10 : vector<16xi32> to vector<16xi32>
    %ge3A_12 = arith.constant 50176 : i32
    %ge3A_13 = vector.broadcast %ge3A_12 : i32 to vector<16xi32>
    %ge3A_14 = arith.cmpi sge, %get3A_11, %ge3A_13 : vector<16xi32>
    %jit3A_15 = arith.constant 1 : i32
    %jit3A_16 = arith.constant 0 : i32
    %broadcast_in_dim3A_17 = vector.broadcast %jit3A_15 : i32 to vector<16xi32>
    %broadcast_in_dim3A_18 = vector.broadcast %jit3A_16 : i32 to vector<16xi32>
    %select_n3A_19 = arith.select %ge3A_14, %broadcast_in_dim3A_17, %broadcast_in_dim3A_18 : vector<16xi1>, vector<16xi32>
    %get3A_20 = arith.constant 0 : index
    %get3A_21 = tpu.vector_load %arg10[%get3A_20] {strides = array<i32>} : memref<128xi32, #tpu.memory_space<vmem>>, vector<16xi32>,
    %get3A_22 = vector.shape_cast %get3A_21 : vector<16xi32> to vector<16xi32>
    %mul3A_23 = arith.constant 50176 : i32
    %mul3A_24 = vector.broadcast %mul3A_23 : i32 to vector<16xi32>
    %mul3A_25 = arith.muli %select_n3A, %mul3A_24 : vector<16xi32>
    %sub3A = arith.subi %get3A_22, %mul3A_25 : vector<16xi32>
    %swap3A = arith.constant 0 : index
    %swap3A_26 = tpu.vector_load %arg12[%swap3A] {strides = array<i32>} : memref<128xi32, #tpu.memory_space<vmem>>, vector<16xi32>,
    %swap3A_27 = vector.shape_cast %swap3A_26 : vector<16xi32> to vector<16xi32>
    %swap3A_28 = vector.shape_cast %sub3A : vector<16xi32> to vector<16xi32>
    tpu.vector_store %arg12[%swap3A], %swap3A_28 {strides = array<i32>} : memref<128xi32, #tpu.memory_space<vmem>>, vector<16xi32>,
    %get3A_29 = arith.constant 0 : index
    %get3A_30 = tpu.vector_load %arg11[%get3A_29] {strides = array<i32>} : memref<128xi32, #tpu.memory_space<vmem>>, vector<16xi32>,
    %get3A_31 = vector.shape_cast %get3A_30 : vector<16xi32> to vector<16xi32>
    %mul3A_32 = arith.constant 50176 : i32
    %mul3A_33 = vector.broadcast %mul3A_32 : i32 to vector<16xi32>
    %mul3A_34 = arith.muli %select_n3A_19, %mul3A_33 : vector<16xi32>
    %sub3A_35 = arith.subi %get3A_31, %mul3A_34 : vector<16xi32>
    %swap3A_36 = arith.constant 0 : index
    %swap3A_37 = tpu.vector_load %arg13[%swap3A_36] {strides = array<i32>} : memref<128xi32, #tpu.memory_space<vmem>>, vector<16xi32>,
    %swap3A_38 = vector.shape_cast %swap3A_37 : vector<16xi32> to vector<16xi32>
    %swap3A_39 = vector.shape_cast %sub3A_35 : vector<16xi32> to vector<16xi32>
    tpu.vector_store %arg13[%swap3A_36], %swap3A_39 {strides = array<i32>} : memref<128xi32, #tpu.memory_space<vmem>>, vector<16xi32>,
    %get3A_40 = arith.constant 16 : index
    %get3A_41 = tpu.vector_load %arg10[%get3A_40] {strides = array<i32>} : memref<128xi32, #tpu.memory_space<vmem>>, vector<16xi32>,
    %get3A_42 = vector.shape_cast %get3A_41 : vector<16xi32> to vector<16xi32>
    %ge3A_43 = arith.constant 50176 : i32
    %ge3A_44 = vector.broadcast %ge3A_43 : i32 to vector<16xi32>
    %ge3A_45 = arith.cmpi sge, %get3A_42, %ge3A_44 : vector<16xi32>
    %jit3A_46 = arith.constant 1 : i32
    %jit3A_47 = arith.constant 0 : i32
    %broadcast_in_dim3A_48 = vector.broadcast %jit3A_46 : i32 to vector<16xi32>
    %broadcast_in_dim3A_49 = vector.broadcast %jit3A_47 : i32 to vector<16xi32>
    %select_n3A_50 = arith.select %ge3A_45, %broadcast_in_dim3A_48, %broadcast_in_dim3A_49 : vector<16xi1>, vector<16xi32>
    %get3A_51 = arith.constant 16 : index
    %get3A_52 = tpu.vector_load %arg11[%get3A_51] {strides = array<i32>} : memref<128xi32, #tpu.memory_space<vmem>>, vector<16xi32>,
    %get3A_53 = vector.shape_cast %get3A_52 : vector<16xi32> to vector<16xi32>
    %ge3A_54 = arith.constant 50176 : i32
    %ge3A_55 = vector.broadcast %ge3A_54 : i32 to vector<16xi32>
    %ge3A_56 = arith.cmpi sge, %get3A_53, %ge3A_55 : vector<16xi32>
    %jit3A_57 = arith.constant 1 : i32
    %jit3A_58 = arith.constant 0 : i32
    %broadcast_in_dim3A_59 = vector.broadcast %jit3A_57 : i32 to vector<16xi32>
    %broadcast_in_dim3A_60 = vector.broadcast %jit3A_58 : i32 to vector<16xi32>
    %select_n3A_61 = arith.select %ge3A_56, %broadcast_in_dim3A_59, %broadcast_in_dim3A_60 : vector<16xi1>, vector<16xi32>
    %get3A_62 = arith.constant 16 : index
    %get3A_63 = tpu.vector_load %arg10[%get3A_62] {strides = array<i32>} : memref<128xi32, #tpu.memory_space<vmem>>, vector<16xi32>,
    %get3A_64 = vector.shape_cast %get3A_63 : vector<16xi32> to vector<16xi32>
    %mul3A_65 = arith.constant 50176 : i32
    %mul3A_66 = vector.broadcast %mul3A_65 : i32 to vector<16xi32>
    %mul3A_67 = arith.muli %select_n3A_50, %mul3A_66 : vector<16xi32>
    %sub3A_68 = arith.subi %get3A_64, %mul3A_67 : vector<16xi32>
    %swap3A_69 = arith.constant 16 : index
    %swap3A_70 = tpu.vector_load %arg12[%swap3A_69] {strides = array<i32>} : memref<128xi32, #tpu.memory_space<vmem>>, vector<16xi32>,
    %swap3A_71 = vector.shape_cast %swap3A_70 : vector<16xi32> to vector<16xi32>
    %swap3A_72 = vector.shape_cast %sub3A_68 : vector<16xi32> to vector<16xi32>
    tpu.vector_store %arg12[%swap3A_69], %swap3A_72 {strides = array<i32>} : memref<128xi32, #tpu.memory_space<vmem>>, vector<16xi32>,
    %get3A_73 = arith.constant 16 : index
    %get3A_74 = tpu.vector_load %arg11[%get3A_73] {strides = array<i32>} : memref<128xi32, #tpu.memory_space<vmem>>, vector<16xi32>,
    %get3A_75 = vector.shape_cast %get3A_74 : vector<16xi32> to vector<16xi32>
    %mul3A_76 = arith.constant 50176 : i32
    %mul3A_77 = vector.broadcast %mul3A_76 : i32 to vector<16xi32>
    %mul3A_78 = arith.muli %select_n3A_61, %mul3A_77 : vector<16xi32>
    %sub3A_79 = arith.subi %get3A_75, %mul3A_78 : vector<16xi32>
    %swap3A_80 = arith.constant 16 : index
    %swap3A_81 = tpu.vector_load %arg13[%swap3A_80] {strides = array<i32>} : memref<128xi32, #tpu.memory_space<vmem>>, vector<16xi32>,
    %swap3A_82 = vector.shape_cast %swap3A_81 : vector<16xi32> to vector<16xi32>
    %swap3A_83 = vector.shape_cast %sub3A_79 : vector<16xi32> to vector<16xi32>
    tpu.vector_store %arg13[%swap3A_80], %swap3A_83 {strides = array<i32>} : memref<128xi32, #tpu.memory_space<vmem>>, vector<16xi32>,
    %get3A_84 = arith.constant 32 : index
    %get3A_85 = tpu.vector_load %arg10[%get3A_84] {strides = array<i32>} : memref<128xi32, #tpu.memory_space<vmem>>, vector<16xi32>,
    %get3A_86 = vector.shape_cast %get3A_85 : vector<16xi32> to vector<16xi32>
    %ge3A_87 = arith.constant 50176 : i32
    %ge3A_88 = vector.broadcast %ge3A_87 : i32 to vector<16xi32>
    %ge3A_89 = arith.cmpi sge, %get3A_86, %ge3A_88 : vector<16xi32>
    %jit3A_90 = arith.constant 1 : i32
    %jit3A_91 = arith.constant 0 : i32
    %broadcast_in_dim3A_92 = vector.broadcast %jit3A_90 : i32 to vector<16xi32>
    %broadcast_in_dim3A_93 = vector.broadcast %jit3A_91 : i32 to vector<16xi32>
    %select_n3A_94 = arith.select %ge3A_89, %broadcast_in_dim3A_92, %broadcast_in_dim3A_93 : vector<16xi1>, vector<16xi32>
    %get3A_95 = arith.constant 32 : index
    %get3A_96 = tpu.vector_load %arg11[%get3A_95] {strides = array<i32>} : memref<128xi32, #tpu.memory_space<vmem>>, vector<16xi32>,
    %get3A_97 = vector.shape_cast %get3A_96 : vector<16xi32> to vector<16xi32>
    %ge3A_98 = arith.constant 50176 : i32
    %ge3A_99 = vector.broadcast %ge3A_98 : i32 to vector<16xi32>
    %ge3A_100 = arith.cmpi sge, %get3A_97, %ge3A_99 : vector<16xi32>
    %jit3A_101 = arith.constant 1 : i32
    %jit3A_102 = arith.constant 0 : i32
    %broadcast_in_dim3A_103 = vector.broadcast %jit3A_101 : i32 to vector<16xi32>
    %broadcast_in_dim3A_104 = vector.broadcast %jit3A_102 : i32 to vector<16xi32>
    %select_n3A_105 = arith.select %ge3A_100, %broadcast_in_dim3A_103, %broadcast_in_dim3A_104 : vector<16xi1>, vector<16xi32>
    %get3A_106 = arith.constant 32 : index
    %get3A_107 = tpu.vector_load %arg10[%get3A_106] {strides = array<i32>} : memref<128xi32, #tpu.memory_space<vmem>>, vector<16xi32>,
    %get3A_108 = vector.shape_cast %get3A_107 : vector<16xi32> to vector<16xi32>
    %mul3A_109 = arith.constant 50176 : i32
    %mul3A_110 = vector.broadcast %mul3A_109 : i32 to vector<16xi32>
    %mul3A_111 = arith.muli %select_n3A_94, %mul3A_110 : vector<16xi32>
    %sub3A_112 = arith.subi %get3A_108, %mul3A_111 : vector<16xi32>
    %swap3A_113 = arith.constant 32 : index
    %swap3A_114 = tpu.vector_load %arg12[%swap3A_113] {strides = array<i32>} : memref<128xi32, #tpu.memory_space<vmem>>, vector<16xi32>,
    %swap3A_115 = vector.shape_cast %swap3A_114 : vector<16xi32> to vector<16xi32>
    %swap3A_116 = vector.shape_cast %sub3A_112 : vector<16xi32> to vector<16xi32>
    tpu.vector_store %arg12[%swap3A_113], %swap3A_116 {strides = array<i32>} : memref<128xi32, #tpu.memory_space<vmem>>, vector<16xi32>,
    %get3A_117 = arith.constant 32 : index
    %get3A_118 = tpu.vector_load %arg11[%get3A_117] {strides = array<i32>} : memref<128xi32, #tpu.memory_space<vmem>>, vector<16xi32>,
    %get3A_119 = vector.shape_cast %get3A_118 : vector<16xi32> to vector<16xi32>
    %mul3A_120 = arith.constant 50176 : i32
    %mul3A_121 = vector.broadcast %mul3A_120 : i32 to vector<16xi32>
    %mul3A_122 = arith.muli %select_n3A_105, %mul3A_121 : vector<16xi32>
    %sub3A_123 = arith.subi %get3A_119, %mul3A_122 : vector<16xi32>
    %swap3A_124 = arith.constant 32 : index
    %swap3A_125 = tpu.vector_load %arg13[%swap3A_124] {strides = array<i32>} : memref<128xi32, #tpu.memory_space<vmem>>, vector<16xi32>,
    %swap3A_126 = vector.shape_cast %swap3A_125 : vector<16xi32> to vector<16xi32>
    %swap3A_127 = vector.shape_cast %sub3A_123 : vector<16xi32> to vector<16xi32>
    tpu.vector_store %arg13[%swap3A_124], %swap3A_127 {strides = array<i32>} : memref<128xi32, #tpu.memory_space<vmem>>, vector<16xi32>,
    %get3A_128 = arith.constant 48 : index
    %get3A_129 = tpu.vector_load %arg10[%get3A_128] {strides = array<i32>} : memref<128xi32, #tpu.memory_space<vmem>>, vector<16xi32>,
    %get3A_130 = vector.shape_cast %get3A_129 : vector<16xi32> to vector<16xi32>
    %ge3A_131 = arith.constant 50176 : i32
    %ge3A_132 = vector.broadcast %ge3A_131 : i32 to vector<16xi32>
    %ge3A_133 = arith.cmpi sge, %get3A_130, %ge3A_132 : vector<16xi32>
    %jit3A_134 = arith.constant 1 : i32
    %jit3A_135 = arith.constant 0 : i32
    %broadcast_in_dim3A_136 = vector.broadcast %jit3A_134 : i32 to vector<16xi32>
    %broadcast_in_dim3A_137 = vector.broadcast %jit3A_135 : i32 to vector<16xi32>
    %select_n3A_138 = arith.select %ge3A_133, %broadcast_in_dim3A_136, %broadcast_in_dim3A_137 : vector<16xi1>, vector<16xi32>
    %get3A_139 = arith.constant 48 : index
    %get3A_140 = tpu.vector_load %arg11[%get3A_139] {strides = array<i32>} : memref<128xi32, #tpu.memory_space<vmem>>, vector<16xi32>,
    %get3A_141 = vector.shape_cast %get3A_140 : vector<16xi32> to vector<16xi32>
    %ge3A_142 = arith.constant 50176 : i32
    %ge3A_143 = vector.broadcast %ge3A_142 : i32 to vector<16xi32>
    %ge3A_144 = arith.cmpi sge, %get3A_141, %ge3A_143 : vector<16xi32>
    %jit3A_145 = arith.constant 1 : i32
    %jit3A_146 = arith.constant 0 : i32
    %broadcast_in_dim3A_147 = vector.broadcast %jit3A_145 : i32 to vector<16xi32>
    %broadcast_in_dim3A_148 = vector.broadcast %jit3A_146 : i32 to vector<16xi32>
    %select_n3A_149 = arith.select %ge3A_144, %broadcast_in_dim3A_147, %broadcast_in_dim3A_148 : vector<16xi1>, vector<16xi32>
    %get3A_150 = arith.constant 48 : index
    %get3A_151 = tpu.vector_load %arg10[%get3A_150] {strides = array<i32>} : memref<128xi32, #tpu.memory_space<vmem>>, vector<16xi32>,
    %get3A_152 = vector.shape_cast %get3A_151 : vector<16xi32> to vector<16xi32>
    %mul3A_153 = arith.constant 50176 : i32
    %mul3A_154 = vector.broadcast %mul3A_153 : i32 to vector<16xi32>
    %mul3A_155 = arith.muli %select_n3A_138, %mul3A_154 : vector<16xi32>
    %sub3A_156 = arith.subi %get3A_152, %mul3A_155 : vector<16xi32>
    %swap3A_157 = arith.constant 48 : index
    %swap3A_158 = tpu.vector_load %arg12[%swap3A_157] {strides = array<i32>} : memref<128xi32, #tpu.memory_space<vmem>>, vector<16xi32>,
    %swap3A_159 = vector.shape_cast %swap3A_158 : vector<16xi32> to vector<16xi32>
    %swap3A_160 = vector.shape_cast %sub3A_156 : vector<16xi32> to vector<16xi32>
    tpu.vector_store %arg12[%swap3A_157], %swap3A_160 {strides = array<i32>} : memref<128xi32, #tpu.memory_space<vmem>>, vector<16xi32>,
    %get3A_161 = arith.constant 48 : index
    %get3A_162 = tpu.vector_load %arg11[%get3A_161] {strides = array<i32>} : memref<128xi32, #tpu.memory_space<vmem>>, vector<16xi32>,
    %get3A_163 = vector.shape_cast %get3A_162 : vector<16xi32> to vector<16xi32>
    %mul3A_164 = arith.constant 50176 : i32
    %mul3A_165 = vector.broadcast %mul3A_164 : i32 to vector<16xi32>
    %mul3A_166 = arith.muli %select_n3A_149, %mul3A_165 : vector<16xi32>
    %sub3A_167 = arith.subi %get3A_163, %mul3A_166 : vector<16xi32>
    %swap3A_168 = arith.constant 48 : index
    %swap3A_169 = tpu.vector_load %arg13[%swap3A_168] {strides = array<i32>} : memref<128xi32, #tpu.memory_space<vmem>>, vector<16xi32>,
    %swap3A_170 = vector.shape_cast %swap3A_169 : vector<16xi32> to vector<16xi32>
    %swap3A_171 = vector.shape_cast %sub3A_167 : vector<16xi32> to vector<16xi32>
    tpu.vector_store %arg13[%swap3A_168], %swap3A_171 {strides = array<i32>} : memref<128xi32, #tpu.memory_space<vmem>>, vector<16xi32>,
    %get3A_172 = arith.constant 64 : index
    %get3A_173 = tpu.vector_load %arg10[%get3A_172] {strides = array<i32>} : memref<128xi32, #tpu.memory_space<vmem>>, vector<16xi32>,
    %get3A_174 = vector.shape_cast %get3A_173 : vector<16xi32> to vector<16xi32>
    %ge3A_175 = arith.constant 50176 : i32
    %ge3A_176 = vector.broadcast %ge3A_175 : i32 to vector<16xi32>
    %ge3A_177 = arith.cmpi sge, %get3A_174, %ge3A_176 : vector<16xi32>
    %jit3A_178 = arith.constant 1 : i32
    %jit3A_179 = arith.constant 0 : i32
    %broadcast_in_dim3A_180 = vector.broadcast %jit3A_178 : i32 to vector<16xi32>
    %broadcast_in_dim3A_181 = vector.broadcast %jit3A_179 : i32 to vector<16xi32>
    %select_n3A_182 = arith.select %ge3A_177, %broadcast_in_dim3A_180, %broadcast_in_dim3A_181 : vector<16xi1>, vector<16xi32>
    %get3A_183 = arith.constant 64 : index
    %get3A_184 = tpu.vector_load %arg11[%get3A_183] {strides = array<i32>} : memref<128xi32, #tpu.memory_space<vmem>>, vector<16xi32>,
    %get3A_185 = vector.shape_cast %get3A_184 : vector<16xi32> to vector<16xi32>
    %ge3A_186 = arith.constant 50176 : i32
    %ge3A_187 = vector.broadcast %ge3A_186 : i32 to vector<16xi32>
    %ge3A_188 = arith.cmpi sge, %get3A_185, %ge3A_187 : vector<16xi32>
    %jit3A_189 = arith.constant 1 : i32
    %jit3A_190 = arith.constant 0 : i32
    %broadcast_in_dim3A_191 = vector.broadcast %jit3A_189 : i32 to vector<16xi32>
    %broadcast_in_dim3A_192 = vector.broadcast %jit3A_190 : i32 to vector<16xi32>
    %select_n3A_193 = arith.select %ge3A_188, %broadcast_in_dim3A_191, %broadcast_in_dim3A_192 : vector<16xi1>, vector<16xi32>
    %get3A_194 = arith.constant 64 : index
    %get3A_195 = tpu.vector_load %arg10[%get3A_194] {strides = array<i32>} : memref<128xi32, #tpu.memory_space<vmem>>, vector<16xi32>,
    %get3A_196 = vector.shape_cast %get3A_195 : vector<16xi32> to vector<16xi32>
    %mul3A_197 = arith.constant 50176 : i32
    %mul3A_198 = vector.broadcast %mul3A_197 : i32 to vector<16xi32>
    %mul3A_199 = arith.muli %select_n3A_182, %mul3A_198 : vector<16xi32>
    %sub3A_200 = arith.subi %get3A_196, %mul3A_199 : vector<16xi32>
    %swap3A_201 = arith.constant 64 : index
    %swap3A_202 = tpu.vector_load %arg12[%swap3A_201] {strides = array<i32>} : memref<128xi32, #tpu.memory_space<vmem>>, vector<16xi32>,
    %swap3A_203 = vector.shape_cast %swap3A_202 : vector<16xi32> to vector<16xi32>
    %swap3A_204 = vector.shape_cast %sub3A_200 : vector<16xi32> to vector<16xi32>
    tpu.vector_store %arg12[%swap3A_201], %swap3A_204 {strides = array<i32>} : memref<128xi32, #tpu.memory_space<vmem>>, vector<16xi32>,
    %get3A_205 = arith.constant 64 : index
    %get3A_206 = tpu.vector_load %arg11[%get3A_205] {strides = array<i32>} : memref<128xi32, #tpu.memory_space<vmem>>, vector<16xi32>,
    %get3A_207 = vector.shape_cast %get3A_206 : vector<16xi32> to vector<16xi32>
    %mul3A_208 = arith.constant 50176 : i32
    %mul3A_209 = vector.broadcast %mul3A_208 : i32 to vector<16xi32>
    %mul3A_210 = arith.muli %select_n3A_193, %mul3A_209 : vector<16xi32>
    %sub3A_211 = arith.subi %get3A_207, %mul3A_210 : vector<16xi32>
    %swap3A_212 = arith.constant 64 : index
    %swap3A_213 = tpu.vector_load %arg13[%swap3A_212] {strides = array<i32>} : memref<128xi32, #tpu.memory_space<vmem>>, vector<16xi32>,
    %swap3A_214 = vector.shape_cast %swap3A_213 : vector<16xi32> to vector<16xi32>
    %swap3A_215 = vector.shape_cast %sub3A_211 : vector<16xi32> to vector<16xi32>
    tpu.vector_store %arg13[%swap3A_212], %swap3A_215 {strides = array<i32>} : memref<128xi32, #tpu.memory_space<vmem>>, vector<16xi32>,
    %get3A_216 = arith.constant 80 : index
    %get3A_217 = tpu.vector_load %arg10[%get3A_216] {strides = array<i32>} : memref<128xi32, #tpu.memory_space<vmem>>, vector<16xi32>,
    %get3A_218 = vector.shape_cast %get3A_217 : vector<16xi32> to vector<16xi32>
    %ge3A_219 = arith.constant 50176 : i32
    %ge3A_220 = vector.broadcast %ge3A_219 : i32 to vector<16xi32>
    %ge3A_221 = arith.cmpi sge, %get3A_218, %ge3A_220 : vector<16xi32>
    %jit3A_222 = arith.constant 1 : i32
    %jit3A_223 = arith.constant 0 : i32
    %broadcast_in_dim3A_224 = vector.broadcast %jit3A_222 : i32 to vector<16xi32>
    %broadcast_in_dim3A_225 = vector.broadcast %jit3A_223 : i32 to vector<16xi32>
    %select_n3A_226 = arith.select %ge3A_221, %broadcast_in_dim3A_224, %broadcast_in_dim3A_225 : vector<16xi1>, vector<16xi32>
    %get3A_227 = arith.constant 80 : index
    %get3A_228 = tpu.vector_load %arg11[%get3A_227] {strides = array<i32>} : memref<128xi32, #tpu.memory_space<vmem>>, vector<16xi32>,
    %get3A_229 = vector.shape_cast %get3A_228 : vector<16xi32> to vector<16xi32>
    %ge3A_230 = arith.constant 50176 : i32
    %ge3A_231 = vector.broadcast %ge3A_230 : i32 to vector<16xi32>
    %ge3A_232 = arith.cmpi sge, %get3A_229, %ge3A_231 : vector<16xi32>
    %jit3A_233 = arith.constant 1 : i32
    %jit3A_234 = arith.constant 0 : i32
    %broadcast_in_dim3A_235 = vector.broadcast %jit3A_233 : i32 to vector<16xi32>
    %broadcast_in_dim3A_236 = vector.broadcast %jit3A_234 : i32 to vector<16xi32>
    %select_n3A_237 = arith.select %ge3A_232, %broadcast_in_dim3A_235, %broadcast_in_dim3A_236 : vector<16xi1>, vector<16xi32>
    %get3A_238 = arith.constant 80 : index
    %get3A_239 = tpu.vector_load %arg10[%get3A_238] {strides = array<i32>} : memref<128xi32, #tpu.memory_space<vmem>>, vector<16xi32>,
    %get3A_240 = vector.shape_cast %get3A_239 : vector<16xi32> to vector<16xi32>
    %mul3A_241 = arith.constant 50176 : i32
    %mul3A_242 = vector.broadcast %mul3A_241 : i32 to vector<16xi32>
    %mul3A_243 = arith.muli %select_n3A_226, %mul3A_242 : vector<16xi32>
    %sub3A_244 = arith.subi %get3A_240, %mul3A_243 : vector<16xi32>
    %swap3A_245 = arith.constant 80 : index
    %swap3A_246 = tpu.vector_load %arg12[%swap3A_245] {strides = array<i32>} : memref<128xi32, #tpu.memory_space<vmem>>, vector<16xi32>,
    %swap3A_247 = vector.shape_cast %swap3A_246 : vector<16xi32> to vector<16xi32>
    %swap3A_248 = vector.shape_cast %sub3A_244 : vector<16xi32> to vector<16xi32>
    tpu.vector_store %arg12[%swap3A_245], %swap3A_248 {strides = array<i32>} : memref<128xi32, #tpu.memory_space<vmem>>, vector<16xi32>,
    %get3A_249 = arith.constant 80 : index
    %get3A_250 = tpu.vector_load %arg11[%get3A_249] {strides = array<i32>} : memref<128xi32, #tpu.memory_space<vmem>>, vector<16xi32>,
    %get3A_251 = vector.shape_cast %get3A_250 : vector<16xi32> to vector<16xi32>
    %mul3A_252 = arith.constant 50176 : i32
    %mul3A_253 = vector.broadcast %mul3A_252 : i32 to vector<16xi32>
    %mul3A_254 = arith.muli %select_n3A_237, %mul3A_253 : vector<16xi32>
    %sub3A_255 = arith.subi %get3A_251, %mul3A_254 : vector<16xi32>
    %swap3A_256 = arith.constant 80 : index
    %swap3A_257 = tpu.vector_load %arg13[%swap3A_256] {strides = array<i32>} : memref<128xi32, #tpu.memory_space<vmem>>, vector<16xi32>,
    %swap3A_258 = vector.shape_cast %swap3A_257 : vector<16xi32> to vector<16xi32>
    %swap3A_259 = vector.shape_cast %sub3A_255 : vector<16xi32> to vector<16xi32>
    tpu.vector_store %arg13[%swap3A_256], %swap3A_259 {strides = array<i32>} : memref<128xi32, #tpu.memory_space<vmem>>, vector<16xi32>,
    %get3A_260 = arith.constant 96 : index
    %get3A_261 = tpu.vector_load %arg10[%get3A_260] {strides = array<i32>} : memref<128xi32, #tpu.memory_space<vmem>>, vector<16xi32>,
    %get3A_262 = vector.shape_cast %get3A_261 : vector<16xi32> to vector<16xi32>
    %ge3A_263 = arith.constant 50176 : i32
    %ge3A_264 = vector.broadcast %ge3A_263 : i32 to vector<16xi32>
    %ge3A_265 = arith.cmpi sge, %get3A_262, %ge3A_264 : vector<16xi32>
    %jit3A_266 = arith.constant 1 : i32
    %jit3A_267 = arith.constant 0 : i32
    %broadcast_in_dim3A_268 = vector.broadcast %jit3A_266 : i32 to vector<16xi32>
    %broadcast_in_dim3A_269 = vector.broadcast %jit3A_267 : i32 to vector<16xi32>
    %select_n3A_270 = arith.select %ge3A_265, %broadcast_in_dim3A_268, %broadcast_in_dim3A_269 : vector<16xi1>, vector<16xi32>
    %get3A_271 = arith.constant 96 : index
    %get3A_272 = tpu.vector_load %arg11[%get3A_271] {strides = array<i32>} : memref<128xi32, #tpu.memory_space<vmem>>, vector<16xi32>,
    %get3A_273 = vector.shape_cast %get3A_272 : vector<16xi32> to vector<16xi32>
    %ge3A_274 = arith.constant 50176 : i32
    %ge3A_275 = vector.broadcast %ge3A_274 : i32 to vector<16xi32>
    %ge3A_276 = arith.cmpi sge, %get3A_273, %ge3A_275 : vector<16xi32>
    %jit3A_277 = arith.constant 1 : i32
    %jit3A_278 = arith.constant 0 : i32
    %broadcast_in_dim3A_279 = vector.broadcast %jit3A_277 : i32 to vector<16xi32>
    %broadcast_in_dim3A_280 = vector.broadcast %jit3A_278 : i32 to vector<16xi32>
    %select_n3A_281 = arith.select %ge3A_276, %broadcast_in_dim3A_279, %broadcast_in_dim3A_280 : vector<16xi1>, vector<16xi32>
    %get3A_282 = arith.constant 96 : index
    %get3A_283 = tpu.vector_load %arg10[%get3A_282] {strides = array<i32>} : memref<128xi32, #tpu.memory_space<vmem>>, vector<16xi32>,
    %get3A_284 = vector.shape_cast %get3A_283 : vector<16xi32> to vector<16xi32>
    %mul3A_285 = arith.constant 50176 : i32
    %mul3A_286 = vector.broadcast %mul3A_285 : i32 to vector<16xi32>
    %mul3A_287 = arith.muli %select_n3A_270, %mul3A_286 : vector<16xi32>
    %sub3A_288 = arith.subi %get3A_284, %mul3A_287 : vector<16xi32>
    %swap3A_289 = arith.constant 96 : index
    %swap3A_290 = tpu.vector_load %arg12[%swap3A_289] {strides = array<i32>} : memref<128xi32, #tpu.memory_space<vmem>>, vector<16xi32>,
    %swap3A_291 = vector.shape_cast %swap3A_290 : vector<16xi32> to vector<16xi32>
    %swap3A_292 = vector.shape_cast %sub3A_288 : vector<16xi32> to vector<16xi32>
    tpu.vector_store %arg12[%swap3A_289], %swap3A_292 {strides = array<i32>} : memref<128xi32, #tpu.memory_space<vmem>>, vector<16xi32>,
    %get3A_293 = arith.constant 96 : index
    %get3A_294 = tpu.vector_load %arg11[%get3A_293] {strides = array<i32>} : memref<128xi32, #tpu.memory_space<vmem>>, vector<16xi32>,
    %get3A_295 = vector.shape_cast %get3A_294 : vector<16xi32> to vector<16xi32>
    %mul3A_296 = arith.constant 50176 : i32
    %mul3A_297 = vector.broadcast %mul3A_296 : i32 to vector<16xi32>
    %mul3A_298 = arith.muli %select_n3A_281, %mul3A_297 : vector<16xi32>
    %sub3A_299 = arith.subi %get3A_295, %mul3A_298 : vector<16xi32>
    %swap3A_300 = arith.constant 96 : index
    %swap3A_301 = tpu.vector_load %arg13[%swap3A_300] {strides = array<i32>} : memref<128xi32, #tpu.memory_space<vmem>>, vector<16xi32>,
    %swap3A_302 = vector.shape_cast %swap3A_301 : vector<16xi32> to vector<16xi32>
    %swap3A_303 = vector.shape_cast %sub3A_299 : vector<16xi32> to vector<16xi32>
    tpu.vector_store %arg13[%swap3A_300], %swap3A_303 {strides = array<i32>} : memref<128xi32, #tpu.memory_space<vmem>>, vector<16xi32>,
    %get3A_304 = arith.constant 112 : index
    %get3A_305 = tpu.vector_load %arg10[%get3A_304] {strides = array<i32>} : memref<128xi32, #tpu.memory_space<vmem>>, vector<16xi32>,
    %get3A_306 = vector.shape_cast %get3A_305 : vector<16xi32> to vector<16xi32>
    %ge3A_307 = arith.constant 50176 : i32
    %ge3A_308 = vector.broadcast %ge3A_307 : i32 to vector<16xi32>
    %ge3A_309 = arith.cmpi sge, %get3A_306, %ge3A_308 : vector<16xi32>
    %jit3A_310 = arith.constant 1 : i32
    %jit3A_311 = arith.constant 0 : i32
    %broadcast_in_dim3A_312 = vector.broadcast %jit3A_310 : i32 to vector<16xi32>
    %broadcast_in_dim3A_313 = vector.broadcast %jit3A_311 : i32 to vector<16xi32>
    %select_n3A_314 = arith.select %ge3A_309, %broadcast_in_dim3A_312, %broadcast_in_dim3A_313 : vector<16xi1>, vector<16xi32>
    %get3A_315 = arith.constant 112 : index
    %get3A_316 = tpu.vector_load %arg11[%get3A_315] {strides = array<i32>} : memref<128xi32, #tpu.memory_space<vmem>>, vector<16xi32>,
    %get3A_317 = vector.shape_cast %get3A_316 : vector<16xi32> to vector<16xi32>
    %ge3A_318 = arith.constant 50176 : i32
    %ge3A_319 = vector.broadcast %ge3A_318 : i32 to vector<16xi32>
    %ge3A_320 = arith.cmpi sge, %get3A_317, %ge3A_319 : vector<16xi32>
    %jit3A_321 = arith.constant 1 : i32
    %jit3A_322 = arith.constant 0 : i32
    %broadcast_in_dim3A_323 = vector.broadcast %jit3A_321 : i32 to vector<16xi32>
    %broadcast_in_dim3A_324 = vector.broadcast %jit3A_322 : i32 to vector<16xi32>
    %select_n3A_325 = arith.select %ge3A_320, %broadcast_in_dim3A_323, %broadcast_in_dim3A_324 : vector<16xi1>, vector<16xi32>
    %get3A_326 = arith.constant 112 : index
    %get3A_327 = tpu.vector_load %arg10[%get3A_326] {strides = array<i32>} : memref<128xi32, #tpu.memory_space<vmem>>, vector<16xi32>,
    %get3A_328 = vector.shape_cast %get3A_327 : vector<16xi32> to vector<16xi32>
    %mul3A_329 = arith.constant 50176 : i32
    %mul3A_330 = vector.broadcast %mul3A_329 : i32 to vector<16xi32>
    %mul3A_331 = arith.muli %select_n3A_314, %mul3A_330 : vector<16xi32>
    %sub3A_332 = arith.subi %get3A_328, %mul3A_331 : vector<16xi32>
    %swap3A_333 = arith.constant 112 : index
    %swap3A_334 = tpu.vector_load %arg12[%swap3A_333] {strides = array<i32>} : memref<128xi32, #tpu.memory_space<vmem>>, vector<16xi32>,
    %swap3A_335 = vector.shape_cast %swap3A_334 : vector<16xi32> to vector<16xi32>
    %swap3A_336 = vector.shape_cast %sub3A_332 : vector<16xi32> to vector<16xi32>
    tpu.vector_store %arg12[%swap3A_333], %swap3A_336 {strides = array<i32>} : memref<128xi32, #tpu.memory_space<vmem>>, vector<16xi32>,
    %get3A_337 = arith.constant 112 : index
    %get3A_338 = tpu.vector_load %arg11[%get3A_337] {strides = array<i32>} : memref<128xi32, #tpu.memory_space<vmem>>, vector<16xi32>,
    %get3A_339 = vector.shape_cast %get3A_338 : vector<16xi32> to vector<16xi32>
    %mul3A_340 = arith.constant 50176 : i32
    %mul3A_341 = vector.broadcast %mul3A_340 : i32 to vector<16xi32>
    %mul3A_342 = arith.muli %select_n3A_325, %mul3A_341 : vector<16xi32>
    %sub3A_343 = arith.subi %get3A_339, %mul3A_342 : vector<16xi32>
    %swap3A_344 = arith.constant 112 : index
    %swap3A_345 = tpu.vector_load %arg13[%swap3A_344] {strides = array<i32>} : memref<128xi32, #tpu.memory_space<vmem>>, vector<16xi32>,
    %swap3A_346 = vector.shape_cast %swap3A_345 : vector<16xi32> to vector<16xi32>
    %swap3A_347 = vector.shape_cast %sub3A_343 : vector<16xi32> to vector<16xi32>
    tpu.vector_store %arg13[%swap3A_344], %swap3A_347 {strides = array<i32>} : memref<128xi32, #tpu.memory_space<vmem>>, vector<16xi32>,
    %dma_start3A = arith.constant 0 : i32
    %dma_start3A_348 = arith.constant 0 : i32
    %dma_start3A_349 = tpu.memref_slice %arg2[%dma_start3A, %dma_start3A_348] : memref<50176x128xf32, #tpu.memory_space<hbm>> -> memref<50176x128xf32, #tpu.memory_space<hbm>>
    tpu.enqueue_indirect_dma source(%dma_start3A_349 : memref<50176x128xf32, #tpu.memory_space<hbm>>) target(%arg14 : memref<128x128xf32, #tpu.memory_space<vmem>>) offsets(%arg12 : memref<128xi32, #tpu.memory_space<vmem>>) semaphore(%arg20 : memref<!tpu.dma_semaphore, #tpu.memory_space<semaphore_mem>>)
    %dma_start3A_350 = arith.constant 0 : i32
    %dma_start3A_351 = arith.constant 0 : i32
    %dma_start3A_352 = tpu.memref_slice %arg3[%dma_start3A_350, %dma_start3A_351] : memref<50176x128xf32, #tpu.memory_space<hbm>> -> memref<50176x128xf32, #tpu.memory_space<hbm>>
    tpu.enqueue_indirect_dma source(%dma_start3A_352 : memref<50176x128xf32, #tpu.memory_space<hbm>>) target(%arg15 : memref<128x128xf32, #tpu.memory_space<vmem>>) offsets(%arg13 : memref<128xi32, #tpu.memory_space<vmem>>) semaphore(%arg21 : memref<!tpu.dma_semaphore, #tpu.memory_space<semaphore_mem>>)
    %dma_start3A_353 = arith.constant 0 : i32
    %dma_start3A_354 = tpu.memref_slice %arg4[%dma_start3A_353] : memref<100000xf32, #tpu.memory_space<hbm>> -> memref<100000xf32, #tpu.memory_space<hbm>>
    tpu.enqueue_indirect_dma source(%dma_start3A_354 : memref<100000xf32, #tpu.memory_space<hbm>>) target(%arg16 : memref<128xf32, #tpu.memory_space<vmem>>) offsets(%arg10 : memref<128xi32, #tpu.memory_space<vmem>>) semaphore(%arg22 : memref<!tpu.dma_semaphore, #tpu.memory_space<semaphore_mem>>)
    %dma_start3A_355 = arith.constant 0 : i32
    %dma_start3A_356 = tpu.memref_slice %arg5[%dma_start3A_355] : memref<100000xf32, #tpu.memory_space<hbm>> -> memref<100000xf32, #tpu.memory_space<hbm>>
    tpu.enqueue_indirect_dma source(%dma_start3A_356 : memref<100000xf32, #tpu.memory_space<hbm>>) target(%arg17 : memref<128xf32, #tpu.memory_space<vmem>>) offsets(%arg11 : memref<128xi32, #tpu.memory_space<vmem>>) semaphore(%arg23 : memref<!tpu.dma_semaphore, #tpu.memory_space<semaphore_mem>>)
    %dma_wait3A = arith.constant 0 : i32
    %dma_wait3A_357 = tpu.memref_slice %arg4[%dma_wait3A] : memref<100000xf32, #tpu.memory_space<hbm>> -> memref<100000xf32, #tpu.memory_space<hbm>>
    tpu.wait_indirect_dma semaphore(%arg22 : memref<!tpu.dma_semaphore, #tpu.memory_space<semaphore_mem>>) src(%dma_wait3A_357 : memref<100000xf32, #tpu.memory_space<hbm>>) dst(%arg16 : memref<128xf32, #tpu.memory_space<vmem>>)
    %dma_wait3A_358 = arith.constant 0 : i32
    %dma_wait3A_359 = tpu.memref_slice %arg5[%dma_wait3A_358] : memref<100000xf32, #tpu.memory_space<hbm>> -> memref<100000xf32, #tpu.memory_space<hbm>>
    tpu.wait_indirect_dma semaphore(%arg23 : memref<!tpu.dma_semaphore, #tpu.memory_space<semaphore_mem>>) src(%dma_wait3A_359 : memref<100000xf32, #tpu.memory_space<hbm>>) dst(%arg17 : memref<128xf32, #tpu.memory_space<vmem>>)
    %get3A_360 = arith.constant 0 : index
    %get3A_361 = tpu.vector_load %arg16[%get3A_360] {strides = array<i32>} : memref<128xf32, #tpu.memory_space<vmem>>, vector<16xf32>,
    %get3A_362 = vector.shape_cast %get3A_361 : vector<16xf32> to vector<16xf32>
    %get3A_363 = arith.constant 0 : index
    %get3A_364 = tpu.vector_load %arg17[%get3A_363] {strides = array<i32>} : memref<128xf32, #tpu.memory_space<vmem>>, vector<16xf32>,
    %get3A_365 = vector.shape_cast %get3A_364 : vector<16xf32> to vector<16xf32>
    %add3A_366 = arith.addf %get3A_362, %get3A_365 : vector<16xf32>
    %swap3A_367 = arith.constant 0 : index
    %swap3A_368 = tpu.vector_load %arg19[%swap3A_367] {strides = array<i32>} : memref<128xf32, #tpu.memory_space<vmem>>, vector<16xf32>,
    %swap3A_369 = vector.shape_cast %swap3A_368 : vector<16xf32> to vector<16xf32>
    %swap3A_370 = vector.shape_cast %add3A_366 : vector<16xf32> to vector<16xf32>
    tpu.vector_store %arg19[%swap3A_367], %swap3A_370 {strides = array<i32>} : memref<128xf32, #tpu.memory_space<vmem>>, vector<16xf32>,
    %get3A_371 = arith.constant 16 : index
    %get3A_372 = tpu.vector_load %arg16[%get3A_371] {strides = array<i32>} : memref<128xf32, #tpu.memory_space<vmem>>, vector<16xf32>,
    %get3A_373 = vector.shape_cast %get3A_372 : vector<16xf32> to vector<16xf32>
    %get3A_374 = arith.constant 16 : index
    %get3A_375 = tpu.vector_load %arg17[%get3A_374] {strides = array<i32>} : memref<128xf32, #tpu.memory_space<vmem>>, vector<16xf32>,
    %get3A_376 = vector.shape_cast %get3A_375 : vector<16xf32> to vector<16xf32>
    %add3A_377 = arith.addf %get3A_373, %get3A_376 : vector<16xf32>
    %swap3A_378 = arith.constant 16 : index
    %swap3A_379 = tpu.vector_load %arg19[%swap3A_378] {strides = array<i32>} : memref<128xf32, #tpu.memory_space<vmem>>, vector<16xf32>,
    %swap3A_380 = vector.shape_cast %swap3A_379 : vector<16xf32> to vector<16xf32>
    %swap3A_381 = vector.shape_cast %add3A_377 : vector<16xf32> to vector<16xf32>
    tpu.vector_store %arg19[%swap3A_378], %swap3A_381 {strides = array<i32>} : memref<128xf32, #tpu.memory_space<vmem>>, vector<16xf32>,
    %get3A_382 = arith.constant 32 : index
    %get3A_383 = tpu.vector_load %arg16[%get3A_382] {strides = array<i32>} : memref<128xf32, #tpu.memory_space<vmem>>, vector<16xf32>,
    %get3A_384 = vector.shape_cast %get3A_383 : vector<16xf32> to vector<16xf32>
    %get3A_385 = arith.constant 32 : index
    %get3A_386 = tpu.vector_load %arg17[%get3A_385] {strides = array<i32>} : memref<128xf32, #tpu.memory_space<vmem>>, vector<16xf32>,
    %get3A_387 = vector.shape_cast %get3A_386 : vector<16xf32> to vector<16xf32>
    %add3A_388 = arith.addf %get3A_384, %get3A_387 : vector<16xf32>
    %swap3A_389 = arith.constant 32 : index
    %swap3A_390 = tpu.vector_load %arg19[%swap3A_389] {strides = array<i32>} : memref<128xf32, #tpu.memory_space<vmem>>, vector<16xf32>,
    %swap3A_391 = vector.shape_cast %swap3A_390 : vector<16xf32> to vector<16xf32>
    %swap3A_392 = vector.shape_cast %add3A_388 : vector<16xf32> to vector<16xf32>
    tpu.vector_store %arg19[%swap3A_389], %swap3A_392 {strides = array<i32>} : memref<128xf32, #tpu.memory_space<vmem>>, vector<16xf32>,
    %get3A_393 = arith.constant 48 : index
    %get3A_394 = tpu.vector_load %arg16[%get3A_393] {strides = array<i32>} : memref<128xf32, #tpu.memory_space<vmem>>, vector<16xf32>,
    %get3A_395 = vector.shape_cast %get3A_394 : vector<16xf32> to vector<16xf32>
    %get3A_396 = arith.constant 48 : index
    %get3A_397 = tpu.vector_load %arg17[%get3A_396] {strides = array<i32>} : memref<128xf32, #tpu.memory_space<vmem>>, vector<16xf32>,
    %get3A_398 = vector.shape_cast %get3A_397 : vector<16xf32> to vector<16xf32>
    %add3A_399 = arith.addf %get3A_395, %get3A_398 : vector<16xf32>
    %swap3A_400 = arith.constant 48 : index
    %swap3A_401 = tpu.vector_load %arg19[%swap3A_400] {strides = array<i32>} : memref<128xf32, #tpu.memory_space<vmem>>, vector<16xf32>,
    %swap3A_402 = vector.shape_cast %swap3A_401 : vector<16xf32> to vector<16xf32>
    %swap3A_403 = vector.shape_cast %add3A_399 : vector<16xf32> to vector<16xf32>
    tpu.vector_store %arg19[%swap3A_400], %swap3A_403 {strides = array<i32>} : memref<128xf32, #tpu.memory_space<vmem>>, vector<16xf32>,
    %get3A_404 = arith.constant 64 : index
    %get3A_405 = tpu.vector_load %arg16[%get3A_404] {strides = array<i32>} : memref<128xf32, #tpu.memory_space<vmem>>, vector<16xf32>,
    %get3A_406 = vector.shape_cast %get3A_405 : vector<16xf32> to vector<16xf32>
    %get3A_407 = arith.constant 64 : index
    %get3A_408 = tpu.vector_load %arg17[%get3A_407] {strides = array<i32>} : memref<128xf32, #tpu.memory_space<vmem>>, vector<16xf32>,
    %get3A_409 = vector.shape_cast %get3A_408 : vector<16xf32> to vector<16xf32>
    %add3A_410 = arith.addf %get3A_406, %get3A_409 : vector<16xf32>
    %swap3A_411 = arith.constant 64 : index
    %swap3A_412 = tpu.vector_load %arg19[%swap3A_411] {strides = array<i32>} : memref<128xf32, #tpu.memory_space<vmem>>, vector<16xf32>,
    %swap3A_413 = vector.shape_cast %swap3A_412 : vector<16xf32> to vector<16xf32>
    %swap3A_414 = vector.shape_cast %add3A_410 : vector<16xf32> to vector<16xf32>
    tpu.vector_store %arg19[%swap3A_411], %swap3A_414 {strides = array<i32>} : memref<128xf32, #tpu.memory_space<vmem>>, vector<16xf32>,
    %get3A_415 = arith.constant 80 : index
    %get3A_416 = tpu.vector_load %arg16[%get3A_415] {strides = array<i32>} : memref<128xf32, #tpu.memory_space<vmem>>, vector<16xf32>,
    %get3A_417 = vector.shape_cast %get3A_416 : vector<16xf32> to vector<16xf32>
    %get3A_418 = arith.constant 80 : index
    %get3A_419 = tpu.vector_load %arg17[%get3A_418] {strides = array<i32>} : memref<128xf32, #tpu.memory_space<vmem>>, vector<16xf32>,
    %get3A_420 = vector.shape_cast %get3A_419 : vector<16xf32> to vector<16xf32>
    %add3A_421 = arith.addf %get3A_417, %get3A_420 : vector<16xf32>
    %swap3A_422 = arith.constant 80 : index
    %swap3A_423 = tpu.vector_load %arg19[%swap3A_422] {strides = array<i32>} : memref<128xf32, #tpu.memory_space<vmem>>, vector<16xf32>,
    %swap3A_424 = vector.shape_cast %swap3A_423 : vector<16xf32> to vector<16xf32>
    %swap3A_425 = vector.shape_cast %add3A_421 : vector<16xf32> to vector<16xf32>
    tpu.vector_store %arg19[%swap3A_422], %swap3A_425 {strides = array<i32>} : memref<128xf32, #tpu.memory_space<vmem>>, vector<16xf32>,
    %get3A_426 = arith.constant 96 : index
    %get3A_427 = tpu.vector_load %arg16[%get3A_426] {strides = array<i32>} : memref<128xf32, #tpu.memory_space<vmem>>, vector<16xf32>,
    %get3A_428 = vector.shape_cast %get3A_427 : vector<16xf32> to vector<16xf32>
    %get3A_429 = arith.constant 96 : index
    %get3A_430 = tpu.vector_load %arg17[%get3A_429] {strides = array<i32>} : memref<128xf32, #tpu.memory_space<vmem>>, vector<16xf32>,
    %get3A_431 = vector.shape_cast %get3A_430 : vector<16xf32> to vector<16xf32>
    %add3A_432 = arith.addf %get3A_428, %get3A_431 : vector<16xf32>
    %swap3A_433 = arith.constant 96 : index
    %swap3A_434 = tpu.vector_load %arg19[%swap3A_433] {strides = array<i32>} : memref<128xf32, #tpu.memory_space<vmem>>, vector<16xf32>,
    %swap3A_435 = vector.shape_cast %swap3A_434 : vector<16xf32> to vector<16xf32>
    %swap3A_436 = vector.shape_cast %add3A_432 : vector<16xf32> to vector<16xf32>
    tpu.vector_store %arg19[%swap3A_433], %swap3A_436 {strides = array<i32>} : memref<128xf32, #tpu.memory_space<vmem>>, vector<16xf32>,
    %get3A_437 = arith.constant 112 : index
    %get3A_438 = tpu.vector_load %arg16[%get3A_437] {strides = array<i32>} : memref<128xf32, #tpu.memory_space<vmem>>, vector<16xf32>,
    %get3A_439 = vector.shape_cast %get3A_438 : vector<16xf32> to vector<16xf32>
    %get3A_440 = arith.constant 112 : index
    %get3A_441 = tpu.vector_load %arg17[%get3A_440] {strides = array<i32>} : memref<128xf32, #tpu.memory_space<vmem>>, vector<16xf32>,
    %get3A_442 = vector.shape_cast %get3A_441 : vector<16xf32> to vector<16xf32>
    %add3A_443 = arith.addf %get3A_439, %get3A_442 : vector<16xf32>
    %swap3A_444 = arith.constant 112 : index
    %swap3A_445 = tpu.vector_load %arg19[%swap3A_444] {strides = array<i32>} : memref<128xf32, #tpu.memory_space<vmem>>, vector<16xf32>,
    %swap3A_446 = vector.shape_cast %swap3A_445 : vector<16xf32> to vector<16xf32>
    %swap3A_447 = vector.shape_cast %add3A_443 : vector<16xf32> to vector<16xf32>
    tpu.vector_store %arg19[%swap3A_444], %swap3A_447 {strides = array<i32>} : memref<128xf32, #tpu.memory_space<vmem>>, vector<16xf32>,
    %dma_wait3A_448 = arith.constant 0 : i32
    %dma_wait3A_449 = arith.constant 0 : i32
    %dma_wait3A_450 = tpu.memref_slice %arg2[%dma_wait3A_448, %dma_wait3A_449] : memref<50176x128xf32, #tpu.memory_space<hbm>> -> memref<50176x128xf32, #tpu.memory_space<hbm>>
    tpu.wait_indirect_dma semaphore(%arg20 : memref<!tpu.dma_semaphore, #tpu.memory_space<semaphore_mem>>) src(%dma_wait3A_450 : memref<50176x128xf32, #tpu.memory_space<hbm>>) dst(%arg14 : memref<128x128xf32, #tpu.memory_space<vmem>>)
    %dma_wait3A_451 = arith.constant 0 : i32
    %dma_wait3A_452 = arith.constant 0 : i32
    %dma_wait3A_453 = tpu.memref_slice %arg3[%dma_wait3A_451, %dma_wait3A_452] : memref<50176x128xf32, #tpu.memory_space<hbm>> -> memref<50176x128xf32, #tpu.memory_space<hbm>>
    tpu.wait_indirect_dma semaphore(%arg21 : memref<!tpu.dma_semaphore, #tpu.memory_space<semaphore_mem>>) src(%dma_wait3A_453 : memref<50176x128xf32, #tpu.memory_space<hbm>>) dst(%arg15 : memref<128x128xf32, #tpu.memory_space<vmem>>)
    %iota3A = tpu.iota {dimensions = array<i32: 0>} : vector<16xi32>
    %scan3A = arith.constant 0 : i32
    %scan3A_454 = arith.constant 0 : i32
    %scan3A_455 = arith.constant 8 : i32
    %scan3A_456 = arith.addi %scan3A_454, %scan3A_455 : i32
    %scan3A_457 = arith.constant 1 : i32
    scf.for %scan3A_459 = %scan3A_454 to %scan3A_456 step %scan3A_457  : i32 {
      %broadcast_in_dim3A_460 = arith.constant 0.000000e+00 : f32
      %broadcast_in_dim3A_461 = vector.broadcast %broadcast_in_dim3A_460 : f32 to vector<16xf32>
      %mul3A_462 = arith.constant 16 : i32
      %mul3A_463 = arith.muli %scan3A_459, %mul3A_462 : i32
      %get3A_464 = arith.index_cast %mul3A_463 : i32 to index
      %get3A_465 = tpu.vector_load %arg10[%get3A_464] {strides = array<i32>} : memref<128xi32, #tpu.memory_space<vmem>>, vector<16xi32>,
      %get3A_466 = vector.shape_cast %get3A_465 : vector<16xi32> to vector<16xi32>
      %ge3A_467 = arith.constant 50176 : i32
      %ge3A_468 = vector.broadcast %ge3A_467 : i32 to vector<16xi32>
      %ge3A_469 = arith.cmpi sge, %get3A_466, %ge3A_468 : vector<16xi32>
      %jit3A_470 = arith.constant 64 : i32
      %jit3A_471 = arith.constant 0 : i32
      %broadcast_in_dim3A_472 = vector.broadcast %jit3A_470 : i32 to vector<16xi32>
      %broadcast_in_dim3A_473 = vector.broadcast %jit3A_471 : i32 to vector<16xi32>
      %select_n3A_474 = arith.select %ge3A_469, %broadcast_in_dim3A_472, %broadcast_in_dim3A_473 : vector<16xi1>, vector<16xi32>
      %mul3A_475 = arith.constant 16 : i32
      %mul3A_476 = arith.muli %scan3A_459, %mul3A_475 : i32
      %get3A_477 = arith.index_cast %mul3A_476 : i32 to index
      %get3A_478 = tpu.vector_load %arg11[%get3A_477] {strides = array<i32>} : memref<128xi32, #tpu.memory_space<vmem>>, vector<16xi32>,
      %get3A_479 = vector.shape_cast %get3A_478 : vector<16xi32> to vector<16xi32>
      %ge3A_480 = arith.constant 50176 : i32
      %ge3A_481 = vector.broadcast %ge3A_480 : i32 to vector<16xi32>
      %ge3A_482 = arith.cmpi sge, %get3A_479, %ge3A_481 : vector<16xi32>
      %jit3A_483 = arith.constant 64 : i32
      %jit3A_484 = arith.constant 0 : i32
      %broadcast_in_dim3A_485 = vector.broadcast %jit3A_483 : i32 to vector<16xi32>
      %broadcast_in_dim3A_486 = vector.broadcast %jit3A_484 : i32 to vector<16xi32>
      %select_n3A_487 = arith.select %ge3A_482, %broadcast_in_dim3A_485, %broadcast_in_dim3A_486 : vector<16xi1>, vector<16xi32>
      %mul3A_488 = arith.constant 16 : i32
      %mul3A_489 = arith.muli %scan3A_459, %mul3A_488 : i32
      %add3A_490 = arith.constant 0 : i32
      %add3A_491 = arith.addi %mul3A_489, %add3A_490 : i32
      %slice3A = vector.extract_strided_slice %select_n3A_474 {offsets = [0], sizes = [1], strides = [1]} : vector<16xi32> to vector<1xi32>
      %squeeze3A = vector.extract %slice3A[0] : i32 from vector<1xi32>
      %slice3A_492 = vector.extract_strided_slice %select_n3A_487 {offsets = [0], sizes = [1], strides = [1]} : vector<16xi32> to vector<1xi32>
      %squeeze3A_493 = vector.extract %slice3A_492[0] : i32 from vector<1xi32>
      %get3A_494 = arith.index_cast %add3A_491 : i32 to index
      %get3A_495 = arith.index_cast %squeeze3A : i32 to index
      %get3A_496 = tpu.vector_load %arg14[%get3A_494, %get3A_495] {strides = array<i32>} : memref<128x128xf32, #tpu.memory_space<vmem>>, vector<1x16xf32>,
      %get3A_497 = vector.shape_cast %get3A_496 : vector<1x16xf32> to vector<16xf32>
      %get3A_498 = arith.index_cast %add3A_491 : i32 to index
      %get3A_499 = arith.index_cast %squeeze3A_493 : i32 to index
      %get3A_500 = tpu.vector_load %arg15[%get3A_498, %get3A_499] {strides = array<i32>} : memref<128x128xf32, #tpu.memory_space<vmem>>, vector<1x16xf32>,
      %get3A_501 = vector.shape_cast %get3A_500 : vector<1x16xf32> to vector<16xf32>
      %mul3A_502 = arith.mulf %get3A_497, %get3A_501 : vector<16xf32>
      %add3A_503 = arith.constant 16 : i32
      %add3A_504 = arith.addi %squeeze3A, %add3A_503 : i32
      %get3A_505 = arith.index_cast %add3A_491 : i32 to index
      %get3A_506 = arith.index_cast %add3A_504 : i32 to index
      %get3A_507 = tpu.vector_load %arg14[%get3A_505, %get3A_506] {strides = array<i32>} : memref<128x128xf32, #tpu.memory_space<vmem>>, vector<1x16xf32>,
      %get3A_508 = vector.shape_cast %get3A_507 : vector<1x16xf32> to vector<16xf32>
      %add3A_509 = arith.constant 16 : i32
      %add3A_510 = arith.addi %squeeze3A_493, %add3A_509 : i32
      %get3A_511 = arith.index_cast %add3A_491 : i32 to index
      %get3A_512 = arith.index_cast %add3A_510 : i32 to index
      %get3A_513 = tpu.vector_load %arg15[%get3A_511, %get3A_512] {strides = array<i32>} : memref<128x128xf32, #tpu.memory_space<vmem>>, vector<1x16xf32>,
      %get3A_514 = vector.shape_cast %get3A_513 : vector<1x16xf32> to vector<16xf32>
      %mul3A_515 = arith.mulf %get3A_508, %get3A_514 : vector<16xf32>
      %add3A_516 = arith.addf %mul3A_502, %mul3A_515 : vector<16xf32>
      %add3A_517 = arith.constant 32 : i32
      %add3A_518 = arith.addi %squeeze3A, %add3A_517 : i32
      %get3A_519 = arith.index_cast %add3A_491 : i32 to index
      %get3A_520 = arith.index_cast %add3A_518 : i32 to index
      %get3A_521 = tpu.vector_load %arg14[%get3A_519, %get3A_520] {strides = array<i32>} : memref<128x128xf32, #tpu.memory_space<vmem>>, vector<1x16xf32>,
      %get3A_522 = vector.shape_cast %get3A_521 : vector<1x16xf32> to vector<16xf32>
      %add3A_523 = arith.constant 32 : i32
      %add3A_524 = arith.addi %squeeze3A_493, %add3A_523 : i32
      %get3A_525 = arith.index_cast %add3A_491 : i32 to index
      %get3A_526 = arith.index_cast %add3A_524 : i32 to index
      %get3A_527 = tpu.vector_load %arg15[%get3A_525, %get3A_526] {strides = array<i32>} : memref<128x128xf32, #tpu.memory_space<vmem>>, vector<1x16xf32>,
      %get3A_528 = vector.shape_cast %get3A_527 : vector<1x16xf32> to vector<16xf32>
      %mul3A_529 = arith.mulf %get3A_522, %get3A_528 : vector<16xf32>
      %add3A_530 = arith.addf %add3A_516, %mul3A_529 : vector<16xf32>
      %add3A_531 = arith.constant 48 : i32
      %add3A_532 = arith.addi %squeeze3A, %add3A_531 : i32
      %get3A_533 = arith.index_cast %add3A_491 : i32 to index
      %get3A_534 = arith.index_cast %add3A_532 : i32 to index
      %get3A_535 = tpu.vector_load %arg14[%get3A_533, %get3A_534] {strides = array<i32>} : memref<128x128xf32, #tpu.memory_space<vmem>>, vector<1x16xf32>,
      %get3A_536 = vector.shape_cast %get3A_535 : vector<1x16xf32> to vector<16xf32>
      %add3A_537 = arith.constant 48 : i32
      %add3A_538 = arith.addi %squeeze3A_493, %add3A_537 : i32
      %get3A_539 = arith.index_cast %add3A_491 : i32 to index
      %get3A_540 = arith.index_cast %add3A_538 : i32 to index
      %get3A_541 = tpu.vector_load %arg15[%get3A_539, %get3A_540] {strides = array<i32>} : memref<128x128xf32, #tpu.memory_space<vmem>>, vector<1x16xf32>,
      %get3A_542 = vector.shape_cast %get3A_541 : vector<1x16xf32> to vector<16xf32>
      %mul3A_543 = arith.mulf %get3A_536, %get3A_542 : vector<16xf32>
      %add3A_544 = arith.addf %add3A_530, %mul3A_543 : vector<16xf32>
      %xor3A = arith.constant 8 : i32
      %xor3A_545 = vector.broadcast %xor3A : i32 to vector<16xi32>
      %xor3A_546 = arith.xori %iota3A, %xor3A_545 : vector<16xi32>
      %reshape3A = vector.shape_cast %xor3A_546 : vector<16xi32> to vector<16x1xi32>
      %gather3A = vector.shape_cast %reshape3A : vector<16x1xi32> to vector<16xi32>
      %gather3A_547 = tpu.dynamic_gather %add3A_544[%gather3A] in [0] : vector<16xf32>, vector<16xi32> -> vector<16xf32>
      %add3A_548 = arith.addf %add3A_544, %gather3A_547 : vector<16xf32>
      %xor3A_549 = arith.constant 4 : i32
      %xor3A_550 = vector.broadcast %xor3A_549 : i32 to vector<16xi32>
      %xor3A_551 = arith.xori %iota3A, %xor3A_550 : vector<16xi32>
      %reshape3A_552 = vector.shape_cast %xor3A_551 : vector<16xi32> to vector<16x1xi32>
      %gather3A_553 = vector.shape_cast %reshape3A_552 : vector<16x1xi32> to vector<16xi32>
      %gather3A_554 = tpu.dynamic_gather %add3A_548[%gather3A_553] in [0] : vector<16xf32>, vector<16xi32> -> vector<16xf32>
      %add3A_555 = arith.addf %add3A_548, %gather3A_554 : vector<16xf32>
      %xor3A_556 = arith.constant 2 : i32
      %xor3A_557 = vector.broadcast %xor3A_556 : i32 to vector<16xi32>
      %xor3A_558 = arith.xori %iota3A, %xor3A_557 : vector<16xi32>
      %reshape3A_559 = vector.shape_cast %xor3A_558 : vector<16xi32> to vector<16x1xi32>
      %gather3A_560 = vector.shape_cast %reshape3A_559 : vector<16x1xi32> to vector<16xi32>
      %gather3A_561 = tpu.dynamic_gather %add3A_555[%gather3A_560] in [0] : vector<16xf32>, vector<16xi32> -> vector<16xf32>
      %add3A_562 = arith.addf %add3A_555, %gather3A_561 : vector<16xf32>
      %xor3A_563 = arith.constant 1 : i32
      %xor3A_564 = vector.broadcast %xor3A_563 : i32 to vector<16xi32>
      %xor3A_565 = arith.xori %iota3A, %xor3A_564 : vector<16xi32>
      %reshape3A_566 = vector.shape_cast %xor3A_565 : vector<16xi32> to vector<16x1xi32>
      %gather3A_567 = vector.shape_cast %reshape3A_566 : vector<16x1xi32> to vector<16xi32>
      %gather3A_568 = tpu.dynamic_gather %add3A_562[%gather3A_567] in [0] : vector<16xf32>, vector<16xi32> -> vector<16xf32>
      %add3A_569 = arith.addf %add3A_562, %gather3A_568 : vector<16xf32>
      %eq3A = arith.constant 0 : i32
      %eq3A_570 = vector.broadcast %eq3A : i32 to vector<16xi32>
      %eq3A_571 = arith.cmpi eq, %iota3A, %eq3A_570 : vector<16xi32>
      %select_n3A_572 = arith.select %eq3A_571, %add3A_569, %broadcast_in_dim3A_461 : vector<16xi1>, vector<16xf32>
      %mul3A_573 = arith.constant 16 : i32
      %mul3A_574 = arith.muli %scan3A_459, %mul3A_573 : i32
      %add3A_575 = arith.constant 1 : i32
      %add3A_576 = arith.addi %mul3A_574, %add3A_575 : i32
      %slice3A_577 = vector.extract_strided_slice %select_n3A_474 {offsets = [1], sizes = [1], strides = [1]} : vector<16xi32> to vector<1xi32>
      %squeeze3A_578 = vector.extract %slice3A_577[0] : i32 from vector<1xi32>
      %slice3A_579 = vector.extract_strided_slice %select_n3A_487 {offsets = [1], sizes = [1], strides = [1]} : vector<16xi32> to vector<1xi32>
      %squeeze3A_580 = vector.extract %slice3A_579[0] : i32 from vector<1xi32>
      %get3A_581 = arith.index_cast %add3A_576 : i32 to index
      %get3A_582 = arith.index_cast %squeeze3A_578 : i32 to index
      %get3A_583 = tpu.vector_load %arg14[%get3A_581, %get3A_582] {strides = array<i32>} : memref<128x128xf32, #tpu.memory_space<vmem>>, vector<1x16xf32>,
      %get3A_584 = vector.shape_cast %get3A_583 : vector<1x16xf32> to vector<16xf32>
      %get3A_585 = arith.index_cast %add3A_576 : i32 to index
      %get3A_586 = arith.index_cast %squeeze3A_580 : i32 to index
      %get3A_587 = tpu.vector_load %arg15[%get3A_585, %get3A_586] {strides = array<i32>} : memref<128x128xf32, #tpu.memory_space<vmem>>, vector<1x16xf32>,
      %get3A_588 = vector.shape_cast %get3A_587 : vector<1x16xf32> to vector<16xf32>
      %mul3A_589 = arith.mulf %get3A_584, %get3A_588 : vector<16xf32>
      %add3A_590 = arith.constant 16 : i32
      %add3A_591 = arith.addi %squeeze3A_578, %add3A_590 : i32
      %get3A_592 = arith.index_cast %add3A_576 : i32 to index
      %get3A_593 = arith.index_cast %add3A_591 : i32 to index
      %get3A_594 = tpu.vector_load %arg14[%get3A_592, %get3A_593] {strides = array<i32>} : memref<128x128xf32, #tpu.memory_space<vmem>>, vector<1x16xf32>,
      %get3A_595 = vector.shape_cast %get3A_594 : vector<1x16xf32> to vector<16xf32>
      %add3A_596 = arith.constant 16 : i32
      %add3A_597 = arith.addi %squeeze3A_580, %add3A_596 : i32
      %get3A_598 = arith.index_cast %add3A_576 : i32 to index
      %get3A_599 = arith.index_cast %add3A_597 : i32 to index
      %get3A_600 = tpu.vector_load %arg15[%get3A_598, %get3A_599] {strides = array<i32>} : memref<128x128xf32, #tpu.memory_space<vmem>>, vector<1x16xf32>,
      %get3A_601 = vector.shape_cast %get3A_600 : vector<1x16xf32> to vector<16xf32>
      %mul3A_602 = arith.mulf %get3A_595, %get3A_601 : vector<16xf32>
      %add3A_603 = arith.addf %mul3A_589, %mul3A_602 : vector<16xf32>
      %add3A_604 = arith.constant 32 : i32
      %add3A_605 = arith.addi %squeeze3A_578, %add3A_604 : i32
      %get3A_606 = arith.index_cast %add3A_576 : i32 to index
      %get3A_607 = arith.index_cast %add3A_605 : i32 to index
      %get3A_608 = tpu.vector_load %arg14[%get3A_606, %get3A_607] {strides = array<i32>} : memref<128x128xf32, #tpu.memory_space<vmem>>, vector<1x16xf32>,
      %get3A_609 = vector.shape_cast %get3A_608 : vector<1x16xf32> to vector<16xf32>
      %add3A_610 = arith.constant 32 : i32
      %add3A_611 = arith.addi %squeeze3A_580, %add3A_610 : i32
      %get3A_612 = arith.index_cast %add3A_576 : i32 to index
      %get3A_613 = arith.index_cast %add3A_611 : i32 to index
      %get3A_614 = tpu.vector_load %arg15[%get3A_612, %get3A_613] {strides = array<i32>} : memref<128x128xf32, #tpu.memory_space<vmem>>, vector<1x16xf32>,
      %get3A_615 = vector.shape_cast %get3A_614 : vector<1x16xf32> to vector<16xf32>
      %mul3A_616 = arith.mulf %get3A_609, %get3A_615 : vector<16xf32>
      %add3A_617 = arith.addf %add3A_603, %mul3A_616 : vector<16xf32>
      %add3A_618 = arith.constant 48 : i32
      %add3A_619 = arith.addi %squeeze3A_578, %add3A_618 : i32
      %get3A_620 = arith.index_cast %add3A_576 : i32 to index
      %get3A_621 = arith.index_cast %add3A_619 : i32 to index
      %get3A_622 = tpu.vector_load %arg14[%get3A_620, %get3A_621] {strides = array<i32>} : memref<128x128xf32, #tpu.memory_space<vmem>>, vector<1x16xf32>,
      %get3A_623 = vector.shape_cast %get3A_622 : vector<1x16xf32> to vector<16xf32>
      %add3A_624 = arith.constant 48 : i32
      %add3A_625 = arith.addi %squeeze3A_580, %add3A_624 : i32
      %get3A_626 = arith.index_cast %add3A_576 : i32 to index
      %get3A_627 = arith.index_cast %add3A_625 : i32 to index
      %get3A_628 = tpu.vector_load %arg15[%get3A_626, %get3A_627] {strides = array<i32>} : memref<128x128xf32, #tpu.memory_space<vmem>>, vector<1x16xf32>,
      %get3A_629 = vector.shape_cast %get3A_628 : vector<1x16xf32> to vector<16xf32>
      %mul3A_630 = arith.mulf %get3A_623, %get3A_629 : vector<16xf32>
      %add3A_631 = arith.addf %add3A_617, %mul3A_630 : vector<16xf32>
      %xor3A_632 = arith.constant 8 : i32
      %xor3A_633 = vector.broadcast %xor3A_632 : i32 to vector<16xi32>
      %xor3A_634 = arith.xori %iota3A, %xor3A_633 : vector<16xi32>
      %reshape3A_635 = vector.shape_cast %xor3A_634 : vector<16xi32> to vector<16x1xi32>
      %gather3A_636 = vector.shape_cast %reshape3A_635 : vector<16x1xi32> to vector<16xi32>
      %gather3A_637 = tpu.dynamic_gather %add3A_631[%gather3A_636] in [0] : vector<16xf32>, vector<16xi32> -> vector<16xf32>
      %add3A_638 = arith.addf %add3A_631, %gather3A_637 : vector<16xf32>
      %xor3A_639 = arith.constant 4 : i32
      %xor3A_640 = vector.broadcast %xor3A_639 : i32 to vector<16xi32>
      %xor3A_641 = arith.xori %iota3A, %xor3A_640 : vector<16xi32>
      %reshape3A_642 = vector.shape_cast %xor3A_641 : vector<16xi32> to vector<16x1xi32>
      %gather3A_643 = vector.shape_cast %reshape3A_642 : vector<16x1xi32> to vector<16xi32>
      %gather3A_644 = tpu.dynamic_gather %add3A_638[%gather3A_643] in [0] : vector<16xf32>, vector<16xi32> -> vector<16xf32>
      %add3A_645 = arith.addf %add3A_638, %gather3A_644 : vector<16xf32>
      %xor3A_646 = arith.constant 2 : i32
      %xor3A_647 = vector.broadcast %xor3A_646 : i32 to vector<16xi32>
      %xor3A_648 = arith.xori %iota3A, %xor3A_647 : vector<16xi32>
      %reshape3A_649 = vector.shape_cast %xor3A_648 : vector<16xi32> to vector<16x1xi32>
      %gather3A_650 = vector.shape_cast %reshape3A_649 : vector<16x1xi32> to vector<16xi32>
      %gather3A_651 = tpu.dynamic_gather %add3A_645[%gather3A_650] in [0] : vector<16xf32>, vector<16xi32> -> vector<16xf32>
      %add3A_652 = arith.addf %add3A_645, %gather3A_651 : vector<16xf32>
      %xor3A_653 = arith.constant 1 : i32
      %xor3A_654 = vector.broadcast %xor3A_653 : i32 to vector<16xi32>
      %xor3A_655 = arith.xori %iota3A, %xor3A_654 : vector<16xi32>
      %reshape3A_656 = vector.shape_cast %xor3A_655 : vector<16xi32> to vector<16x1xi32>
      %gather3A_657 = vector.shape_cast %reshape3A_656 : vector<16x1xi32> to vector<16xi32>
      %gather3A_658 = tpu.dynamic_gather %add3A_652[%gather3A_657] in [0] : vector<16xf32>, vector<16xi32> -> vector<16xf32>
      %add3A_659 = arith.addf %add3A_652, %gather3A_658 : vector<16xf32>
      %eq3A_660 = arith.constant 1 : i32
      %eq3A_661 = vector.broadcast %eq3A_660 : i32 to vector<16xi32>
      %eq3A_662 = arith.cmpi eq, %iota3A, %eq3A_661 : vector<16xi32>
      %select_n3A_663 = arith.select %eq3A_662, %add3A_659, %select_n3A_572 : vector<16xi1>, vector<16xf32>
      %mul3A_664 = arith.constant 16 : i32
      %mul3A_665 = arith.muli %scan3A_459, %mul3A_664 : i32
      %add3A_666 = arith.constant 2 : i32
      %add3A_667 = arith.addi %mul3A_665, %add3A_666 : i32
      %slice3A_668 = vector.extract_strided_slice %select_n3A_474 {offsets = [2], sizes = [1], strides = [1]} : vector<16xi32> to vector<1xi32>
      %squeeze3A_669 = vector.extract %slice3A_668[0] : i32 from vector<1xi32>
      %slice3A_670 = vector.extract_strided_slice %select_n3A_487 {offsets = [2], sizes = [1], strides = [1]} : vector<16xi32> to vector<1xi32>
      %squeeze3A_671 = vector.extract %slice3A_670[0] : i32 from vector<1xi32>
      %get3A_672 = arith.index_cast %add3A_667 : i32 to index
      %get3A_673 = arith.index_cast %squeeze3A_669 : i32 to index
      %get3A_674 = tpu.vector_load %arg14[%get3A_672, %get3A_673] {strides = array<i32>} : memref<128x128xf32, #tpu.memory_space<vmem>>, vector<1x16xf32>,
      %get3A_675 = vector.shape_cast %get3A_674 : vector<1x16xf32> to vector<16xf32>
      %get3A_676 = arith.index_cast %add3A_667 : i32 to index
      %get3A_677 = arith.index_cast %squeeze3A_671 : i32 to index
      %get3A_678 = tpu.vector_load %arg15[%get3A_676, %get3A_677] {strides = array<i32>} : memref<128x128xf32, #tpu.memory_space<vmem>>, vector<1x16xf32>,
      %get3A_679 = vector.shape_cast %get3A_678 : vector<1x16xf32> to vector<16xf32>
      %mul3A_680 = arith.mulf %get3A_675, %get3A_679 : vector<16xf32>
      %add3A_681 = arith.constant 16 : i32
      %add3A_682 = arith.addi %squeeze3A_669, %add3A_681 : i32
      %get3A_683 = arith.index_cast %add3A_667 : i32 to index
      %get3A_684 = arith.index_cast %add3A_682 : i32 to index
      %get3A_685 = tpu.vector_load %arg14[%get3A_683, %get3A_684] {strides = array<i32>} : memref<128x128xf32, #tpu.memory_space<vmem>>, vector<1x16xf32>,
      %get3A_686 = vector.shape_cast %get3A_685 : vector<1x16xf32> to vector<16xf32>
      %add3A_687 = arith.constant 16 : i32
      %add3A_688 = arith.addi %squeeze3A_671, %add3A_687 : i32
      %get3A_689 = arith.index_cast %add3A_667 : i32 to index
      %get3A_690 = arith.index_cast %add3A_688 : i32 to index
      %get3A_691 = tpu.vector_load %arg15[%get3A_689, %get3A_690] {strides = array<i32>} : memref<128x128xf32, #tpu.memory_space<vmem>>, vector<1x16xf32>,
      %get3A_692 = vector.shape_cast %get3A_691 : vector<1x16xf32> to vector<16xf32>
      %mul3A_693 = arith.mulf %get3A_686, %get3A_692 : vector<16xf32>
      %add3A_694 = arith.addf %mul3A_680, %mul3A_693 : vector<16xf32>
      %add3A_695 = arith.constant 32 : i32
      %add3A_696 = arith.addi %squeeze3A_669, %add3A_695 : i32
      %get3A_697 = arith.index_cast %add3A_667 : i32 to index
      %get3A_698 = arith.index_cast %add3A_696 : i32 to index
      %get3A_699 = tpu.vector_load %arg14[%get3A_697, %get3A_698] {strides = array<i32>} : memref<128x128xf32, #tpu.memory_space<vmem>>, vector<1x16xf32>,
      %get3A_700 = vector.shape_cast %get3A_699 : vector<1x16xf32> to vector<16xf32>
      %add3A_701 = arith.constant 32 : i32
      %add3A_702 = arith.addi %squeeze3A_671, %add3A_701 : i32
      %get3A_703 = arith.index_cast %add3A_667 : i32 to index
      %get3A_704 = arith.index_cast %add3A_702 : i32 to index
      %get3A_705 = tpu.vector_load %arg15[%get3A_703, %get3A_704] {strides = array<i32>} : memref<128x128xf32, #tpu.memory_space<vmem>>, vector<1x16xf32>,
      %get3A_706 = vector.shape_cast %get3A_705 : vector<1x16xf32> to vector<16xf32>
      %mul3A_707 = arith.mulf %get3A_700, %get3A_706 : vector<16xf32>
      %add3A_708 = arith.addf %add3A_694, %mul3A_707 : vector<16xf32>
      %add3A_709 = arith.constant 48 : i32
      %add3A_710 = arith.addi %squeeze3A_669, %add3A_709 : i32
      %get3A_711 = arith.index_cast %add3A_667 : i32 to index
      %get3A_712 = arith.index_cast %add3A_710 : i32 to index
      %get3A_713 = tpu.vector_load %arg14[%get3A_711, %get3A_712] {strides = array<i32>} : memref<128x128xf32, #tpu.memory_space<vmem>>, vector<1x16xf32>,
      %get3A_714 = vector.shape_cast %get3A_713 : vector<1x16xf32> to vector<16xf32>
      %add3A_715 = arith.constant 48 : i32
      %add3A_716 = arith.addi %squeeze3A_671, %add3A_715 : i32
      %get3A_717 = arith.index_cast %add3A_667 : i32 to index
      %get3A_718 = arith.index_cast %add3A_716 : i32 to index
      %get3A_719 = tpu.vector_load %arg15[%get3A_717, %get3A_718] {strides = array<i32>} : memref<128x128xf32, #tpu.memory_space<vmem>>, vector<1x16xf32>,
      %get3A_720 = vector.shape_cast %get3A_719 : vector<1x16xf32> to vector<16xf32>
      %mul3A_721 = arith.mulf %get3A_714, %get3A_720 : vector<16xf32>
      %add3A_722 = arith.addf %add3A_708, %mul3A_721 : vector<16xf32>
      %xor3A_723 = arith.constant 8 : i32
      %xor3A_724 = vector.broadcast %xor3A_723 : i32 to vector<16xi32>
      %xor3A_725 = arith.xori %iota3A, %xor3A_724 : vector<16xi32>
      %reshape3A_726 = vector.shape_cast %xor3A_725 : vector<16xi32> to vector<16x1xi32>
      %gather3A_727 = vector.shape_cast %reshape3A_726 : vector<16x1xi32> to vector<16xi32>
      %gather3A_728 = tpu.dynamic_gather %add3A_722[%gather3A_727] in [0] : vector<16xf32>, vector<16xi32> -> vector<16xf32>
      %add3A_729 = arith.addf %add3A_722, %gather3A_728 : vector<16xf32>
      %xor3A_730 = arith.constant 4 : i32
      %xor3A_731 = vector.broadcast %xor3A_730 : i32 to vector<16xi32>
      %xor3A_732 = arith.xori %iota3A, %xor3A_731 : vector<16xi32>
      %reshape3A_733 = vector.shape_cast %xor3A_732 : vector<16xi32> to vector<16x1xi32>
      %gather3A_734 = vector.shape_cast %reshape3A_733 : vector<16x1xi32> to vector<16xi32>
      %gather3A_735 = tpu.dynamic_gather %add3A_729[%gather3A_734] in [0] : vector<16xf32>, vector<16xi32> -> vector<16xf32>
      %add3A_736 = arith.addf %add3A_729, %gather3A_735 : vector<16xf32>
      %xor3A_737 = arith.constant 2 : i32
      %xor3A_738 = vector.broadcast %xor3A_737 : i32 to vector<16xi32>
      %xor3A_739 = arith.xori %iota3A, %xor3A_738 : vector<16xi32>
      %reshape3A_740 = vector.shape_cast %xor3A_739 : vector<16xi32> to vector<16x1xi32>
      %gather3A_741 = vector.shape_cast %reshape3A_740 : vector<16x1xi32> to vector<16xi32>
      %gather3A_742 = tpu.dynamic_gather %add3A_736[%gather3A_741] in [0] : vector<16xf32>, vector<16xi32> -> vector<16xf32>
      %add3A_743 = arith.addf %add3A_736, %gather3A_742 : vector<16xf32>
      %xor3A_744 = arith.constant 1 : i32
      %xor3A_745 = vector.broadcast %xor3A_744 : i32 to vector<16xi32>
      %xor3A_746 = arith.xori %iota3A, %xor3A_745 : vector<16xi32>
      %reshape3A_747 = vector.shape_cast %xor3A_746 : vector<16xi32> to vector<16x1xi32>
      %gather3A_748 = vector.shape_cast %reshape3A_747 : vector<16x1xi32> to vector<16xi32>
      %gather3A_749 = tpu.dynamic_gather %add3A_743[%gather3A_748] in [0] : vector<16xf32>, vector<16xi32> -> vector<16xf32>
      %add3A_750 = arith.addf %add3A_743, %gather3A_749 : vector<16xf32>
      %eq3A_751 = arith.constant 2 : i32
      %eq3A_752 = vector.broadcast %eq3A_751 : i32 to vector<16xi32>
      %eq3A_753 = arith.cmpi eq, %iota3A, %eq3A_752 : vector<16xi32>
      %select_n3A_754 = arith.select %eq3A_753, %add3A_750, %select_n3A_663 : vector<16xi1>, vector<16xf32>
      %mul3A_755 = arith.constant 16 : i32
      %mul3A_756 = arith.muli %scan3A_459, %mul3A_755 : i32
      %add3A_757 = arith.constant 3 : i32
      %add3A_758 = arith.addi %mul3A_756, %add3A_757 : i32
      %slice3A_759 = vector.extract_strided_slice %select_n3A_474 {offsets = [3], sizes = [1], strides = [1]} : vector<16xi32> to vector<1xi32>
      %squeeze3A_760 = vector.extract %slice3A_759[0] : i32 from vector<1xi32>
      %slice3A_761 = vector.extract_strided_slice %select_n3A_487 {offsets = [3], sizes = [1], strides = [1]} : vector<16xi32> to vector<1xi32>
      %squeeze3A_762 = vector.extract %slice3A_761[0] : i32 from vector<1xi32>
      %get3A_763 = arith.index_cast %add3A_758 : i32 to index
      %get3A_764 = arith.index_cast %squeeze3A_760 : i32 to index
      %get3A_765 = tpu.vector_load %arg14[%get3A_763, %get3A_764] {strides = array<i32>} : memref<128x128xf32, #tpu.memory_space<vmem>>, vector<1x16xf32>,
      %get3A_766 = vector.shape_cast %get3A_765 : vector<1x16xf32> to vector<16xf32>
      %get3A_767 = arith.index_cast %add3A_758 : i32 to index
      %get3A_768 = arith.index_cast %squeeze3A_762 : i32 to index
      %get3A_769 = tpu.vector_load %arg15[%get3A_767, %get3A_768] {strides = array<i32>} : memref<128x128xf32, #tpu.memory_space<vmem>>, vector<1x16xf32>,
      %get3A_770 = vector.shape_cast %get3A_769 : vector<1x16xf32> to vector<16xf32>
      %mul3A_771 = arith.mulf %get3A_766, %get3A_770 : vector<16xf32>
      %add3A_772 = arith.constant 16 : i32
      %add3A_773 = arith.addi %squeeze3A_760, %add3A_772 : i32
      %get3A_774 = arith.index_cast %add3A_758 : i32 to index
      %get3A_775 = arith.index_cast %add3A_773 : i32 to index
      %get3A_776 = tpu.vector_load %arg14[%get3A_774, %get3A_775] {strides = array<i32>} : memref<128x128xf32, #tpu.memory_space<vmem>>, vector<1x16xf32>,
      %get3A_777 = vector.shape_cast %get3A_776 : vector<1x16xf32> to vector<16xf32>
      %add3A_778 = arith.constant 16 : i32
      %add3A_779 = arith.addi %squeeze3A_762, %add3A_778 : i32
      %get3A_780 = arith.index_cast %add3A_758 : i32 to index
      %get3A_781 = arith.index_cast %add3A_779 : i32 to index
      %get3A_782 = tpu.vector_load %arg15[%get3A_780, %get3A_781] {strides = array<i32>} : memref<128x128xf32, #tpu.memory_space<vmem>>, vector<1x16xf32>,
      %get3A_783 = vector.shape_cast %get3A_782 : vector<1x16xf32> to vector<16xf32>
      %mul3A_784 = arith.mulf %get3A_777, %get3A_783 : vector<16xf32>
      %add3A_785 = arith.addf %mul3A_771, %mul3A_784 : vector<16xf32>
      %add3A_786 = arith.constant 32 : i32
      %add3A_787 = arith.addi %squeeze3A_760, %add3A_786 : i32
      %get3A_788 = arith.index_cast %add3A_758 : i32 to index
      %get3A_789 = arith.index_cast %add3A_787 : i32 to index
      %get3A_790 = tpu.vector_load %arg14[%get3A_788, %get3A_789] {strides = array<i32>} : memref<128x128xf32, #tpu.memory_space<vmem>>, vector<1x16xf32>,
      %get3A_791 = vector.shape_cast %get3A_790 : vector<1x16xf32> to vector<16xf32>
      %add3A_792 = arith.constant 32 : i32
      %add3A_793 = arith.addi %squeeze3A_762, %add3A_792 : i32
      %get3A_794 = arith.index_cast %add3A_758 : i32 to index
      %get3A_795 = arith.index_cast %add3A_793 : i32 to index
      %get3A_796 = tpu.vector_load %arg15[%get3A_794, %get3A_795] {strides = array<i32>} : memref<128x128xf32, #tpu.memory_space<vmem>>, vector<1x16xf32>,
      %get3A_797 = vector.shape_cast %get3A_796 : vector<1x16xf32> to vector<16xf32>
      %mul3A_798 = arith.mulf %get3A_791, %get3A_797 : vector<16xf32>
      %add3A_799 = arith.addf %add3A_785, %mul3A_798 : vector<16xf32>
      %add3A_800 = arith.constant 48 : i32
      %add3A_801 = arith.addi %squeeze3A_760, %add3A_800 : i32
      %get3A_802 = arith.index_cast %add3A_758 : i32 to index
      %get3A_803 = arith.index_cast %add3A_801 : i32 to index
      %get3A_804 = tpu.vector_load %arg14[%get3A_802, %get3A_803] {strides = array<i32>} : memref<128x128xf32, #tpu.memory_space<vmem>>, vector<1x16xf32>,
      %get3A_805 = vector.shape_cast %get3A_804 : vector<1x16xf32> to vector<16xf32>
      %add3A_806 = arith.constant 48 : i32
      %add3A_807 = arith.addi %squeeze3A_762, %add3A_806 : i32
      %get3A_808 = arith.index_cast %add3A_758 : i32 to index
      %get3A_809 = arith.index_cast %add3A_807 : i32 to index
      %get3A_810 = tpu.vector_load %arg15[%get3A_808, %get3A_809] {strides = array<i32>} : memref<128x128xf32, #tpu.memory_space<vmem>>, vector<1x16xf32>,
      %get3A_811 = vector.shape_cast %get3A_810 : vector<1x16xf32> to vector<16xf32>
      %mul3A_812 = arith.mulf %get3A_805, %get3A_811 : vector<16xf32>
      %add3A_813 = arith.addf %add3A_799, %mul3A_812 : vector<16xf32>
      %xor3A_814 = arith.constant 8 : i32
      %xor3A_815 = vector.broadcast %xor3A_814 : i32 to vector<16xi32>
      %xor3A_816 = arith.xori %iota3A, %xor3A_815 : vector<16xi32>
      %reshape3A_817 = vector.shape_cast %xor3A_816 : vector<16xi32> to vector<16x1xi32>
      %gather3A_818 = vector.shape_cast %reshape3A_817 : vector<16x1xi32> to vector<16xi32>
      %gather3A_819 = tpu.dynamic_gather %add3A_813[%gather3A_818] in [0] : vector<16xf32>, vector<16xi32> -> vector<16xf32>
      %add3A_820 = arith.addf %add3A_813, %gather3A_819 : vector<16xf32>
      %xor3A_821 = arith.constant 4 : i32
      %xor3A_822 = vector.broadcast %xor3A_821 : i32 to vector<16xi32>
      %xor3A_823 = arith.xori %iota3A, %xor3A_822 : vector<16xi32>
      %reshape3A_824 = vector.shape_cast %xor3A_823 : vector<16xi32> to vector<16x1xi32>
      %gather3A_825 = vector.shape_cast %reshape3A_824 : vector<16x1xi32> to vector<16xi32>
      %gather3A_826 = tpu.dynamic_gather %add3A_820[%gather3A_825] in [0] : vector<16xf32>, vector<16xi32> -> vector<16xf32>
      %add3A_827 = arith.addf %add3A_820, %gather3A_826 : vector<16xf32>
      %xor3A_828 = arith.constant 2 : i32
      %xor3A_829 = vector.broadcast %xor3A_828 : i32 to vector<16xi32>
      %xor3A_830 = arith.xori %iota3A, %xor3A_829 : vector<16xi32>
      %reshape3A_831 = vector.shape_cast %xor3A_830 : vector<16xi32> to vector<16x1xi32>
      %gather3A_832 = vector.shape_cast %reshape3A_831 : vector<16x1xi32> to vector<16xi32>
      %gather3A_833 = tpu.dynamic_gather %add3A_827[%gather3A_832] in [0] : vector<16xf32>, vector<16xi32> -> vector<16xf32>
      %add3A_834 = arith.addf %add3A_827, %gather3A_833 : vector<16xf32>
      %xor3A_835 = arith.constant 1 : i32
      %xor3A_836 = vector.broadcast %xor3A_835 : i32 to vector<16xi32>
      %xor3A_837 = arith.xori %iota3A, %xor3A_836 : vector<16xi32>
      %reshape3A_838 = vector.shape_cast %xor3A_837 : vector<16xi32> to vector<16x1xi32>
      %gather3A_839 = vector.shape_cast %reshape3A_838 : vector<16x1xi32> to vector<16xi32>
      %gather3A_840 = tpu.dynamic_gather %add3A_834[%gather3A_839] in [0] : vector<16xf32>, vector<16xi32> -> vector<16xf32>
      %add3A_841 = arith.addf %add3A_834, %gather3A_840 : vector<16xf32>
      %eq3A_842 = arith.constant 3 : i32
      %eq3A_843 = vector.broadcast %eq3A_842 : i32 to vector<16xi32>
      %eq3A_844 = arith.cmpi eq, %iota3A, %eq3A_843 : vector<16xi32>
      %select_n3A_845 = arith.select %eq3A_844, %add3A_841, %select_n3A_754 : vector<16xi1>, vector<16xf32>
      %mul3A_846 = arith.constant 16 : i32
      %mul3A_847 = arith.muli %scan3A_459, %mul3A_846 : i32
      %add3A_848 = arith.constant 4 : i32
      %add3A_849 = arith.addi %mul3A_847, %add3A_848 : i32
      %slice3A_850 = vector.extract_strided_slice %select_n3A_474 {offsets = [4], sizes = [1], strides = [1]} : vector<16xi32> to vector<1xi32>
      %squeeze3A_851 = vector.extract %slice3A_850[0] : i32 from vector<1xi32>
      %slice3A_852 = vector.extract_strided_slice %select_n3A_487 {offsets = [4], sizes = [1], strides = [1]} : vector<16xi32> to vector<1xi32>
      %squeeze3A_853 = vector.extract %slice3A_852[0] : i32 from vector<1xi32>
      %get3A_854 = arith.index_cast %add3A_849 : i32 to index
      %get3A_855 = arith.index_cast %squeeze3A_851 : i32 to index
      %get3A_856 = tpu.vector_load %arg14[%get3A_854, %get3A_855] {strides = array<i32>} : memref<128x128xf32, #tpu.memory_space<vmem>>, vector<1x16xf32>,
      %get3A_857 = vector.shape_cast %get3A_856 : vector<1x16xf32> to vector<16xf32>
      %get3A_858 = arith.index_cast %add3A_849 : i32 to index
      %get3A_859 = arith.index_cast %squeeze3A_853 : i32 to index
      %get3A_860 = tpu.vector_load %arg15[%get3A_858, %get3A_859] {strides = array<i32>} : memref<128x128xf32, #tpu.memory_space<vmem>>, vector<1x16xf32>,
      %get3A_861 = vector.shape_cast %get3A_860 : vector<1x16xf32> to vector<16xf32>
      %mul3A_862 = arith.mulf %get3A_857, %get3A_861 : vector<16xf32>
      %add3A_863 = arith.constant 16 : i32
      %add3A_864 = arith.addi %squeeze3A_851, %add3A_863 : i32
      %get3A_865 = arith.index_cast %add3A_849 : i32 to index
      %get3A_866 = arith.index_cast %add3A_864 : i32 to index
      %get3A_867 = tpu.vector_load %arg14[%get3A_865, %get3A_866] {strides = array<i32>} : memref<128x128xf32, #tpu.memory_space<vmem>>, vector<1x16xf32>,
      %get3A_868 = vector.shape_cast %get3A_867 : vector<1x16xf32> to vector<16xf32>
      %add3A_869 = arith.constant 16 : i32
      %add3A_870 = arith.addi %squeeze3A_853, %add3A_869 : i32
      %get3A_871 = arith.index_cast %add3A_849 : i32 to index
      %get3A_872 = arith.index_cast %add3A_870 : i32 to index
      %get3A_873 = tpu.vector_load %arg15[%get3A_871, %get3A_872] {strides = array<i32>} : memref<128x128xf32, #tpu.memory_space<vmem>>, vector<1x16xf32>,
      %get3A_874 = vector.shape_cast %get3A_873 : vector<1x16xf32> to vector<16xf32>
      %mul3A_875 = arith.mulf %get3A_868, %get3A_874 : vector<16xf32>
      %add3A_876 = arith.addf %mul3A_862, %mul3A_875 : vector<16xf32>
      %add3A_877 = arith.constant 32 : i32
      %add3A_878 = arith.addi %squeeze3A_851, %add3A_877 : i32
      %get3A_879 = arith.index_cast %add3A_849 : i32 to index
      %get3A_880 = arith.index_cast %add3A_878 : i32 to index
      %get3A_881 = tpu.vector_load %arg14[%get3A_879, %get3A_880] {strides = array<i32>} : memref<128x128xf32, #tpu.memory_space<vmem>>, vector<1x16xf32>,
      %get3A_882 = vector.shape_cast %get3A_881 : vector<1x16xf32> to vector<16xf32>
      %add3A_883 = arith.constant 32 : i32
      %add3A_884 = arith.addi %squeeze3A_853, %add3A_883 : i32
      %get3A_885 = arith.index_cast %add3A_849 : i32 to index
      %get3A_886 = arith.index_cast %add3A_884 : i32 to index
      %get3A_887 = tpu.vector_load %arg15[%get3A_885, %get3A_886] {strides = array<i32>} : memref<128x128xf32, #tpu.memory_space<vmem>>, vector<1x16xf32>,
      %get3A_888 = vector.shape_cast %get3A_887 : vector<1x16xf32> to vector<16xf32>
      %mul3A_889 = arith.mulf %get3A_882, %get3A_888 : vector<16xf32>
      %add3A_890 = arith.addf %add3A_876, %mul3A_889 : vector<16xf32>
      %add3A_891 = arith.constant 48 : i32
      %add3A_892 = arith.addi %squeeze3A_851, %add3A_891 : i32
      %get3A_893 = arith.index_cast %add3A_849 : i32 to index
      %get3A_894 = arith.index_cast %add3A_892 : i32 to index
      %get3A_895 = tpu.vector_load %arg14[%get3A_893, %get3A_894] {strides = array<i32>} : memref<128x128xf32, #tpu.memory_space<vmem>>, vector<1x16xf32>,
      %get3A_896 = vector.shape_cast %get3A_895 : vector<1x16xf32> to vector<16xf32>
      %add3A_897 = arith.constant 48 : i32
      %add3A_898 = arith.addi %squeeze3A_853, %add3A_897 : i32
      %get3A_899 = arith.index_cast %add3A_849 : i32 to index
      %get3A_900 = arith.index_cast %add3A_898 : i32 to index
      %get3A_901 = tpu.vector_load %arg15[%get3A_899, %get3A_900] {strides = array<i32>} : memref<128x128xf32, #tpu.memory_space<vmem>>, vector<1x16xf32>,
      %get3A_902 = vector.shape_cast %get3A_901 : vector<1x16xf32> to vector<16xf32>
      %mul3A_903 = arith.mulf %get3A_896, %get3A_902 : vector<16xf32>
      %add3A_904 = arith.addf %add3A_890, %mul3A_903 : vector<16xf32>
      %xor3A_905 = arith.constant 8 : i32
      %xor3A_906 = vector.broadcast %xor3A_905 : i32 to vector<16xi32>
      %xor3A_907 = arith.xori %iota3A, %xor3A_906 : vector<16xi32>
      %reshape3A_908 = vector.shape_cast %xor3A_907 : vector<16xi32> to vector<16x1xi32>
      %gather3A_909 = vector.shape_cast %reshape3A_908 : vector<16x1xi32> to vector<16xi32>
      %gather3A_910 = tpu.dynamic_gather %add3A_904[%gather3A_909] in [0] : vector<16xf32>, vector<16xi32> -> vector<16xf32>
      %add3A_911 = arith.addf %add3A_904, %gather3A_910 : vector<16xf32>
      %xor3A_912 = arith.constant 4 : i32
      %xor3A_913 = vector.broadcast %xor3A_912 : i32 to vector<16xi32>
      %xor3A_914 = arith.xori %iota3A, %xor3A_913 : vector<16xi32>
      %reshape3A_915 = vector.shape_cast %xor3A_914 : vector<16xi32> to vector<16x1xi32>
      %gather3A_916 = vector.shape_cast %reshape3A_915 : vector<16x1xi32> to vector<16xi32>
      %gather3A_917 = tpu.dynamic_gather %add3A_911[%gather3A_916] in [0] : vector<16xf32>, vector<16xi32> -> vector<16xf32>
      %add3A_918 = arith.addf %add3A_911, %gather3A_917 : vector<16xf32>
      %xor3A_919 = arith.constant 2 : i32
      %xor3A_920 = vector.broadcast %xor3A_919 : i32 to vector<16xi32>
      %xor3A_921 = arith.xori %iota3A, %xor3A_920 : vector<16xi32>
      %reshape3A_922 = vector.shape_cast %xor3A_921 : vector<16xi32> to vector<16x1xi32>
      %gather3A_923 = vector.shape_cast %reshape3A_922 : vector<16x1xi32> to vector<16xi32>
      %gather3A_924 = tpu.dynamic_gather %add3A_918[%gather3A_923] in [0] : vector<16xf32>, vector<16xi32> -> vector<16xf32>
      %add3A_925 = arith.addf %add3A_918, %gather3A_924 : vector<16xf32>
      %xor3A_926 = arith.constant 1 : i32
      %xor3A_927 = vector.broadcast %xor3A_926 : i32 to vector<16xi32>
      %xor3A_928 = arith.xori %iota3A, %xor3A_927 : vector<16xi32>
      %reshape3A_929 = vector.shape_cast %xor3A_928 : vector<16xi32> to vector<16x1xi32>
      %gather3A_930 = vector.shape_cast %reshape3A_929 : vector<16x1xi32> to vector<16xi32>
      %gather3A_931 = tpu.dynamic_gather %add3A_925[%gather3A_930] in [0] : vector<16xf32>, vector<16xi32> -> vector<16xf32>
      %add3A_932 = arith.addf %add3A_925, %gather3A_931 : vector<16xf32>
      %eq3A_933 = arith.constant 4 : i32
      %eq3A_934 = vector.broadcast %eq3A_933 : i32 to vector<16xi32>
      %eq3A_935 = arith.cmpi eq, %iota3A, %eq3A_934 : vector<16xi32>
      %select_n3A_936 = arith.select %eq3A_935, %add3A_932, %select_n3A_845 : vector<16xi1>, vector<16xf32>
      %mul3A_937 = arith.constant 16 : i32
      %mul3A_938 = arith.muli %scan3A_459, %mul3A_937 : i32
      %add3A_939 = arith.constant 5 : i32
      %add3A_940 = arith.addi %mul3A_938, %add3A_939 : i32
      %slice3A_941 = vector.extract_strided_slice %select_n3A_474 {offsets = [5], sizes = [1], strides = [1]} : vector<16xi32> to vector<1xi32>
      %squeeze3A_942 = vector.extract %slice3A_941[0] : i32 from vector<1xi32>
      %slice3A_943 = vector.extract_strided_slice %select_n3A_487 {offsets = [5], sizes = [1], strides = [1]} : vector<16xi32> to vector<1xi32>
      %squeeze3A_944 = vector.extract %slice3A_943[0] : i32 from vector<1xi32>
      %get3A_945 = arith.index_cast %add3A_940 : i32 to index
      %get3A_946 = arith.index_cast %squeeze3A_942 : i32 to index
      %get3A_947 = tpu.vector_load %arg14[%get3A_945, %get3A_946] {strides = array<i32>} : memref<128x128xf32, #tpu.memory_space<vmem>>, vector<1x16xf32>,
      %get3A_948 = vector.shape_cast %get3A_947 : vector<1x16xf32> to vector<16xf32>
      %get3A_949 = arith.index_cast %add3A_940 : i32 to index
      %get3A_950 = arith.index_cast %squeeze3A_944 : i32 to index
      %get3A_951 = tpu.vector_load %arg15[%get3A_949, %get3A_950] {strides = array<i32>} : memref<128x128xf32, #tpu.memory_space<vmem>>, vector<1x16xf32>,
      %get3A_952 = vector.shape_cast %get3A_951 : vector<1x16xf32> to vector<16xf32>
      %mul3A_953 = arith.mulf %get3A_948, %get3A_952 : vector<16xf32>
      %add3A_954 = arith.constant 16 : i32
      %add3A_955 = arith.addi %squeeze3A_942, %add3A_954 : i32
      %get3A_956 = arith.index_cast %add3A_940 : i32 to index
      %get3A_957 = arith.index_cast %add3A_955 : i32 to index
      %get3A_958 = tpu.vector_load %arg14[%get3A_956, %get3A_957] {strides = array<i32>} : memref<128x128xf32, #tpu.memory_space<vmem>>, vector<1x16xf32>,
      %get3A_959 = vector.shape_cast %get3A_958 : vector<1x16xf32> to vector<16xf32>
      %add3A_960 = arith.constant 16 : i32
      %add3A_961 = arith.addi %squeeze3A_944, %add3A_960 : i32
      %get3A_962 = arith.index_cast %add3A_940 : i32 to index
      %get3A_963 = arith.index_cast %add3A_961 : i32 to index
      %get3A_964 = tpu.vector_load %arg15[%get3A_962, %get3A_963] {strides = array<i32>} : memref<128x128xf32, #tpu.memory_space<vmem>>, vector<1x16xf32>,
      %get3A_965 = vector.shape_cast %get3A_964 : vector<1x16xf32> to vector<16xf32>
      %mul3A_966 = arith.mulf %get3A_959, %get3A_965 : vector<16xf32>
      %add3A_967 = arith.addf %mul3A_953, %mul3A_966 : vector<16xf32>
      %add3A_968 = arith.constant 32 : i32
      %add3A_969 = arith.addi %squeeze3A_942, %add3A_968 : i32
      %get3A_970 = arith.index_cast %add3A_940 : i32 to index
      %get3A_971 = arith.index_cast %add3A_969 : i32 to index
      %get3A_972 = tpu.vector_load %arg14[%get3A_970, %get3A_971] {strides = array<i32>} : memref<128x128xf32, #tpu.memory_space<vmem>>, vector<1x16xf32>,
      %get3A_973 = vector.shape_cast %get3A_972 : vector<1x16xf32> to vector<16xf32>
      %add3A_974 = arith.constant 32 : i32
      %add3A_975 = arith.addi %squeeze3A_944, %add3A_974 : i32
      %get3A_976 = arith.index_cast %add3A_940 : i32 to index
      %get3A_977 = arith.index_cast %add3A_975 : i32 to index
      %get3A_978 = tpu.vector_load %arg15[%get3A_976, %get3A_977] {strides = array<i32>} : memref<128x128xf32, #tpu.memory_space<vmem>>, vector<1x16xf32>,
      %get3A_979 = vector.shape_cast %get3A_978 : vector<1x16xf32> to vector<16xf32>
      %mul3A_980 = arith.mulf %get3A_973, %get3A_979 : vector<16xf32>
      %add3A_981 = arith.addf %add3A_967, %mul3A_980 : vector<16xf32>
      %add3A_982 = arith.constant 48 : i32
      %add3A_983 = arith.addi %squeeze3A_942, %add3A_982 : i32
      %get3A_984 = arith.index_cast %add3A_940 : i32 to index
      %get3A_985 = arith.index_cast %add3A_983 : i32 to index
      %get3A_986 = tpu.vector_load %arg14[%get3A_984, %get3A_985] {strides = array<i32>} : memref<128x128xf32, #tpu.memory_space<vmem>>, vector<1x16xf32>,
      %get3A_987 = vector.shape_cast %get3A_986 : vector<1x16xf32> to vector<16xf32>
      %add3A_988 = arith.constant 48 : i32
      %add3A_989 = arith.addi %squeeze3A_944, %add3A_988 : i32
      %get3A_990 = arith.index_cast %add3A_940 : i32 to index
      %get3A_991 = arith.index_cast %add3A_989 : i32 to index
      %get3A_992 = tpu.vector_load %arg15[%get3A_990, %get3A_991] {strides = array<i32>} : memref<128x128xf32, #tpu.memory_space<vmem>>, vector<1x16xf32>,
      %get3A_993 = vector.shape_cast %get3A_992 : vector<1x16xf32> to vector<16xf32>
      %mul3A_994 = arith.mulf %get3A_987, %get3A_993 : vector<16xf32>
      %add3A_995 = arith.addf %add3A_981, %mul3A_994 : vector<16xf32>
      %xor3A_996 = arith.constant 8 : i32
      %xor3A_997 = vector.broadcast %xor3A_996 : i32 to vector<16xi32>
      %xor3A_998 = arith.xori %iota3A, %xor3A_997 : vector<16xi32>
      %reshape3A_999 = vector.shape_cast %xor3A_998 : vector<16xi32> to vector<16x1xi32>
      %gather3A_1000 = vector.shape_cast %reshape3A_999 : vector<16x1xi32> to vector<16xi32>
      %gather3A_1001 = tpu.dynamic_gather %add3A_995[%gather3A_1000] in [0] : vector<16xf32>, vector<16xi32> -> vector<16xf32>
      %add3A_1002 = arith.addf %add3A_995, %gather3A_1001 : vector<16xf32>
      %xor3A_1003 = arith.constant 4 : i32
      %xor3A_1004 = vector.broadcast %xor3A_1003 : i32 to vector<16xi32>
      %xor3A_1005 = arith.xori %iota3A, %xor3A_1004 : vector<16xi32>
      %reshape3A_1006 = vector.shape_cast %xor3A_1005 : vector<16xi32> to vector<16x1xi32>
      %gather3A_1007 = vector.shape_cast %reshape3A_1006 : vector<16x1xi32> to vector<16xi32>
      %gather3A_1008 = tpu.dynamic_gather %add3A_1002[%gather3A_1007] in [0] : vector<16xf32>, vector<16xi32> -> vector<16xf32>
      %add3A_1009 = arith.addf %add3A_1002, %gather3A_1008 : vector<16xf32>
      %xor3A_1010 = arith.constant 2 : i32
      %xor3A_1011 = vector.broadcast %xor3A_1010 : i32 to vector<16xi32>
      %xor3A_1012 = arith.xori %iota3A, %xor3A_1011 : vector<16xi32>
      %reshape3A_1013 = vector.shape_cast %xor3A_1012 : vector<16xi32> to vector<16x1xi32>
      %gather3A_1014 = vector.shape_cast %reshape3A_1013 : vector<16x1xi32> to vector<16xi32>
      %gather3A_1015 = tpu.dynamic_gather %add3A_1009[%gather3A_1014] in [0] : vector<16xf32>, vector<16xi32> -> vector<16xf32>
      %add3A_1016 = arith.addf %add3A_1009, %gather3A_1015 : vector<16xf32>
      %xor3A_1017 = arith.constant 1 : i32
      %xor3A_1018 = vector.broadcast %xor3A_1017 : i32 to vector<16xi32>
      %xor3A_1019 = arith.xori %iota3A, %xor3A_1018 : vector<16xi32>
      %reshape3A_1020 = vector.shape_cast %xor3A_1019 : vector<16xi32> to vector<16x1xi32>
      %gather3A_1021 = vector.shape_cast %reshape3A_1020 : vector<16x1xi32> to vector<16xi32>
      %gather3A_1022 = tpu.dynamic_gather %add3A_1016[%gather3A_1021] in [0] : vector<16xf32>, vector<16xi32> -> vector<16xf32>
      %add3A_1023 = arith.addf %add3A_1016, %gather3A_1022 : vector<16xf32>
      %eq3A_1024 = arith.constant 5 : i32
      %eq3A_1025 = vector.broadcast %eq3A_1024 : i32 to vector<16xi32>
      %eq3A_1026 = arith.cmpi eq, %iota3A, %eq3A_1025 : vector<16xi32>
      %select_n3A_1027 = arith.select %eq3A_1026, %add3A_1023, %select_n3A_936 : vector<16xi1>, vector<16xf32>
      %mul3A_1028 = arith.constant 16 : i32
      %mul3A_1029 = arith.muli %scan3A_459, %mul3A_1028 : i32
      %add3A_1030 = arith.constant 6 : i32
      %add3A_1031 = arith.addi %mul3A_1029, %add3A_1030 : i32
      %slice3A_1032 = vector.extract_strided_slice %select_n3A_474 {offsets = [6], sizes = [1], strides = [1]} : vector<16xi32> to vector<1xi32>
      %squeeze3A_1033 = vector.extract %slice3A_1032[0] : i32 from vector<1xi32>
      %slice3A_1034 = vector.extract_strided_slice %select_n3A_487 {offsets = [6], sizes = [1], strides = [1]} : vector<16xi32> to vector<1xi32>
      %squeeze3A_1035 = vector.extract %slice3A_1034[0] : i32 from vector<1xi32>
      %get3A_1036 = arith.index_cast %add3A_1031 : i32 to index
      %get3A_1037 = arith.index_cast %squeeze3A_1033 : i32 to index
      %get3A_1038 = tpu.vector_load %arg14[%get3A_1036, %get3A_1037] {strides = array<i32>} : memref<128x128xf32, #tpu.memory_space<vmem>>, vector<1x16xf32>,
      %get3A_1039 = vector.shape_cast %get3A_1038 : vector<1x16xf32> to vector<16xf32>
      %get3A_1040 = arith.index_cast %add3A_1031 : i32 to index
      %get3A_1041 = arith.index_cast %squeeze3A_1035 : i32 to index
      %get3A_1042 = tpu.vector_load %arg15[%get3A_1040, %get3A_1041] {strides = array<i32>} : memref<128x128xf32, #tpu.memory_space<vmem>>, vector<1x16xf32>,
      %get3A_1043 = vector.shape_cast %get3A_1042 : vector<1x16xf32> to vector<16xf32>
      %mul3A_1044 = arith.mulf %get3A_1039, %get3A_1043 : vector<16xf32>
      %add3A_1045 = arith.constant 16 : i32
      %add3A_1046 = arith.addi %squeeze3A_1033, %add3A_1045 : i32
      %get3A_1047 = arith.index_cast %add3A_1031 : i32 to index
      %get3A_1048 = arith.index_cast %add3A_1046 : i32 to index
      %get3A_1049 = tpu.vector_load %arg14[%get3A_1047, %get3A_1048] {strides = array<i32>} : memref<128x128xf32, #tpu.memory_space<vmem>>, vector<1x16xf32>,
      %get3A_1050 = vector.shape_cast %get3A_1049 : vector<1x16xf32> to vector<16xf32>
      %add3A_1051 = arith.constant 16 : i32
      %add3A_1052 = arith.addi %squeeze3A_1035, %add3A_1051 : i32
      %get3A_1053 = arith.index_cast %add3A_1031 : i32 to index
      %get3A_1054 = arith.index_cast %add3A_1052 : i32 to index
      %get3A_1055 = tpu.vector_load %arg15[%get3A_1053, %get3A_1054] {strides = array<i32>} : memref<128x128xf32, #tpu.memory_space<vmem>>, vector<1x16xf32>,
      %get3A_1056 = vector.shape_cast %get3A_1055 : vector<1x16xf32> to vector<16xf32>
      %mul3A_1057 = arith.mulf %get3A_1050, %get3A_1056 : vector<16xf32>
      %add3A_1058 = arith.addf %mul3A_1044, %mul3A_1057 : vector<16xf32>
      %add3A_1059 = arith.constant 32 : i32
      %add3A_1060 = arith.addi %squeeze3A_1033, %add3A_1059 : i32
      %get3A_1061 = arith.index_cast %add3A_1031 : i32 to index
      %get3A_1062 = arith.index_cast %add3A_1060 : i32 to index
      %get3A_1063 = tpu.vector_load %arg14[%get3A_1061, %get3A_1062] {strides = array<i32>} : memref<128x128xf32, #tpu.memory_space<vmem>>, vector<1x16xf32>,
      %get3A_1064 = vector.shape_cast %get3A_1063 : vector<1x16xf32> to vector<16xf32>
      %add3A_1065 = arith.constant 32 : i32
      %add3A_1066 = arith.addi %squeeze3A_1035, %add3A_1065 : i32
      %get3A_1067 = arith.index_cast %add3A_1031 : i32 to index
      %get3A_1068 = arith.index_cast %add3A_1066 : i32 to index
      %get3A_1069 = tpu.vector_load %arg15[%get3A_1067, %get3A_1068] {strides = array<i32>} : memref<128x128xf32, #tpu.memory_space<vmem>>, vector<1x16xf32>,
      %get3A_1070 = vector.shape_cast %get3A_1069 : vector<1x16xf32> to vector<16xf32>
      %mul3A_1071 = arith.mulf %get3A_1064, %get3A_1070 : vector<16xf32>
      %add3A_1072 = arith.addf %add3A_1058, %mul3A_1071 : vector<16xf32>
      %add3A_1073 = arith.constant 48 : i32
      %add3A_1074 = arith.addi %squeeze3A_1033, %add3A_1073 : i32
      %get3A_1075 = arith.index_cast %add3A_1031 : i32 to index
      %get3A_1076 = arith.index_cast %add3A_1074 : i32 to index
      %get3A_1077 = tpu.vector_load %arg14[%get3A_1075, %get3A_1076] {strides = array<i32>} : memref<128x128xf32, #tpu.memory_space<vmem>>, vector<1x16xf32>,
      %get3A_1078 = vector.shape_cast %get3A_1077 : vector<1x16xf32> to vector<16xf32>
      %add3A_1079 = arith.constant 48 : i32
      %add3A_1080 = arith.addi %squeeze3A_1035, %add3A_1079 : i32
      %get3A_1081 = arith.index_cast %add3A_1031 : i32 to index
      %get3A_1082 = arith.index_cast %add3A_1080 : i32 to index
      %get3A_1083 = tpu.vector_load %arg15[%get3A_1081, %get3A_1082] {strides = array<i32>} : memref<128x128xf32, #tpu.memory_space<vmem>>, vector<1x16xf32>,
      %get3A_1084 = vector.shape_cast %get3A_1083 : vector<1x16xf32> to vector<16xf32>
      %mul3A_1085 = arith.mulf %get3A_1078, %get3A_1084 : vector<16xf32>
      %add3A_1086 = arith.addf %add3A_1072, %mul3A_1085 : vector<16xf32>
      %xor3A_1087 = arith.constant 8 : i32
      %xor3A_1088 = vector.broadcast %xor3A_1087 : i32 to vector<16xi32>
      %xor3A_1089 = arith.xori %iota3A, %xor3A_1088 : vector<16xi32>
      %reshape3A_1090 = vector.shape_cast %xor3A_1089 : vector<16xi32> to vector<16x1xi32>
      %gather3A_1091 = vector.shape_cast %reshape3A_1090 : vector<16x1xi32> to vector<16xi32>
      %gather3A_1092 = tpu.dynamic_gather %add3A_1086[%gather3A_1091] in [0] : vector<16xf32>, vector<16xi32> -> vector<16xf32>
      %add3A_1093 = arith.addf %add3A_1086, %gather3A_1092 : vector<16xf32>
      %xor3A_1094 = arith.constant 4 : i32
      %xor3A_1095 = vector.broadcast %xor3A_1094 : i32 to vector<16xi32>
      %xor3A_1096 = arith.xori %iota3A, %xor3A_1095 : vector<16xi32>
      %reshape3A_1097 = vector.shape_cast %xor3A_1096 : vector<16xi32> to vector<16x1xi32>
      %gather3A_1098 = vector.shape_cast %reshape3A_1097 : vector<16x1xi32> to vector<16xi32>
      %gather3A_1099 = tpu.dynamic_gather %add3A_1093[%gather3A_1098] in [0] : vector<16xf32>, vector<16xi32> -> vector<16xf32>
      %add3A_1100 = arith.addf %add3A_1093, %gather3A_1099 : vector<16xf32>
      %xor3A_1101 = arith.constant 2 : i32
      %xor3A_1102 = vector.broadcast %xor3A_1101 : i32 to vector<16xi32>
      %xor3A_1103 = arith.xori %iota3A, %xor3A_1102 : vector<16xi32>
      %reshape3A_1104 = vector.shape_cast %xor3A_1103 : vector<16xi32> to vector<16x1xi32>
      %gather3A_1105 = vector.shape_cast %reshape3A_1104 : vector<16x1xi32> to vector<16xi32>
      %gather3A_1106 = tpu.dynamic_gather %add3A_1100[%gather3A_1105] in [0] : vector<16xf32>, vector<16xi32> -> vector<16xf32>
      %add3A_1107 = arith.addf %add3A_1100, %gather3A_1106 : vector<16xf32>
      %xor3A_1108 = arith.constant 1 : i32
      %xor3A_1109 = vector.broadcast %xor3A_1108 : i32 to vector<16xi32>
      %xor3A_1110 = arith.xori %iota3A, %xor3A_1109 : vector<16xi32>
      %reshape3A_1111 = vector.shape_cast %xor3A_1110 : vector<16xi32> to vector<16x1xi32>
      %gather3A_1112 = vector.shape_cast %reshape3A_1111 : vector<16x1xi32> to vector<16xi32>
      %gather3A_1113 = tpu.dynamic_gather %add3A_1107[%gather3A_1112] in [0] : vector<16xf32>, vector<16xi32> -> vector<16xf32>
      %add3A_1114 = arith.addf %add3A_1107, %gather3A_1113 : vector<16xf32>
      %eq3A_1115 = arith.constant 6 : i32
      %eq3A_1116 = vector.broadcast %eq3A_1115 : i32 to vector<16xi32>
      %eq3A_1117 = arith.cmpi eq, %iota3A, %eq3A_1116 : vector<16xi32>
      %select_n3A_1118 = arith.select %eq3A_1117, %add3A_1114, %select_n3A_1027 : vector<16xi1>, vector<16xf32>
      %mul3A_1119 = arith.constant 16 : i32
      %mul3A_1120 = arith.muli %scan3A_459, %mul3A_1119 : i32
      %add3A_1121 = arith.constant 7 : i32
      %add3A_1122 = arith.addi %mul3A_1120, %add3A_1121 : i32
      %slice3A_1123 = vector.extract_strided_slice %select_n3A_474 {offsets = [7], sizes = [1], strides = [1]} : vector<16xi32> to vector<1xi32>
      %squeeze3A_1124 = vector.extract %slice3A_1123[0] : i32 from vector<1xi32>
      %slice3A_1125 = vector.extract_strided_slice %select_n3A_487 {offsets = [7], sizes = [1], strides = [1]} : vector<16xi32> to vector<1xi32>
      %squeeze3A_1126 = vector.extract %slice3A_1125[0] : i32 from vector<1xi32>
      %get3A_1127 = arith.index_cast %add3A_1122 : i32 to index
      %get3A_1128 = arith.index_cast %squeeze3A_1124 : i32 to index
      %get3A_1129 = tpu.vector_load %arg14[%get3A_1127, %get3A_1128] {strides = array<i32>} : memref<128x128xf32, #tpu.memory_space<vmem>>, vector<1x16xf32>,
      %get3A_1130 = vector.shape_cast %get3A_1129 : vector<1x16xf32> to vector<16xf32>
      %get3A_1131 = arith.index_cast %add3A_1122 : i32 to index
      %get3A_1132 = arith.index_cast %squeeze3A_1126 : i32 to index
      %get3A_1133 = tpu.vector_load %arg15[%get3A_1131, %get3A_1132] {strides = array<i32>} : memref<128x128xf32, #tpu.memory_space<vmem>>, vector<1x16xf32>,
      %get3A_1134 = vector.shape_cast %get3A_1133 : vector<1x16xf32> to vector<16xf32>
      %mul3A_1135 = arith.mulf %get3A_1130, %get3A_1134 : vector<16xf32>
      %add3A_1136 = arith.constant 16 : i32
      %add3A_1137 = arith.addi %squeeze3A_1124, %add3A_1136 : i32
      %get3A_1138 = arith.index_cast %add3A_1122 : i32 to index
      %get3A_1139 = arith.index_cast %add3A_1137 : i32 to index
      %get3A_1140 = tpu.vector_load %arg14[%get3A_1138, %get3A_1139] {strides = array<i32>} : memref<128x128xf32, #tpu.memory_space<vmem>>, vector<1x16xf32>,
      %get3A_1141 = vector.shape_cast %get3A_1140 : vector<1x16xf32> to vector<16xf32>
      %add3A_1142 = arith.constant 16 : i32
      %add3A_1143 = arith.addi %squeeze3A_1126, %add3A_1142 : i32
      %get3A_1144 = arith.index_cast %add3A_1122 : i32 to index
      %get3A_1145 = arith.index_cast %add3A_1143 : i32 to index
      %get3A_1146 = tpu.vector_load %arg15[%get3A_1144, %get3A_1145] {strides = array<i32>} : memref<128x128xf32, #tpu.memory_space<vmem>>, vector<1x16xf32>,
      %get3A_1147 = vector.shape_cast %get3A_1146 : vector<1x16xf32> to vector<16xf32>
      %mul3A_1148 = arith.mulf %get3A_1141, %get3A_1147 : vector<16xf32>
      %add3A_1149 = arith.addf %mul3A_1135, %mul3A_1148 : vector<16xf32>
      %add3A_1150 = arith.constant 32 : i32
      %add3A_1151 = arith.addi %squeeze3A_1124, %add3A_1150 : i32
      %get3A_1152 = arith.index_cast %add3A_1122 : i32 to index
      %get3A_1153 = arith.index_cast %add3A_1151 : i32 to index
      %get3A_1154 = tpu.vector_load %arg14[%get3A_1152, %get3A_1153] {strides = array<i32>} : memref<128x128xf32, #tpu.memory_space<vmem>>, vector<1x16xf32>,
      %get3A_1155 = vector.shape_cast %get3A_1154 : vector<1x16xf32> to vector<16xf32>
      %add3A_1156 = arith.constant 32 : i32
      %add3A_1157 = arith.addi %squeeze3A_1126, %add3A_1156 : i32
      %get3A_1158 = arith.index_cast %add3A_1122 : i32 to index
      %get3A_1159 = arith.index_cast %add3A_1157 : i32 to index
      %get3A_1160 = tpu.vector_load %arg15[%get3A_1158, %get3A_1159] {strides = array<i32>} : memref<128x128xf32, #tpu.memory_space<vmem>>, vector<1x16xf32>,
      %get3A_1161 = vector.shape_cast %get3A_1160 : vector<1x16xf32> to vector<16xf32>
      %mul3A_1162 = arith.mulf %get3A_1155, %get3A_1161 : vector<16xf32>
      %add3A_1163 = arith.addf %add3A_1149, %mul3A_1162 : vector<16xf32>
      %add3A_1164 = arith.constant 48 : i32
      %add3A_1165 = arith.addi %squeeze3A_1124, %add3A_1164 : i32
      %get3A_1166 = arith.index_cast %add3A_1122 : i32 to index
      %get3A_1167 = arith.index_cast %add3A_1165 : i32 to index
      %get3A_1168 = tpu.vector_load %arg14[%get3A_1166, %get3A_1167] {strides = array<i32>} : memref<128x128xf32, #tpu.memory_space<vmem>>, vector<1x16xf32>,
      %get3A_1169 = vector.shape_cast %get3A_1168 : vector<1x16xf32> to vector<16xf32>
      %add3A_1170 = arith.constant 48 : i32
      %add3A_1171 = arith.addi %squeeze3A_1126, %add3A_1170 : i32
      %get3A_1172 = arith.index_cast %add3A_1122 : i32 to index
      %get3A_1173 = arith.index_cast %add3A_1171 : i32 to index
      %get3A_1174 = tpu.vector_load %arg15[%get3A_1172, %get3A_1173] {strides = array<i32>} : memref<128x128xf32, #tpu.memory_space<vmem>>, vector<1x16xf32>,
      %get3A_1175 = vector.shape_cast %get3A_1174 : vector<1x16xf32> to vector<16xf32>
      %mul3A_1176 = arith.mulf %get3A_1169, %get3A_1175 : vector<16xf32>
      %add3A_1177 = arith.addf %add3A_1163, %mul3A_1176 : vector<16xf32>
      %xor3A_1178 = arith.constant 8 : i32
      %xor3A_1179 = vector.broadcast %xor3A_1178 : i32 to vector<16xi32>
      %xor3A_1180 = arith.xori %iota3A, %xor3A_1179 : vector<16xi32>
      %reshape3A_1181 = vector.shape_cast %xor3A_1180 : vector<16xi32> to vector<16x1xi32>
      %gather3A_1182 = vector.shape_cast %reshape3A_1181 : vector<16x1xi32> to vector<16xi32>
      %gather3A_1183 = tpu.dynamic_gather %add3A_1177[%gather3A_1182] in [0] : vector<16xf32>, vector<16xi32> -> vector<16xf32>
      %add3A_1184 = arith.addf %add3A_1177, %gather3A_1183 : vector<16xf32>
      %xor3A_1185 = arith.constant 4 : i32
      %xor3A_1186 = vector.broadcast %xor3A_1185 : i32 to vector<16xi32>
      %xor3A_1187 = arith.xori %iota3A, %xor3A_1186 : vector<16xi32>
      %reshape3A_1188 = vector.shape_cast %xor3A_1187 : vector<16xi32> to vector<16x1xi32>
      %gather3A_1189 = vector.shape_cast %reshape3A_1188 : vector<16x1xi32> to vector<16xi32>
      %gather3A_1190 = tpu.dynamic_gather %add3A_1184[%gather3A_1189] in [0] : vector<16xf32>, vector<16xi32> -> vector<16xf32>
      %add3A_1191 = arith.addf %add3A_1184, %gather3A_1190 : vector<16xf32>
      %xor3A_1192 = arith.constant 2 : i32
      %xor3A_1193 = vector.broadcast %xor3A_1192 : i32 to vector<16xi32>
      %xor3A_1194 = arith.xori %iota3A, %xor3A_1193 : vector<16xi32>
      %reshape3A_1195 = vector.shape_cast %xor3A_1194 : vector<16xi32> to vector<16x1xi32>
      %gather3A_1196 = vector.shape_cast %reshape3A_1195 : vector<16x1xi32> to vector<16xi32>
      %gather3A_1197 = tpu.dynamic_gather %add3A_1191[%gather3A_1196] in [0] : vector<16xf32>, vector<16xi32> -> vector<16xf32>
      %add3A_1198 = arith.addf %add3A_1191, %gather3A_1197 : vector<16xf32>
      %xor3A_1199 = arith.constant 1 : i32
      %xor3A_1200 = vector.broadcast %xor3A_1199 : i32 to vector<16xi32>
      %xor3A_1201 = arith.xori %iota3A, %xor3A_1200 : vector<16xi32>
      %reshape3A_1202 = vector.shape_cast %xor3A_1201 : vector<16xi32> to vector<16x1xi32>
      %gather3A_1203 = vector.shape_cast %reshape3A_1202 : vector<16x1xi32> to vector<16xi32>
      %gather3A_1204 = tpu.dynamic_gather %add3A_1198[%gather3A_1203] in [0] : vector<16xf32>, vector<16xi32> -> vector<16xf32>
      %add3A_1205 = arith.addf %add3A_1198, %gather3A_1204 : vector<16xf32>
      %eq3A_1206 = arith.constant 7 : i32
      %eq3A_1207 = vector.broadcast %eq3A_1206 : i32 to vector<16xi32>
      %eq3A_1208 = arith.cmpi eq, %iota3A, %eq3A_1207 : vector<16xi32>
      %select_n3A_1209 = arith.select %eq3A_1208, %add3A_1205, %select_n3A_1118 : vector<16xi1>, vector<16xf32>
      %mul3A_1210 = arith.constant 16 : i32
      %mul3A_1211 = arith.muli %scan3A_459, %mul3A_1210 : i32
      %add3A_1212 = arith.constant 8 : i32
      %add3A_1213 = arith.addi %mul3A_1211, %add3A_1212 : i32
      %slice3A_1214 = vector.extract_strided_slice %select_n3A_474 {offsets = [8], sizes = [1], strides = [1]} : vector<16xi32> to vector<1xi32>
      %squeeze3A_1215 = vector.extract %slice3A_1214[0] : i32 from vector<1xi32>
      %slice3A_1216 = vector.extract_strided_slice %select_n3A_487 {offsets = [8], sizes = [1], strides = [1]} : vector<16xi32> to vector<1xi32>
      %squeeze3A_1217 = vector.extract %slice3A_1216[0] : i32 from vector<1xi32>
      %get3A_1218 = arith.index_cast %add3A_1213 : i32 to index
      %get3A_1219 = arith.index_cast %squeeze3A_1215 : i32 to index
      %get3A_1220 = tpu.vector_load %arg14[%get3A_1218, %get3A_1219] {strides = array<i32>} : memref<128x128xf32, #tpu.memory_space<vmem>>, vector<1x16xf32>,
      %get3A_1221 = vector.shape_cast %get3A_1220 : vector<1x16xf32> to vector<16xf32>
      %get3A_1222 = arith.index_cast %add3A_1213 : i32 to index
      %get3A_1223 = arith.index_cast %squeeze3A_1217 : i32 to index
      %get3A_1224 = tpu.vector_load %arg15[%get3A_1222, %get3A_1223] {strides = array<i32>} : memref<128x128xf32, #tpu.memory_space<vmem>>, vector<1x16xf32>,
      %get3A_1225 = vector.shape_cast %get3A_1224 : vector<1x16xf32> to vector<16xf32>
      %mul3A_1226 = arith.mulf %get3A_1221, %get3A_1225 : vector<16xf32>
      %add3A_1227 = arith.constant 16 : i32
      %add3A_1228 = arith.addi %squeeze3A_1215, %add3A_1227 : i32
      %get3A_1229 = arith.index_cast %add3A_1213 : i32 to index
      %get3A_1230 = arith.index_cast %add3A_1228 : i32 to index
      %get3A_1231 = tpu.vector_load %arg14[%get3A_1229, %get3A_1230] {strides = array<i32>} : memref<128x128xf32, #tpu.memory_space<vmem>>, vector<1x16xf32>,
      %get3A_1232 = vector.shape_cast %get3A_1231 : vector<1x16xf32> to vector<16xf32>
      %add3A_1233 = arith.constant 16 : i32
      %add3A_1234 = arith.addi %squeeze3A_1217, %add3A_1233 : i32
      %get3A_1235 = arith.index_cast %add3A_1213 : i32 to index
      %get3A_1236 = arith.index_cast %add3A_1234 : i32 to index
      %get3A_1237 = tpu.vector_load %arg15[%get3A_1235, %get3A_1236] {strides = array<i32>} : memref<128x128xf32, #tpu.memory_space<vmem>>, vector<1x16xf32>,
      %get3A_1238 = vector.shape_cast %get3A_1237 : vector<1x16xf32> to vector<16xf32>
      %mul3A_1239 = arith.mulf %get3A_1232, %get3A_1238 : vector<16xf32>
      %add3A_1240 = arith.addf %mul3A_1226, %mul3A_1239 : vector<16xf32>
      %add3A_1241 = arith.constant 32 : i32
      %add3A_1242 = arith.addi %squeeze3A_1215, %add3A_1241 : i32
      %get3A_1243 = arith.index_cast %add3A_1213 : i32 to index
      %get3A_1244 = arith.index_cast %add3A_1242 : i32 to index
      %get3A_1245 = tpu.vector_load %arg14[%get3A_1243, %get3A_1244] {strides = array<i32>} : memref<128x128xf32, #tpu.memory_space<vmem>>, vector<1x16xf32>,
      %get3A_1246 = vector.shape_cast %get3A_1245 : vector<1x16xf32> to vector<16xf32>
      %add3A_1247 = arith.constant 32 : i32
      %add3A_1248 = arith.addi %squeeze3A_1217, %add3A_1247 : i32
      %get3A_1249 = arith.index_cast %add3A_1213 : i32 to index
      %get3A_1250 = arith.index_cast %add3A_1248 : i32 to index
      %get3A_1251 = tpu.vector_load %arg15[%get3A_1249, %get3A_1250] {strides = array<i32>} : memref<128x128xf32, #tpu.memory_space<vmem>>, vector<1x16xf32>,
      %get3A_1252 = vector.shape_cast %get3A_1251 : vector<1x16xf32> to vector<16xf32>
      %mul3A_1253 = arith.mulf %get3A_1246, %get3A_1252 : vector<16xf32>
      %add3A_1254 = arith.addf %add3A_1240, %mul3A_1253 : vector<16xf32>
      %add3A_1255 = arith.constant 48 : i32
      %add3A_1256 = arith.addi %squeeze3A_1215, %add3A_1255 : i32
      %get3A_1257 = arith.index_cast %add3A_1213 : i32 to index
      %get3A_1258 = arith.index_cast %add3A_1256 : i32 to index
      %get3A_1259 = tpu.vector_load %arg14[%get3A_1257, %get3A_1258] {strides = array<i32>} : memref<128x128xf32, #tpu.memory_space<vmem>>, vector<1x16xf32>,
      %get3A_1260 = vector.shape_cast %get3A_1259 : vector<1x16xf32> to vector<16xf32>
      %add3A_1261 = arith.constant 48 : i32
      %add3A_1262 = arith.addi %squeeze3A_1217, %add3A_1261 : i32
      %get3A_1263 = arith.index_cast %add3A_1213 : i32 to index
      %get3A_1264 = arith.index_cast %add3A_1262 : i32 to index
      %get3A_1265 = tpu.vector_load %arg15[%get3A_1263, %get3A_1264] {strides = array<i32>} : memref<128x128xf32, #tpu.memory_space<vmem>>, vector<1x16xf32>,
      %get3A_1266 = vector.shape_cast %get3A_1265 : vector<1x16xf32> to vector<16xf32>
      %mul3A_1267 = arith.mulf %get3A_1260, %get3A_1266 : vector<16xf32>
      %add3A_1268 = arith.addf %add3A_1254, %mul3A_1267 : vector<16xf32>
      %xor3A_1269 = arith.constant 8 : i32
      %xor3A_1270 = vector.broadcast %xor3A_1269 : i32 to vector<16xi32>
      %xor3A_1271 = arith.xori %iota3A, %xor3A_1270 : vector<16xi32>
      %reshape3A_1272 = vector.shape_cast %xor3A_1271 : vector<16xi32> to vector<16x1xi32>
      %gather3A_1273 = vector.shape_cast %reshape3A_1272 : vector<16x1xi32> to vector<16xi32>
      %gather3A_1274 = tpu.dynamic_gather %add3A_1268[%gather3A_1273] in [0] : vector<16xf32>, vector<16xi32> -> vector<16xf32>
      %add3A_1275 = arith.addf %add3A_1268, %gather3A_1274 : vector<16xf32>
      %xor3A_1276 = arith.constant 4 : i32
      %xor3A_1277 = vector.broadcast %xor3A_1276 : i32 to vector<16xi32>
      %xor3A_1278 = arith.xori %iota3A, %xor3A_1277 : vector<16xi32>
      %reshape3A_1279 = vector.shape_cast %xor3A_1278 : vector<16xi32> to vector<16x1xi32>
      %gather3A_1280 = vector.shape_cast %reshape3A_1279 : vector<16x1xi32> to vector<16xi32>
      %gather3A_1281 = tpu.dynamic_gather %add3A_1275[%gather3A_1280] in [0] : vector<16xf32>, vector<16xi32> -> vector<16xf32>
      %add3A_1282 = arith.addf %add3A_1275, %gather3A_1281 : vector<16xf32>
      %xor3A_1283 = arith.constant 2 : i32
      %xor3A_1284 = vector.broadcast %xor3A_1283 : i32 to vector<16xi32>
      %xor3A_1285 = arith.xori %iota3A, %xor3A_1284 : vector<16xi32>
      %reshape3A_1286 = vector.shape_cast %xor3A_1285 : vector<16xi32> to vector<16x1xi32>
      %gather3A_1287 = vector.shape_cast %reshape3A_1286 : vector<16x1xi32> to vector<16xi32>
      %gather3A_1288 = tpu.dynamic_gather %add3A_1282[%gather3A_1287] in [0] : vector<16xf32>, vector<16xi32> -> vector<16xf32>
      %add3A_1289 = arith.addf %add3A_1282, %gather3A_1288 : vector<16xf32>
      %xor3A_1290 = arith.constant 1 : i32
      %xor3A_1291 = vector.broadcast %xor3A_1290 : i32 to vector<16xi32>
      %xor3A_1292 = arith.xori %iota3A, %xor3A_1291 : vector<16xi32>
      %reshape3A_1293 = vector.shape_cast %xor3A_1292 : vector<16xi32> to vector<16x1xi32>
      %gather3A_1294 = vector.shape_cast %reshape3A_1293 : vector<16x1xi32> to vector<16xi32>
      %gather3A_1295 = tpu.dynamic_gather %add3A_1289[%gather3A_1294] in [0] : vector<16xf32>, vector<16xi32> -> vector<16xf32>
      %add3A_1296 = arith.addf %add3A_1289, %gather3A_1295 : vector<16xf32>
      %eq3A_1297 = arith.constant 8 : i32
      %eq3A_1298 = vector.broadcast %eq3A_1297 : i32 to vector<16xi32>
      %eq3A_1299 = arith.cmpi eq, %iota3A, %eq3A_1298 : vector<16xi32>
      %select_n3A_1300 = arith.select %eq3A_1299, %add3A_1296, %select_n3A_1209 : vector<16xi1>, vector<16xf32>
      %mul3A_1301 = arith.constant 16 : i32
      %mul3A_1302 = arith.muli %scan3A_459, %mul3A_1301 : i32
      %add3A_1303 = arith.constant 9 : i32
      %add3A_1304 = arith.addi %mul3A_1302, %add3A_1303 : i32
      %slice3A_1305 = vector.extract_strided_slice %select_n3A_474 {offsets = [9], sizes = [1], strides = [1]} : vector<16xi32> to vector<1xi32>
      %squeeze3A_1306 = vector.extract %slice3A_1305[0] : i32 from vector<1xi32>
      %slice3A_1307 = vector.extract_strided_slice %select_n3A_487 {offsets = [9], sizes = [1], strides = [1]} : vector<16xi32> to vector<1xi32>
      %squeeze3A_1308 = vector.extract %slice3A_1307[0] : i32 from vector<1xi32>
      %get3A_1309 = arith.index_cast %add3A_1304 : i32 to index
      %get3A_1310 = arith.index_cast %squeeze3A_1306 : i32 to index
      %get3A_1311 = tpu.vector_load %arg14[%get3A_1309, %get3A_1310] {strides = array<i32>} : memref<128x128xf32, #tpu.memory_space<vmem>>, vector<1x16xf32>,
      %get3A_1312 = vector.shape_cast %get3A_1311 : vector<1x16xf32> to vector<16xf32>
      %get3A_1313 = arith.index_cast %add3A_1304 : i32 to index
      %get3A_1314 = arith.index_cast %squeeze3A_1308 : i32 to index
      %get3A_1315 = tpu.vector_load %arg15[%get3A_1313, %get3A_1314] {strides = array<i32>} : memref<128x128xf32, #tpu.memory_space<vmem>>, vector<1x16xf32>,
      %get3A_1316 = vector.shape_cast %get3A_1315 : vector<1x16xf32> to vector<16xf32>
      %mul3A_1317 = arith.mulf %get3A_1312, %get3A_1316 : vector<16xf32>
      %add3A_1318 = arith.constant 16 : i32
      %add3A_1319 = arith.addi %squeeze3A_1306, %add3A_1318 : i32
      %get3A_1320 = arith.index_cast %add3A_1304 : i32 to index
      %get3A_1321 = arith.index_cast %add3A_1319 : i32 to index
      %get3A_1322 = tpu.vector_load %arg14[%get3A_1320, %get3A_1321] {strides = array<i32>} : memref<128x128xf32, #tpu.memory_space<vmem>>, vector<1x16xf32>,
      %get3A_1323 = vector.shape_cast %get3A_1322 : vector<1x16xf32> to vector<16xf32>
      %add3A_1324 = arith.constant 16 : i32
      %add3A_1325 = arith.addi %squeeze3A_1308, %add3A_1324 : i32
      %get3A_1326 = arith.index_cast %add3A_1304 : i32 to index
      %get3A_1327 = arith.index_cast %add3A_1325 : i32 to index
      %get3A_1328 = tpu.vector_load %arg15[%get3A_1326, %get3A_1327] {strides = array<i32>} : memref<128x128xf32, #tpu.memory_space<vmem>>, vector<1x16xf32>,
      %get3A_1329 = vector.shape_cast %get3A_1328 : vector<1x16xf32> to vector<16xf32>
      %mul3A_1330 = arith.mulf %get3A_1323, %get3A_1329 : vector<16xf32>
      %add3A_1331 = arith.addf %mul3A_1317, %mul3A_1330 : vector<16xf32>
      %add3A_1332 = arith.constant 32 : i32
      %add3A_1333 = arith.addi %squeeze3A_1306, %add3A_1332 : i32
      %get3A_1334 = arith.index_cast %add3A_1304 : i32 to index
      %get3A_1335 = arith.index_cast %add3A_1333 : i32 to index
      %get3A_1336 = tpu.vector_load %arg14[%get3A_1334, %get3A_1335] {strides = array<i32>} : memref<128x128xf32, #tpu.memory_space<vmem>>, vector<1x16xf32>,
      %get3A_1337 = vector.shape_cast %get3A_1336 : vector<1x16xf32> to vector<16xf32>
      %add3A_1338 = arith.constant 32 : i32
      %add3A_1339 = arith.addi %squeeze3A_1308, %add3A_1338 : i32
      %get3A_1340 = arith.index_cast %add3A_1304 : i32 to index
      %get3A_1341 = arith.index_cast %add3A_1339 : i32 to index
      %get3A_1342 = tpu.vector_load %arg15[%get3A_1340, %get3A_1341] {strides = array<i32>} : memref<128x128xf32, #tpu.memory_space<vmem>>, vector<1x16xf32>,
      %get3A_1343 = vector.shape_cast %get3A_1342 : vector<1x16xf32> to vector<16xf32>
      %mul3A_1344 = arith.mulf %get3A_1337, %get3A_1343 : vector<16xf32>
      %add3A_1345 = arith.addf %add3A_1331, %mul3A_1344 : vector<16xf32>
      %add3A_1346 = arith.constant 48 : i32
      %add3A_1347 = arith.addi %squeeze3A_1306, %add3A_1346 : i32
      %get3A_1348 = arith.index_cast %add3A_1304 : i32 to index
      %get3A_1349 = arith.index_cast %add3A_1347 : i32 to index
      %get3A_1350 = tpu.vector_load %arg14[%get3A_1348, %get3A_1349] {strides = array<i32>} : memref<128x128xf32, #tpu.memory_space<vmem>>, vector<1x16xf32>,
      %get3A_1351 = vector.shape_cast %get3A_1350 : vector<1x16xf32> to vector<16xf32>
      %add3A_1352 = arith.constant 48 : i32
      %add3A_1353 = arith.addi %squeeze3A_1308, %add3A_1352 : i32
      %get3A_1354 = arith.index_cast %add3A_1304 : i32 to index
      %get3A_1355 = arith.index_cast %add3A_1353 : i32 to index
      %get3A_1356 = tpu.vector_load %arg15[%get3A_1354, %get3A_1355] {strides = array<i32>} : memref<128x128xf32, #tpu.memory_space<vmem>>, vector<1x16xf32>,
      %get3A_1357 = vector.shape_cast %get3A_1356 : vector<1x16xf32> to vector<16xf32>
      %mul3A_1358 = arith.mulf %get3A_1351, %get3A_1357 : vector<16xf32>
      %add3A_1359 = arith.addf %add3A_1345, %mul3A_1358 : vector<16xf32>
      %xor3A_1360 = arith.constant 8 : i32
      %xor3A_1361 = vector.broadcast %xor3A_1360 : i32 to vector<16xi32>
      %xor3A_1362 = arith.xori %iota3A, %xor3A_1361 : vector<16xi32>
      %reshape3A_1363 = vector.shape_cast %xor3A_1362 : vector<16xi32> to vector<16x1xi32>
      %gather3A_1364 = vector.shape_cast %reshape3A_1363 : vector<16x1xi32> to vector<16xi32>
      %gather3A_1365 = tpu.dynamic_gather %add3A_1359[%gather3A_1364] in [0] : vector<16xf32>, vector<16xi32> -> vector<16xf32>
      %add3A_1366 = arith.addf %add3A_1359, %gather3A_1365 : vector<16xf32>
      %xor3A_1367 = arith.constant 4 : i32
      %xor3A_1368 = vector.broadcast %xor3A_1367 : i32 to vector<16xi32>
      %xor3A_1369 = arith.xori %iota3A, %xor3A_1368 : vector<16xi32>
      %reshape3A_1370 = vector.shape_cast %xor3A_1369 : vector<16xi32> to vector<16x1xi32>
      %gather3A_1371 = vector.shape_cast %reshape3A_1370 : vector<16x1xi32> to vector<16xi32>
      %gather3A_1372 = tpu.dynamic_gather %add3A_1366[%gather3A_1371] in [0] : vector<16xf32>, vector<16xi32> -> vector<16xf32>
      %add3A_1373 = arith.addf %add3A_1366, %gather3A_1372 : vector<16xf32>
      %xor3A_1374 = arith.constant 2 : i32
      %xor3A_1375 = vector.broadcast %xor3A_1374 : i32 to vector<16xi32>
      %xor3A_1376 = arith.xori %iota3A, %xor3A_1375 : vector<16xi32>
      %reshape3A_1377 = vector.shape_cast %xor3A_1376 : vector<16xi32> to vector<16x1xi32>
      %gather3A_1378 = vector.shape_cast %reshape3A_1377 : vector<16x1xi32> to vector<16xi32>
      %gather3A_1379 = tpu.dynamic_gather %add3A_1373[%gather3A_1378] in [0] : vector<16xf32>, vector<16xi32> -> vector<16xf32>
      %add3A_1380 = arith.addf %add3A_1373, %gather3A_1379 : vector<16xf32>
      %xor3A_1381 = arith.constant 1 : i32
      %xor3A_1382 = vector.broadcast %xor3A_1381 : i32 to vector<16xi32>
      %xor3A_1383 = arith.xori %iota3A, %xor3A_1382 : vector<16xi32>
      %reshape3A_1384 = vector.shape_cast %xor3A_1383 : vector<16xi32> to vector<16x1xi32>
      %gather3A_1385 = vector.shape_cast %reshape3A_1384 : vector<16x1xi32> to vector<16xi32>
      %gather3A_1386 = tpu.dynamic_gather %add3A_1380[%gather3A_1385] in [0] : vector<16xf32>, vector<16xi32> -> vector<16xf32>
      %add3A_1387 = arith.addf %add3A_1380, %gather3A_1386 : vector<16xf32>
      %eq3A_1388 = arith.constant 9 : i32
      %eq3A_1389 = vector.broadcast %eq3A_1388 : i32 to vector<16xi32>
      %eq3A_1390 = arith.cmpi eq, %iota3A, %eq3A_1389 : vector<16xi32>
      %select_n3A_1391 = arith.select %eq3A_1390, %add3A_1387, %select_n3A_1300 : vector<16xi1>, vector<16xf32>
      %mul3A_1392 = arith.constant 16 : i32
      %mul3A_1393 = arith.muli %scan3A_459, %mul3A_1392 : i32
      %add3A_1394 = arith.constant 10 : i32
      %add3A_1395 = arith.addi %mul3A_1393, %add3A_1394 : i32
      %slice3A_1396 = vector.extract_strided_slice %select_n3A_474 {offsets = [10], sizes = [1], strides = [1]} : vector<16xi32> to vector<1xi32>
      %squeeze3A_1397 = vector.extract %slice3A_1396[0] : i32 from vector<1xi32>
      %slice3A_1398 = vector.extract_strided_slice %select_n3A_487 {offsets = [10], sizes = [1], strides = [1]} : vector<16xi32> to vector<1xi32>
      %squeeze3A_1399 = vector.extract %slice3A_1398[0] : i32 from vector<1xi32>
      %get3A_1400 = arith.index_cast %add3A_1395 : i32 to index
      %get3A_1401 = arith.index_cast %squeeze3A_1397 : i32 to index
      %get3A_1402 = tpu.vector_load %arg14[%get3A_1400, %get3A_1401] {strides = array<i32>} : memref<128x128xf32, #tpu.memory_space<vmem>>, vector<1x16xf32>,
      %get3A_1403 = vector.shape_cast %get3A_1402 : vector<1x16xf32> to vector<16xf32>
      %get3A_1404 = arith.index_cast %add3A_1395 : i32 to index
      %get3A_1405 = arith.index_cast %squeeze3A_1399 : i32 to index
      %get3A_1406 = tpu.vector_load %arg15[%get3A_1404, %get3A_1405] {strides = array<i32>} : memref<128x128xf32, #tpu.memory_space<vmem>>, vector<1x16xf32>,
      %get3A_1407 = vector.shape_cast %get3A_1406 : vector<1x16xf32> to vector<16xf32>
      %mul3A_1408 = arith.mulf %get3A_1403, %get3A_1407 : vector<16xf32>
      %add3A_1409 = arith.constant 16 : i32
      %add3A_1410 = arith.addi %squeeze3A_1397, %add3A_1409 : i32
      %get3A_1411 = arith.index_cast %add3A_1395 : i32 to index
      %get3A_1412 = arith.index_cast %add3A_1410 : i32 to index
      %get3A_1413 = tpu.vector_load %arg14[%get3A_1411, %get3A_1412] {strides = array<i32>} : memref<128x128xf32, #tpu.memory_space<vmem>>, vector<1x16xf32>,
      %get3A_1414 = vector.shape_cast %get3A_1413 : vector<1x16xf32> to vector<16xf32>
      %add3A_1415 = arith.constant 16 : i32
      %add3A_1416 = arith.addi %squeeze3A_1399, %add3A_1415 : i32
      %get3A_1417 = arith.index_cast %add3A_1395 : i32 to index
      %get3A_1418 = arith.index_cast %add3A_1416 : i32 to index
      %get3A_1419 = tpu.vector_load %arg15[%get3A_1417, %get3A_1418] {strides = array<i32>} : memref<128x128xf32, #tpu.memory_space<vmem>>, vector<1x16xf32>,
      %get3A_1420 = vector.shape_cast %get3A_1419 : vector<1x16xf32> to vector<16xf32>
      %mul3A_1421 = arith.mulf %get3A_1414, %get3A_1420 : vector<16xf32>
      %add3A_1422 = arith.addf %mul3A_1408, %mul3A_1421 : vector<16xf32>
      %add3A_1423 = arith.constant 32 : i32
      %add3A_1424 = arith.addi %squeeze3A_1397, %add3A_1423 : i32
      %get3A_1425 = arith.index_cast %add3A_1395 : i32 to index
      %get3A_1426 = arith.index_cast %add3A_1424 : i32 to index
      %get3A_1427 = tpu.vector_load %arg14[%get3A_1425, %get3A_1426] {strides = array<i32>} : memref<128x128xf32, #tpu.memory_space<vmem>>, vector<1x16xf32>,
      %get3A_1428 = vector.shape_cast %get3A_1427 : vector<1x16xf32> to vector<16xf32>
      %add3A_1429 = arith.constant 32 : i32
      %add3A_1430 = arith.addi %squeeze3A_1399, %add3A_1429 : i32
      %get3A_1431 = arith.index_cast %add3A_1395 : i32 to index
      %get3A_1432 = arith.index_cast %add3A_1430 : i32 to index
      %get3A_1433 = tpu.vector_load %arg15[%get3A_1431, %get3A_1432] {strides = array<i32>} : memref<128x128xf32, #tpu.memory_space<vmem>>, vector<1x16xf32>,
      %get3A_1434 = vector.shape_cast %get3A_1433 : vector<1x16xf32> to vector<16xf32>
      %mul3A_1435 = arith.mulf %get3A_1428, %get3A_1434 : vector<16xf32>
      %add3A_1436 = arith.addf %add3A_1422, %mul3A_1435 : vector<16xf32>
      %add3A_1437 = arith.constant 48 : i32
      %add3A_1438 = arith.addi %squeeze3A_1397, %add3A_1437 : i32
      %get3A_1439 = arith.index_cast %add3A_1395 : i32 to index
      %get3A_1440 = arith.index_cast %add3A_1438 : i32 to index
      %get3A_1441 = tpu.vector_load %arg14[%get3A_1439, %get3A_1440] {strides = array<i32>} : memref<128x128xf32, #tpu.memory_space<vmem>>, vector<1x16xf32>,
      %get3A_1442 = vector.shape_cast %get3A_1441 : vector<1x16xf32> to vector<16xf32>
      %add3A_1443 = arith.constant 48 : i32
      %add3A_1444 = arith.addi %squeeze3A_1399, %add3A_1443 : i32
      %get3A_1445 = arith.index_cast %add3A_1395 : i32 to index
      %get3A_1446 = arith.index_cast %add3A_1444 : i32 to index
      %get3A_1447 = tpu.vector_load %arg15[%get3A_1445, %get3A_1446] {strides = array<i32>} : memref<128x128xf32, #tpu.memory_space<vmem>>, vector<1x16xf32>,
      %get3A_1448 = vector.shape_cast %get3A_1447 : vector<1x16xf32> to vector<16xf32>
      %mul3A_1449 = arith.mulf %get3A_1442, %get3A_1448 : vector<16xf32>
      %add3A_1450 = arith.addf %add3A_1436, %mul3A_1449 : vector<16xf32>
      %xor3A_1451 = arith.constant 8 : i32
      %xor3A_1452 = vector.broadcast %xor3A_1451 : i32 to vector<16xi32>
      %xor3A_1453 = arith.xori %iota3A, %xor3A_1452 : vector<16xi32>
      %reshape3A_1454 = vector.shape_cast %xor3A_1453 : vector<16xi32> to vector<16x1xi32>
      %gather3A_1455 = vector.shape_cast %reshape3A_1454 : vector<16x1xi32> to vector<16xi32>
      %gather3A_1456 = tpu.dynamic_gather %add3A_1450[%gather3A_1455] in [0] : vector<16xf32>, vector<16xi32> -> vector<16xf32>
      %add3A_1457 = arith.addf %add3A_1450, %gather3A_1456 : vector<16xf32>
      %xor3A_1458 = arith.constant 4 : i32
      %xor3A_1459 = vector.broadcast %xor3A_1458 : i32 to vector<16xi32>
      %xor3A_1460 = arith.xori %iota3A, %xor3A_1459 : vector<16xi32>
      %reshape3A_1461 = vector.shape_cast %xor3A_1460 : vector<16xi32> to vector<16x1xi32>
      %gather3A_1462 = vector.shape_cast %reshape3A_1461 : vector<16x1xi32> to vector<16xi32>
      %gather3A_1463 = tpu.dynamic_gather %add3A_1457[%gather3A_1462] in [0] : vector<16xf32>, vector<16xi32> -> vector<16xf32>
      %add3A_1464 = arith.addf %add3A_1457, %gather3A_1463 : vector<16xf32>
      %xor3A_1465 = arith.constant 2 : i32
      %xor3A_1466 = vector.broadcast %xor3A_1465 : i32 to vector<16xi32>
      %xor3A_1467 = arith.xori %iota3A, %xor3A_1466 : vector<16xi32>
      %reshape3A_1468 = vector.shape_cast %xor3A_1467 : vector<16xi32> to vector<16x1xi32>
      %gather3A_1469 = vector.shape_cast %reshape3A_1468 : vector<16x1xi32> to vector<16xi32>
      %gather3A_1470 = tpu.dynamic_gather %add3A_1464[%gather3A_1469] in [0] : vector<16xf32>, vector<16xi32> -> vector<16xf32>
      %add3A_1471 = arith.addf %add3A_1464, %gather3A_1470 : vector<16xf32>
      %xor3A_1472 = arith.constant 1 : i32
      %xor3A_1473 = vector.broadcast %xor3A_1472 : i32 to vector<16xi32>
      %xor3A_1474 = arith.xori %iota3A, %xor3A_1473 : vector<16xi32>
      %reshape3A_1475 = vector.shape_cast %xor3A_1474 : vector<16xi32> to vector<16x1xi32>
      %gather3A_1476 = vector.shape_cast %reshape3A_1475 : vector<16x1xi32> to vector<16xi32>
      %gather3A_1477 = tpu.dynamic_gather %add3A_1471[%gather3A_1476] in [0] : vector<16xf32>, vector<16xi32> -> vector<16xf32>
      %add3A_1478 = arith.addf %add3A_1471, %gather3A_1477 : vector<16xf32>
      %eq3A_1479 = arith.constant 10 : i32
      %eq3A_1480 = vector.broadcast %eq3A_1479 : i32 to vector<16xi32>
      %eq3A_1481 = arith.cmpi eq, %iota3A, %eq3A_1480 : vector<16xi32>
      %select_n3A_1482 = arith.select %eq3A_1481, %add3A_1478, %select_n3A_1391 : vector<16xi1>, vector<16xf32>
      %mul3A_1483 = arith.constant 16 : i32
      %mul3A_1484 = arith.muli %scan3A_459, %mul3A_1483 : i32
      %add3A_1485 = arith.constant 11 : i32
      %add3A_1486 = arith.addi %mul3A_1484, %add3A_1485 : i32
      %slice3A_1487 = vector.extract_strided_slice %select_n3A_474 {offsets = [11], sizes = [1], strides = [1]} : vector<16xi32> to vector<1xi32>
      %squeeze3A_1488 = vector.extract %slice3A_1487[0] : i32 from vector<1xi32>
      %slice3A_1489 = vector.extract_strided_slice %select_n3A_487 {offsets = [11], sizes = [1], strides = [1]} : vector<16xi32> to vector<1xi32>
      %squeeze3A_1490 = vector.extract %slice3A_1489[0] : i32 from vector<1xi32>
      %get3A_1491 = arith.index_cast %add3A_1486 : i32 to index
      %get3A_1492 = arith.index_cast %squeeze3A_1488 : i32 to index
      %get3A_1493 = tpu.vector_load %arg14[%get3A_1491, %get3A_1492] {strides = array<i32>} : memref<128x128xf32, #tpu.memory_space<vmem>>, vector<1x16xf32>,
      %get3A_1494 = vector.shape_cast %get3A_1493 : vector<1x16xf32> to vector<16xf32>
      %get3A_1495 = arith.index_cast %add3A_1486 : i32 to index
      %get3A_1496 = arith.index_cast %squeeze3A_1490 : i32 to index
      %get3A_1497 = tpu.vector_load %arg15[%get3A_1495, %get3A_1496] {strides = array<i32>} : memref<128x128xf32, #tpu.memory_space<vmem>>, vector<1x16xf32>,
      %get3A_1498 = vector.shape_cast %get3A_1497 : vector<1x16xf32> to vector<16xf32>
      %mul3A_1499 = arith.mulf %get3A_1494, %get3A_1498 : vector<16xf32>
      %add3A_1500 = arith.constant 16 : i32
      %add3A_1501 = arith.addi %squeeze3A_1488, %add3A_1500 : i32
      %get3A_1502 = arith.index_cast %add3A_1486 : i32 to index
      %get3A_1503 = arith.index_cast %add3A_1501 : i32 to index
      %get3A_1504 = tpu.vector_load %arg14[%get3A_1502, %get3A_1503] {strides = array<i32>} : memref<128x128xf32, #tpu.memory_space<vmem>>, vector<1x16xf32>,
      %get3A_1505 = vector.shape_cast %get3A_1504 : vector<1x16xf32> to vector<16xf32>
      %add3A_1506 = arith.constant 16 : i32
      %add3A_1507 = arith.addi %squeeze3A_1490, %add3A_1506 : i32
      %get3A_1508 = arith.index_cast %add3A_1486 : i32 to index
      %get3A_1509 = arith.index_cast %add3A_1507 : i32 to index
      %get3A_1510 = tpu.vector_load %arg15[%get3A_1508, %get3A_1509] {strides = array<i32>} : memref<128x128xf32, #tpu.memory_space<vmem>>, vector<1x16xf32>,
      %get3A_1511 = vector.shape_cast %get3A_1510 : vector<1x16xf32> to vector<16xf32>
      %mul3A_1512 = arith.mulf %get3A_1505, %get3A_1511 : vector<16xf32>
      %add3A_1513 = arith.addf %mul3A_1499, %mul3A_1512 : vector<16xf32>
      %add3A_1514 = arith.constant 32 : i32
      %add3A_1515 = arith.addi %squeeze3A_1488, %add3A_1514 : i32
      %get3A_1516 = arith.index_cast %add3A_1486 : i32 to index
      %get3A_1517 = arith.index_cast %add3A_1515 : i32 to index
      %get3A_1518 = tpu.vector_load %arg14[%get3A_1516, %get3A_1517] {strides = array<i32>} : memref<128x128xf32, #tpu.memory_space<vmem>>, vector<1x16xf32>,
      %get3A_1519 = vector.shape_cast %get3A_1518 : vector<1x16xf32> to vector<16xf32>
      %add3A_1520 = arith.constant 32 : i32
      %add3A_1521 = arith.addi %squeeze3A_1490, %add3A_1520 : i32
      %get3A_1522 = arith.index_cast %add3A_1486 : i32 to index
      %get3A_1523 = arith.index_cast %add3A_1521 : i32 to index
      %get3A_1524 = tpu.vector_load %arg15[%get3A_1522, %get3A_1523] {strides = array<i32>} : memref<128x128xf32, #tpu.memory_space<vmem>>, vector<1x16xf32>,
      %get3A_1525 = vector.shape_cast %get3A_1524 : vector<1x16xf32> to vector<16xf32>
      %mul3A_1526 = arith.mulf %get3A_1519, %get3A_1525 : vector<16xf32>
      %add3A_1527 = arith.addf %add3A_1513, %mul3A_1526 : vector<16xf32>
      %add3A_1528 = arith.constant 48 : i32
      %add3A_1529 = arith.addi %squeeze3A_1488, %add3A_1528 : i32
      %get3A_1530 = arith.index_cast %add3A_1486 : i32 to index
      %get3A_1531 = arith.index_cast %add3A_1529 : i32 to index
      %get3A_1532 = tpu.vector_load %arg14[%get3A_1530, %get3A_1531] {strides = array<i32>} : memref<128x128xf32, #tpu.memory_space<vmem>>, vector<1x16xf32>,
      %get3A_1533 = vector.shape_cast %get3A_1532 : vector<1x16xf32> to vector<16xf32>
      %add3A_1534 = arith.constant 48 : i32
      %add3A_1535 = arith.addi %squeeze3A_1490, %add3A_1534 : i32
      %get3A_1536 = arith.index_cast %add3A_1486 : i32 to index
      %get3A_1537 = arith.index_cast %add3A_1535 : i32 to index
      %get3A_1538 = tpu.vector_load %arg15[%get3A_1536, %get3A_1537] {strides = array<i32>} : memref<128x128xf32, #tpu.memory_space<vmem>>, vector<1x16xf32>,
      %get3A_1539 = vector.shape_cast %get3A_1538 : vector<1x16xf32> to vector<16xf32>
      %mul3A_1540 = arith.mulf %get3A_1533, %get3A_1539 : vector<16xf32>
      %add3A_1541 = arith.addf %add3A_1527, %mul3A_1540 : vector<16xf32>
      %xor3A_1542 = arith.constant 8 : i32
      %xor3A_1543 = vector.broadcast %xor3A_1542 : i32 to vector<16xi32>
      %xor3A_1544 = arith.xori %iota3A, %xor3A_1543 : vector<16xi32>
      %reshape3A_1545 = vector.shape_cast %xor3A_1544 : vector<16xi32> to vector<16x1xi32>
      %gather3A_1546 = vector.shape_cast %reshape3A_1545 : vector<16x1xi32> to vector<16xi32>
      %gather3A_1547 = tpu.dynamic_gather %add3A_1541[%gather3A_1546] in [0] : vector<16xf32>, vector<16xi32> -> vector<16xf32>
      %add3A_1548 = arith.addf %add3A_1541, %gather3A_1547 : vector<16xf32>
      %xor3A_1549 = arith.constant 4 : i32
      %xor3A_1550 = vector.broadcast %xor3A_1549 : i32 to vector<16xi32>
      %xor3A_1551 = arith.xori %iota3A, %xor3A_1550 : vector<16xi32>
      %reshape3A_1552 = vector.shape_cast %xor3A_1551 : vector<16xi32> to vector<16x1xi32>
      %gather3A_1553 = vector.shape_cast %reshape3A_1552 : vector<16x1xi32> to vector<16xi32>
      %gather3A_1554 = tpu.dynamic_gather %add3A_1548[%gather3A_1553] in [0] : vector<16xf32>, vector<16xi32> -> vector<16xf32>
      %add3A_1555 = arith.addf %add3A_1548, %gather3A_1554 : vector<16xf32>
      %xor3A_1556 = arith.constant 2 : i32
      %xor3A_1557 = vector.broadcast %xor3A_1556 : i32 to vector<16xi32>
      %xor3A_1558 = arith.xori %iota3A, %xor3A_1557 : vector<16xi32>
      %reshape3A_1559 = vector.shape_cast %xor3A_1558 : vector<16xi32> to vector<16x1xi32>
      %gather3A_1560 = vector.shape_cast %reshape3A_1559 : vector<16x1xi32> to vector<16xi32>
      %gather3A_1561 = tpu.dynamic_gather %add3A_1555[%gather3A_1560] in [0] : vector<16xf32>, vector<16xi32> -> vector<16xf32>
      %add3A_1562 = arith.addf %add3A_1555, %gather3A_1561 : vector<16xf32>
      %xor3A_1563 = arith.constant 1 : i32
      %xor3A_1564 = vector.broadcast %xor3A_1563 : i32 to vector<16xi32>
      %xor3A_1565 = arith.xori %iota3A, %xor3A_1564 : vector<16xi32>
      %reshape3A_1566 = vector.shape_cast %xor3A_1565 : vector<16xi32> to vector<16x1xi32>
      %gather3A_1567 = vector.shape_cast %reshape3A_1566 : vector<16x1xi32> to vector<16xi32>
      %gather3A_1568 = tpu.dynamic_gather %add3A_1562[%gather3A_1567] in [0] : vector<16xf32>, vector<16xi32> -> vector<16xf32>
      %add3A_1569 = arith.addf %add3A_1562, %gather3A_1568 : vector<16xf32>
      %eq3A_1570 = arith.constant 11 : i32
      %eq3A_1571 = vector.broadcast %eq3A_1570 : i32 to vector<16xi32>
      %eq3A_1572 = arith.cmpi eq, %iota3A, %eq3A_1571 : vector<16xi32>
      %select_n3A_1573 = arith.select %eq3A_1572, %add3A_1569, %select_n3A_1482 : vector<16xi1>, vector<16xf32>
      %mul3A_1574 = arith.constant 16 : i32
      %mul3A_1575 = arith.muli %scan3A_459, %mul3A_1574 : i32
      %add3A_1576 = arith.constant 12 : i32
      %add3A_1577 = arith.addi %mul3A_1575, %add3A_1576 : i32
      %slice3A_1578 = vector.extract_strided_slice %select_n3A_474 {offsets = [12], sizes = [1], strides = [1]} : vector<16xi32> to vector<1xi32>
      %squeeze3A_1579 = vector.extract %slice3A_1578[0] : i32 from vector<1xi32>
      %slice3A_1580 = vector.extract_strided_slice %select_n3A_487 {offsets = [12], sizes = [1], strides = [1]} : vector<16xi32> to vector<1xi32>
      %squeeze3A_1581 = vector.extract %slice3A_1580[0] : i32 from vector<1xi32>
      %get3A_1582 = arith.index_cast %add3A_1577 : i32 to index
      %get3A_1583 = arith.index_cast %squeeze3A_1579 : i32 to index
      %get3A_1584 = tpu.vector_load %arg14[%get3A_1582, %get3A_1583] {strides = array<i32>} : memref<128x128xf32, #tpu.memory_space<vmem>>, vector<1x16xf32>,
      %get3A_1585 = vector.shape_cast %get3A_1584 : vector<1x16xf32> to vector<16xf32>
      %get3A_1586 = arith.index_cast %add3A_1577 : i32 to index
      %get3A_1587 = arith.index_cast %squeeze3A_1581 : i32 to index
      %get3A_1588 = tpu.vector_load %arg15[%get3A_1586, %get3A_1587] {strides = array<i32>} : memref<128x128xf32, #tpu.memory_space<vmem>>, vector<1x16xf32>,
      %get3A_1589 = vector.shape_cast %get3A_1588 : vector<1x16xf32> to vector<16xf32>
      %mul3A_1590 = arith.mulf %get3A_1585, %get3A_1589 : vector<16xf32>
      %add3A_1591 = arith.constant 16 : i32
      %add3A_1592 = arith.addi %squeeze3A_1579, %add3A_1591 : i32
      %get3A_1593 = arith.index_cast %add3A_1577 : i32 to index
      %get3A_1594 = arith.index_cast %add3A_1592 : i32 to index
      %get3A_1595 = tpu.vector_load %arg14[%get3A_1593, %get3A_1594] {strides = array<i32>} : memref<128x128xf32, #tpu.memory_space<vmem>>, vector<1x16xf32>,
      %get3A_1596 = vector.shape_cast %get3A_1595 : vector<1x16xf32> to vector<16xf32>
      %add3A_1597 = arith.constant 16 : i32
      %add3A_1598 = arith.addi %squeeze3A_1581, %add3A_1597 : i32
      %get3A_1599 = arith.index_cast %add3A_1577 : i32 to index
      %get3A_1600 = arith.index_cast %add3A_1598 : i32 to index
      %get3A_1601 = tpu.vector_load %arg15[%get3A_1599, %get3A_1600] {strides = array<i32>} : memref<128x128xf32, #tpu.memory_space<vmem>>, vector<1x16xf32>,
      %get3A_1602 = vector.shape_cast %get3A_1601 : vector<1x16xf32> to vector<16xf32>
      %mul3A_1603 = arith.mulf %get3A_1596, %get3A_1602 : vector<16xf32>
      %add3A_1604 = arith.addf %mul3A_1590, %mul3A_1603 : vector<16xf32>
      %add3A_1605 = arith.constant 32 : i32
      %add3A_1606 = arith.addi %squeeze3A_1579, %add3A_1605 : i32
      %get3A_1607 = arith.index_cast %add3A_1577 : i32 to index
      %get3A_1608 = arith.index_cast %add3A_1606 : i32 to index
      %get3A_1609 = tpu.vector_load %arg14[%get3A_1607, %get3A_1608] {strides = array<i32>} : memref<128x128xf32, #tpu.memory_space<vmem>>, vector<1x16xf32>,
      %get3A_1610 = vector.shape_cast %get3A_1609 : vector<1x16xf32> to vector<16xf32>
      %add3A_1611 = arith.constant 32 : i32
      %add3A_1612 = arith.addi %squeeze3A_1581, %add3A_1611 : i32
      %get3A_1613 = arith.index_cast %add3A_1577 : i32 to index
      %get3A_1614 = arith.index_cast %add3A_1612 : i32 to index
      %get3A_1615 = tpu.vector_load %arg15[%get3A_1613, %get3A_1614] {strides = array<i32>} : memref<128x128xf32, #tpu.memory_space<vmem>>, vector<1x16xf32>,
      %get3A_1616 = vector.shape_cast %get3A_1615 : vector<1x16xf32> to vector<16xf32>
      %mul3A_1617 = arith.mulf %get3A_1610, %get3A_1616 : vector<16xf32>
      %add3A_1618 = arith.addf %add3A_1604, %mul3A_1617 : vector<16xf32>
      %add3A_1619 = arith.constant 48 : i32
      %add3A_1620 = arith.addi %squeeze3A_1579, %add3A_1619 : i32
      %get3A_1621 = arith.index_cast %add3A_1577 : i32 to index
      %get3A_1622 = arith.index_cast %add3A_1620 : i32 to index
      %get3A_1623 = tpu.vector_load %arg14[%get3A_1621, %get3A_1622] {strides = array<i32>} : memref<128x128xf32, #tpu.memory_space<vmem>>, vector<1x16xf32>,
      %get3A_1624 = vector.shape_cast %get3A_1623 : vector<1x16xf32> to vector<16xf32>
      %add3A_1625 = arith.constant 48 : i32
      %add3A_1626 = arith.addi %squeeze3A_1581, %add3A_1625 : i32
      %get3A_1627 = arith.index_cast %add3A_1577 : i32 to index
      %get3A_1628 = arith.index_cast %add3A_1626 : i32 to index
      %get3A_1629 = tpu.vector_load %arg15[%get3A_1627, %get3A_1628] {strides = array<i32>} : memref<128x128xf32, #tpu.memory_space<vmem>>, vector<1x16xf32>,
      %get3A_1630 = vector.shape_cast %get3A_1629 : vector<1x16xf32> to vector<16xf32>
      %mul3A_1631 = arith.mulf %get3A_1624, %get3A_1630 : vector<16xf32>
      %add3A_1632 = arith.addf %add3A_1618, %mul3A_1631 : vector<16xf32>
      %xor3A_1633 = arith.constant 8 : i32
      %xor3A_1634 = vector.broadcast %xor3A_1633 : i32 to vector<16xi32>
      %xor3A_1635 = arith.xori %iota3A, %xor3A_1634 : vector<16xi32>
      %reshape3A_1636 = vector.shape_cast %xor3A_1635 : vector<16xi32> to vector<16x1xi32>
      %gather3A_1637 = vector.shape_cast %reshape3A_1636 : vector<16x1xi32> to vector<16xi32>
      %gather3A_1638 = tpu.dynamic_gather %add3A_1632[%gather3A_1637] in [0] : vector<16xf32>, vector<16xi32> -> vector<16xf32>
      %add3A_1639 = arith.addf %add3A_1632, %gather3A_1638 : vector<16xf32>
      %xor3A_1640 = arith.constant 4 : i32
      %xor3A_1641 = vector.broadcast %xor3A_1640 : i32 to vector<16xi32>
      %xor3A_1642 = arith.xori %iota3A, %xor3A_1641 : vector<16xi32>
      %reshape3A_1643 = vector.shape_cast %xor3A_1642 : vector<16xi32> to vector<16x1xi32>
      %gather3A_1644 = vector.shape_cast %reshape3A_1643 : vector<16x1xi32> to vector<16xi32>
      %gather3A_1645 = tpu.dynamic_gather %add3A_1639[%gather3A_1644] in [0] : vector<16xf32>, vector<16xi32> -> vector<16xf32>
      %add3A_1646 = arith.addf %add3A_1639, %gather3A_1645 : vector<16xf32>
      %xor3A_1647 = arith.constant 2 : i32
      %xor3A_1648 = vector.broadcast %xor3A_1647 : i32 to vector<16xi32>
      %xor3A_1649 = arith.xori %iota3A, %xor3A_1648 : vector<16xi32>
      %reshape3A_1650 = vector.shape_cast %xor3A_1649 : vector<16xi32> to vector<16x1xi32>
      %gather3A_1651 = vector.shape_cast %reshape3A_1650 : vector<16x1xi32> to vector<16xi32>
      %gather3A_1652 = tpu.dynamic_gather %add3A_1646[%gather3A_1651] in [0] : vector<16xf32>, vector<16xi32> -> vector<16xf32>
      %add3A_1653 = arith.addf %add3A_1646, %gather3A_1652 : vector<16xf32>
      %xor3A_1654 = arith.constant 1 : i32
      %xor3A_1655 = vector.broadcast %xor3A_1654 : i32 to vector<16xi32>
      %xor3A_1656 = arith.xori %iota3A, %xor3A_1655 : vector<16xi32>
      %reshape3A_1657 = vector.shape_cast %xor3A_1656 : vector<16xi32> to vector<16x1xi32>
      %gather3A_1658 = vector.shape_cast %reshape3A_1657 : vector<16x1xi32> to vector<16xi32>
      %gather3A_1659 = tpu.dynamic_gather %add3A_1653[%gather3A_1658] in [0] : vector<16xf32>, vector<16xi32> -> vector<16xf32>
      %add3A_1660 = arith.addf %add3A_1653, %gather3A_1659 : vector<16xf32>
      %eq3A_1661 = arith.constant 12 : i32
      %eq3A_1662 = vector.broadcast %eq3A_1661 : i32 to vector<16xi32>
      %eq3A_1663 = arith.cmpi eq, %iota3A, %eq3A_1662 : vector<16xi32>
      %select_n3A_1664 = arith.select %eq3A_1663, %add3A_1660, %select_n3A_1573 : vector<16xi1>, vector<16xf32>
      %mul3A_1665 = arith.constant 16 : i32
      %mul3A_1666 = arith.muli %scan3A_459, %mul3A_1665 : i32
      %add3A_1667 = arith.constant 13 : i32
      %add3A_1668 = arith.addi %mul3A_1666, %add3A_1667 : i32
      %slice3A_1669 = vector.extract_strided_slice %select_n3A_474 {offsets = [13], sizes = [1], strides = [1]} : vector<16xi32> to vector<1xi32>
      %squeeze3A_1670 = vector.extract %slice3A_1669[0] : i32 from vector<1xi32>
      %slice3A_1671 = vector.extract_strided_slice %select_n3A_487 {offsets = [13], sizes = [1], strides = [1]} : vector<16xi32> to vector<1xi32>
      %squeeze3A_1672 = vector.extract %slice3A_1671[0] : i32 from vector<1xi32>
      %get3A_1673 = arith.index_cast %add3A_1668 : i32 to index
      %get3A_1674 = arith.index_cast %squeeze3A_1670 : i32 to index
      %get3A_1675 = tpu.vector_load %arg14[%get3A_1673, %get3A_1674] {strides = array<i32>} : memref<128x128xf32, #tpu.memory_space<vmem>>, vector<1x16xf32>,
      %get3A_1676 = vector.shape_cast %get3A_1675 : vector<1x16xf32> to vector<16xf32>
      %get3A_1677 = arith.index_cast %add3A_1668 : i32 to index
      %get3A_1678 = arith.index_cast %squeeze3A_1672 : i32 to index
      %get3A_1679 = tpu.vector_load %arg15[%get3A_1677, %get3A_1678] {strides = array<i32>} : memref<128x128xf32, #tpu.memory_space<vmem>>, vector<1x16xf32>,
      %get3A_1680 = vector.shape_cast %get3A_1679 : vector<1x16xf32> to vector<16xf32>
      %mul3A_1681 = arith.mulf %get3A_1676, %get3A_1680 : vector<16xf32>
      %add3A_1682 = arith.constant 16 : i32
      %add3A_1683 = arith.addi %squeeze3A_1670, %add3A_1682 : i32
      %get3A_1684 = arith.index_cast %add3A_1668 : i32 to index
      %get3A_1685 = arith.index_cast %add3A_1683 : i32 to index
      %get3A_1686 = tpu.vector_load %arg14[%get3A_1684, %get3A_1685] {strides = array<i32>} : memref<128x128xf32, #tpu.memory_space<vmem>>, vector<1x16xf32>,
      %get3A_1687 = vector.shape_cast %get3A_1686 : vector<1x16xf32> to vector<16xf32>
      %add3A_1688 = arith.constant 16 : i32
      %add3A_1689 = arith.addi %squeeze3A_1672, %add3A_1688 : i32
      %get3A_1690 = arith.index_cast %add3A_1668 : i32 to index
      %get3A_1691 = arith.index_cast %add3A_1689 : i32 to index
      %get3A_1692 = tpu.vector_load %arg15[%get3A_1690, %get3A_1691] {strides = array<i32>} : memref<128x128xf32, #tpu.memory_space<vmem>>, vector<1x16xf32>,
      %get3A_1693 = vector.shape_cast %get3A_1692 : vector<1x16xf32> to vector<16xf32>
      %mul3A_1694 = arith.mulf %get3A_1687, %get3A_1693 : vector<16xf32>
      %add3A_1695 = arith.addf %mul3A_1681, %mul3A_1694 : vector<16xf32>
      %add3A_1696 = arith.constant 32 : i32
      %add3A_1697 = arith.addi %squeeze3A_1670, %add3A_1696 : i32
      %get3A_1698 = arith.index_cast %add3A_1668 : i32 to index
      %get3A_1699 = arith.index_cast %add3A_1697 : i32 to index
      %get3A_1700 = tpu.vector_load %arg14[%get3A_1698, %get3A_1699] {strides = array<i32>} : memref<128x128xf32, #tpu.memory_space<vmem>>, vector<1x16xf32>,
      %get3A_1701 = vector.shape_cast %get3A_1700 : vector<1x16xf32> to vector<16xf32>
      %add3A_1702 = arith.constant 32 : i32
      %add3A_1703 = arith.addi %squeeze3A_1672, %add3A_1702 : i32
      %get3A_1704 = arith.index_cast %add3A_1668 : i32 to index
      %get3A_1705 = arith.index_cast %add3A_1703 : i32 to index
      %get3A_1706 = tpu.vector_load %arg15[%get3A_1704, %get3A_1705] {strides = array<i32>} : memref<128x128xf32, #tpu.memory_space<vmem>>, vector<1x16xf32>,
      %get3A_1707 = vector.shape_cast %get3A_1706 : vector<1x16xf32> to vector<16xf32>
      %mul3A_1708 = arith.mulf %get3A_1701, %get3A_1707 : vector<16xf32>
      %add3A_1709 = arith.addf %add3A_1695, %mul3A_1708 : vector<16xf32>
      %add3A_1710 = arith.constant 48 : i32
      %add3A_1711 = arith.addi %squeeze3A_1670, %add3A_1710 : i32
      %get3A_1712 = arith.index_cast %add3A_1668 : i32 to index
      %get3A_1713 = arith.index_cast %add3A_1711 : i32 to index
      %get3A_1714 = tpu.vector_load %arg14[%get3A_1712, %get3A_1713] {strides = array<i32>} : memref<128x128xf32, #tpu.memory_space<vmem>>, vector<1x16xf32>,
      %get3A_1715 = vector.shape_cast %get3A_1714 : vector<1x16xf32> to vector<16xf32>
      %add3A_1716 = arith.constant 48 : i32
      %add3A_1717 = arith.addi %squeeze3A_1672, %add3A_1716 : i32
      %get3A_1718 = arith.index_cast %add3A_1668 : i32 to index
      %get3A_1719 = arith.index_cast %add3A_1717 : i32 to index
      %get3A_1720 = tpu.vector_load %arg15[%get3A_1718, %get3A_1719] {strides = array<i32>} : memref<128x128xf32, #tpu.memory_space<vmem>>, vector<1x16xf32>,
      %get3A_1721 = vector.shape_cast %get3A_1720 : vector<1x16xf32> to vector<16xf32>
      %mul3A_1722 = arith.mulf %get3A_1715, %get3A_1721 : vector<16xf32>
      %add3A_1723 = arith.addf %add3A_1709, %mul3A_1722 : vector<16xf32>
      %xor3A_1724 = arith.constant 8 : i32
      %xor3A_1725 = vector.broadcast %xor3A_1724 : i32 to vector<16xi32>
      %xor3A_1726 = arith.xori %iota3A, %xor3A_1725 : vector<16xi32>
      %reshape3A_1727 = vector.shape_cast %xor3A_1726 : vector<16xi32> to vector<16x1xi32>
      %gather3A_1728 = vector.shape_cast %reshape3A_1727 : vector<16x1xi32> to vector<16xi32>
      %gather3A_1729 = tpu.dynamic_gather %add3A_1723[%gather3A_1728] in [0] : vector<16xf32>, vector<16xi32> -> vector<16xf32>
      %add3A_1730 = arith.addf %add3A_1723, %gather3A_1729 : vector<16xf32>
      %xor3A_1731 = arith.constant 4 : i32
      %xor3A_1732 = vector.broadcast %xor3A_1731 : i32 to vector<16xi32>
      %xor3A_1733 = arith.xori %iota3A, %xor3A_1732 : vector<16xi32>
      %reshape3A_1734 = vector.shape_cast %xor3A_1733 : vector<16xi32> to vector<16x1xi32>
      %gather3A_1735 = vector.shape_cast %reshape3A_1734 : vector<16x1xi32> to vector<16xi32>
      %gather3A_1736 = tpu.dynamic_gather %add3A_1730[%gather3A_1735] in [0] : vector<16xf32>, vector<16xi32> -> vector<16xf32>
      %add3A_1737 = arith.addf %add3A_1730, %gather3A_1736 : vector<16xf32>
      %xor3A_1738 = arith.constant 2 : i32
      %xor3A_1739 = vector.broadcast %xor3A_1738 : i32 to vector<16xi32>
      %xor3A_1740 = arith.xori %iota3A, %xor3A_1739 : vector<16xi32>
      %reshape3A_1741 = vector.shape_cast %xor3A_1740 : vector<16xi32> to vector<16x1xi32>
      %gather3A_1742 = vector.shape_cast %reshape3A_1741 : vector<16x1xi32> to vector<16xi32>
      %gather3A_1743 = tpu.dynamic_gather %add3A_1737[%gather3A_1742] in [0] : vector<16xf32>, vector<16xi32> -> vector<16xf32>
      %add3A_1744 = arith.addf %add3A_1737, %gather3A_1743 : vector<16xf32>
      %xor3A_1745 = arith.constant 1 : i32
      %xor3A_1746 = vector.broadcast %xor3A_1745 : i32 to vector<16xi32>
      %xor3A_1747 = arith.xori %iota3A, %xor3A_1746 : vector<16xi32>
      %reshape3A_1748 = vector.shape_cast %xor3A_1747 : vector<16xi32> to vector<16x1xi32>
      %gather3A_1749 = vector.shape_cast %reshape3A_1748 : vector<16x1xi32> to vector<16xi32>
      %gather3A_1750 = tpu.dynamic_gather %add3A_1744[%gather3A_1749] in [0] : vector<16xf32>, vector<16xi32> -> vector<16xf32>
      %add3A_1751 = arith.addf %add3A_1744, %gather3A_1750 : vector<16xf32>
      %eq3A_1752 = arith.constant 13 : i32
      %eq3A_1753 = vector.broadcast %eq3A_1752 : i32 to vector<16xi32>
      %eq3A_1754 = arith.cmpi eq, %iota3A, %eq3A_1753 : vector<16xi32>
      %select_n3A_1755 = arith.select %eq3A_1754, %add3A_1751, %select_n3A_1664 : vector<16xi1>, vector<16xf32>
      %mul3A_1756 = arith.constant 16 : i32
      %mul3A_1757 = arith.muli %scan3A_459, %mul3A_1756 : i32
      %add3A_1758 = arith.constant 14 : i32
      %add3A_1759 = arith.addi %mul3A_1757, %add3A_1758 : i32
      %slice3A_1760 = vector.extract_strided_slice %select_n3A_474 {offsets = [14], sizes = [1], strides = [1]} : vector<16xi32> to vector<1xi32>
      %squeeze3A_1761 = vector.extract %slice3A_1760[0] : i32 from vector<1xi32>
      %slice3A_1762 = vector.extract_strided_slice %select_n3A_487 {offsets = [14], sizes = [1], strides = [1]} : vector<16xi32> to vector<1xi32>
      %squeeze3A_1763 = vector.extract %slice3A_1762[0] : i32 from vector<1xi32>
      %get3A_1764 = arith.index_cast %add3A_1759 : i32 to index
      %get3A_1765 = arith.index_cast %squeeze3A_1761 : i32 to index
      %get3A_1766 = tpu.vector_load %arg14[%get3A_1764, %get3A_1765] {strides = array<i32>} : memref<128x128xf32, #tpu.memory_space<vmem>>, vector<1x16xf32>,
      %get3A_1767 = vector.shape_cast %get3A_1766 : vector<1x16xf32> to vector<16xf32>
      %get3A_1768 = arith.index_cast %add3A_1759 : i32 to index
      %get3A_1769 = arith.index_cast %squeeze3A_1763 : i32 to index
      %get3A_1770 = tpu.vector_load %arg15[%get3A_1768, %get3A_1769] {strides = array<i32>} : memref<128x128xf32, #tpu.memory_space<vmem>>, vector<1x16xf32>,
      %get3A_1771 = vector.shape_cast %get3A_1770 : vector<1x16xf32> to vector<16xf32>
      %mul3A_1772 = arith.mulf %get3A_1767, %get3A_1771 : vector<16xf32>
      %add3A_1773 = arith.constant 16 : i32
      %add3A_1774 = arith.addi %squeeze3A_1761, %add3A_1773 : i32
      %get3A_1775 = arith.index_cast %add3A_1759 : i32 to index
      %get3A_1776 = arith.index_cast %add3A_1774 : i32 to index
      %get3A_1777 = tpu.vector_load %arg14[%get3A_1775, %get3A_1776] {strides = array<i32>} : memref<128x128xf32, #tpu.memory_space<vmem>>, vector<1x16xf32>,
      %get3A_1778 = vector.shape_cast %get3A_1777 : vector<1x16xf32> to vector<16xf32>
      %add3A_1779 = arith.constant 16 : i32
      %add3A_1780 = arith.addi %squeeze3A_1763, %add3A_1779 : i32
      %get3A_1781 = arith.index_cast %add3A_1759 : i32 to index
      %get3A_1782 = arith.index_cast %add3A_1780 : i32 to index
      %get3A_1783 = tpu.vector_load %arg15[%get3A_1781, %get3A_1782] {strides = array<i32>} : memref<128x128xf32, #tpu.memory_space<vmem>>, vector<1x16xf32>,
      %get3A_1784 = vector.shape_cast %get3A_1783 : vector<1x16xf32> to vector<16xf32>
      %mul3A_1785 = arith.mulf %get3A_1778, %get3A_1784 : vector<16xf32>
      %add3A_1786 = arith.addf %mul3A_1772, %mul3A_1785 : vector<16xf32>
      %add3A_1787 = arith.constant 32 : i32
      %add3A_1788 = arith.addi %squeeze3A_1761, %add3A_1787 : i32
      %get3A_1789 = arith.index_cast %add3A_1759 : i32 to index
      %get3A_1790 = arith.index_cast %add3A_1788 : i32 to index
      %get3A_1791 = tpu.vector_load %arg14[%get3A_1789, %get3A_1790] {strides = array<i32>} : memref<128x128xf32, #tpu.memory_space<vmem>>, vector<1x16xf32>,
      %get3A_1792 = vector.shape_cast %get3A_1791 : vector<1x16xf32> to vector<16xf32>
      %add3A_1793 = arith.constant 32 : i32
      %add3A_1794 = arith.addi %squeeze3A_1763, %add3A_1793 : i32
      %get3A_1795 = arith.index_cast %add3A_1759 : i32 to index
      %get3A_1796 = arith.index_cast %add3A_1794 : i32 to index
      %get3A_1797 = tpu.vector_load %arg15[%get3A_1795, %get3A_1796] {strides = array<i32>} : memref<128x128xf32, #tpu.memory_space<vmem>>, vector<1x16xf32>,
      %get3A_1798 = vector.shape_cast %get3A_1797 : vector<1x16xf32> to vector<16xf32>
      %mul3A_1799 = arith.mulf %get3A_1792, %get3A_1798 : vector<16xf32>
      %add3A_1800 = arith.addf %add3A_1786, %mul3A_1799 : vector<16xf32>
      %add3A_1801 = arith.constant 48 : i32
      %add3A_1802 = arith.addi %squeeze3A_1761, %add3A_1801 : i32
      %get3A_1803 = arith.index_cast %add3A_1759 : i32 to index
      %get3A_1804 = arith.index_cast %add3A_1802 : i32 to index
      %get3A_1805 = tpu.vector_load %arg14[%get3A_1803, %get3A_1804] {strides = array<i32>} : memref<128x128xf32, #tpu.memory_space<vmem>>, vector<1x16xf32>,
      %get3A_1806 = vector.shape_cast %get3A_1805 : vector<1x16xf32> to vector<16xf32>
      %add3A_1807 = arith.constant 48 : i32
      %add3A_1808 = arith.addi %squeeze3A_1763, %add3A_1807 : i32
      %get3A_1809 = arith.index_cast %add3A_1759 : i32 to index
      %get3A_1810 = arith.index_cast %add3A_1808 : i32 to index
      %get3A_1811 = tpu.vector_load %arg15[%get3A_1809, %get3A_1810] {strides = array<i32>} : memref<128x128xf32, #tpu.memory_space<vmem>>, vector<1x16xf32>,
      %get3A_1812 = vector.shape_cast %get3A_1811 : vector<1x16xf32> to vector<16xf32>
      %mul3A_1813 = arith.mulf %get3A_1806, %get3A_1812 : vector<16xf32>
      %add3A_1814 = arith.addf %add3A_1800, %mul3A_1813 : vector<16xf32>
      %xor3A_1815 = arith.constant 8 : i32
      %xor3A_1816 = vector.broadcast %xor3A_1815 : i32 to vector<16xi32>
      %xor3A_1817 = arith.xori %iota3A, %xor3A_1816 : vector<16xi32>
      %reshape3A_1818 = vector.shape_cast %xor3A_1817 : vector<16xi32> to vector<16x1xi32>
      %gather3A_1819 = vector.shape_cast %reshape3A_1818 : vector<16x1xi32> to vector<16xi32>
      %gather3A_1820 = tpu.dynamic_gather %add3A_1814[%gather3A_1819] in [0] : vector<16xf32>, vector<16xi32> -> vector<16xf32>
      %add3A_1821 = arith.addf %add3A_1814, %gather3A_1820 : vector<16xf32>
      %xor3A_1822 = arith.constant 4 : i32
      %xor3A_1823 = vector.broadcast %xor3A_1822 : i32 to vector<16xi32>
      %xor3A_1824 = arith.xori %iota3A, %xor3A_1823 : vector<16xi32>
      %reshape3A_1825 = vector.shape_cast %xor3A_1824 : vector<16xi32> to vector<16x1xi32>
      %gather3A_1826 = vector.shape_cast %reshape3A_1825 : vector<16x1xi32> to vector<16xi32>
      %gather3A_1827 = tpu.dynamic_gather %add3A_1821[%gather3A_1826] in [0] : vector<16xf32>, vector<16xi32> -> vector<16xf32>
      %add3A_1828 = arith.addf %add3A_1821, %gather3A_1827 : vector<16xf32>
      %xor3A_1829 = arith.constant 2 : i32
      %xor3A_1830 = vector.broadcast %xor3A_1829 : i32 to vector<16xi32>
      %xor3A_1831 = arith.xori %iota3A, %xor3A_1830 : vector<16xi32>
      %reshape3A_1832 = vector.shape_cast %xor3A_1831 : vector<16xi32> to vector<16x1xi32>
      %gather3A_1833 = vector.shape_cast %reshape3A_1832 : vector<16x1xi32> to vector<16xi32>
      %gather3A_1834 = tpu.dynamic_gather %add3A_1828[%gather3A_1833] in [0] : vector<16xf32>, vector<16xi32> -> vector<16xf32>
      %add3A_1835 = arith.addf %add3A_1828, %gather3A_1834 : vector<16xf32>
      %xor3A_1836 = arith.constant 1 : i32
      %xor3A_1837 = vector.broadcast %xor3A_1836 : i32 to vector<16xi32>
      %xor3A_1838 = arith.xori %iota3A, %xor3A_1837 : vector<16xi32>
      %reshape3A_1839 = vector.shape_cast %xor3A_1838 : vector<16xi32> to vector<16x1xi32>
      %gather3A_1840 = vector.shape_cast %reshape3A_1839 : vector<16x1xi32> to vector<16xi32>
      %gather3A_1841 = tpu.dynamic_gather %add3A_1835[%gather3A_1840] in [0] : vector<16xf32>, vector<16xi32> -> vector<16xf32>
      %add3A_1842 = arith.addf %add3A_1835, %gather3A_1841 : vector<16xf32>
      %eq3A_1843 = arith.constant 14 : i32
      %eq3A_1844 = vector.broadcast %eq3A_1843 : i32 to vector<16xi32>
      %eq3A_1845 = arith.cmpi eq, %iota3A, %eq3A_1844 : vector<16xi32>
      %select_n3A_1846 = arith.select %eq3A_1845, %add3A_1842, %select_n3A_1755 : vector<16xi1>, vector<16xf32>
      %mul3A_1847 = arith.constant 16 : i32
      %mul3A_1848 = arith.muli %scan3A_459, %mul3A_1847 : i32
      %add3A_1849 = arith.constant 15 : i32
      %add3A_1850 = arith.addi %mul3A_1848, %add3A_1849 : i32
      %slice3A_1851 = vector.extract_strided_slice %select_n3A_474 {offsets = [15], sizes = [1], strides = [1]} : vector<16xi32> to vector<1xi32>
      %squeeze3A_1852 = vector.extract %slice3A_1851[0] : i32 from vector<1xi32>
      %slice3A_1853 = vector.extract_strided_slice %select_n3A_487 {offsets = [15], sizes = [1], strides = [1]} : vector<16xi32> to vector<1xi32>
      %squeeze3A_1854 = vector.extract %slice3A_1853[0] : i32 from vector<1xi32>
      %get3A_1855 = arith.index_cast %add3A_1850 : i32 to index
      %get3A_1856 = arith.index_cast %squeeze3A_1852 : i32 to index
      %get3A_1857 = tpu.vector_load %arg14[%get3A_1855, %get3A_1856] {strides = array<i32>} : memref<128x128xf32, #tpu.memory_space<vmem>>, vector<1x16xf32>,
      %get3A_1858 = vector.shape_cast %get3A_1857 : vector<1x16xf32> to vector<16xf32>
      %get3A_1859 = arith.index_cast %add3A_1850 : i32 to index
      %get3A_1860 = arith.index_cast %squeeze3A_1854 : i32 to index
      %get3A_1861 = tpu.vector_load %arg15[%get3A_1859, %get3A_1860] {strides = array<i32>} : memref<128x128xf32, #tpu.memory_space<vmem>>, vector<1x16xf32>,
      %get3A_1862 = vector.shape_cast %get3A_1861 : vector<1x16xf32> to vector<16xf32>
      %mul3A_1863 = arith.mulf %get3A_1858, %get3A_1862 : vector<16xf32>
      %add3A_1864 = arith.constant 16 : i32
      %add3A_1865 = arith.addi %squeeze3A_1852, %add3A_1864 : i32
      %get3A_1866 = arith.index_cast %add3A_1850 : i32 to index
      %get3A_1867 = arith.index_cast %add3A_1865 : i32 to index
      %get3A_1868 = tpu.vector_load %arg14[%get3A_1866, %get3A_1867] {strides = array<i32>} : memref<128x128xf32, #tpu.memory_space<vmem>>, vector<1x16xf32>,
      %get3A_1869 = vector.shape_cast %get3A_1868 : vector<1x16xf32> to vector<16xf32>
      %add3A_1870 = arith.constant 16 : i32
      %add3A_1871 = arith.addi %squeeze3A_1854, %add3A_1870 : i32
      %get3A_1872 = arith.index_cast %add3A_1850 : i32 to index
      %get3A_1873 = arith.index_cast %add3A_1871 : i32 to index
      %get3A_1874 = tpu.vector_load %arg15[%get3A_1872, %get3A_1873] {strides = array<i32>} : memref<128x128xf32, #tpu.memory_space<vmem>>, vector<1x16xf32>,
      %get3A_1875 = vector.shape_cast %get3A_1874 : vector<1x16xf32> to vector<16xf32>
      %mul3A_1876 = arith.mulf %get3A_1869, %get3A_1875 : vector<16xf32>
      %add3A_1877 = arith.addf %mul3A_1863, %mul3A_1876 : vector<16xf32>
      %add3A_1878 = arith.constant 32 : i32
      %add3A_1879 = arith.addi %squeeze3A_1852, %add3A_1878 : i32
      %get3A_1880 = arith.index_cast %add3A_1850 : i32 to index
      %get3A_1881 = arith.index_cast %add3A_1879 : i32 to index
      %get3A_1882 = tpu.vector_load %arg14[%get3A_1880, %get3A_1881] {strides = array<i32>} : memref<128x128xf32, #tpu.memory_space<vmem>>, vector<1x16xf32>,
      %get3A_1883 = vector.shape_cast %get3A_1882 : vector<1x16xf32> to vector<16xf32>
      %add3A_1884 = arith.constant 32 : i32
      %add3A_1885 = arith.addi %squeeze3A_1854, %add3A_1884 : i32
      %get3A_1886 = arith.index_cast %add3A_1850 : i32 to index
      %get3A_1887 = arith.index_cast %add3A_1885 : i32 to index
      %get3A_1888 = tpu.vector_load %arg15[%get3A_1886, %get3A_1887] {strides = array<i32>} : memref<128x128xf32, #tpu.memory_space<vmem>>, vector<1x16xf32>,
      %get3A_1889 = vector.shape_cast %get3A_1888 : vector<1x16xf32> to vector<16xf32>
      %mul3A_1890 = arith.mulf %get3A_1883, %get3A_1889 : vector<16xf32>
      %add3A_1891 = arith.addf %add3A_1877, %mul3A_1890 : vector<16xf32>
      %add3A_1892 = arith.constant 48 : i32
      %add3A_1893 = arith.addi %squeeze3A_1852, %add3A_1892 : i32
      %get3A_1894 = arith.index_cast %add3A_1850 : i32 to index
      %get3A_1895 = arith.index_cast %add3A_1893 : i32 to index
      %get3A_1896 = tpu.vector_load %arg14[%get3A_1894, %get3A_1895] {strides = array<i32>} : memref<128x128xf32, #tpu.memory_space<vmem>>, vector<1x16xf32>,
      %get3A_1897 = vector.shape_cast %get3A_1896 : vector<1x16xf32> to vector<16xf32>
      %add3A_1898 = arith.constant 48 : i32
      %add3A_1899 = arith.addi %squeeze3A_1854, %add3A_1898 : i32
      %get3A_1900 = arith.index_cast %add3A_1850 : i32 to index
      %get3A_1901 = arith.index_cast %add3A_1899 : i32 to index
      %get3A_1902 = tpu.vector_load %arg15[%get3A_1900, %get3A_1901] {strides = array<i32>} : memref<128x128xf32, #tpu.memory_space<vmem>>, vector<1x16xf32>,
      %get3A_1903 = vector.shape_cast %get3A_1902 : vector<1x16xf32> to vector<16xf32>
      %mul3A_1904 = arith.mulf %get3A_1897, %get3A_1903 : vector<16xf32>
      %add3A_1905 = arith.addf %add3A_1891, %mul3A_1904 : vector<16xf32>
      %xor3A_1906 = arith.constant 8 : i32
      %xor3A_1907 = vector.broadcast %xor3A_1906 : i32 to vector<16xi32>
      %xor3A_1908 = arith.xori %iota3A, %xor3A_1907 : vector<16xi32>
      %reshape3A_1909 = vector.shape_cast %xor3A_1908 : vector<16xi32> to vector<16x1xi32>
      %gather3A_1910 = vector.shape_cast %reshape3A_1909 : vector<16x1xi32> to vector<16xi32>
      %gather3A_1911 = tpu.dynamic_gather %add3A_1905[%gather3A_1910] in [0] : vector<16xf32>, vector<16xi32> -> vector<16xf32>
      %add3A_1912 = arith.addf %add3A_1905, %gather3A_1911 : vector<16xf32>
      %xor3A_1913 = arith.constant 4 : i32
      %xor3A_1914 = vector.broadcast %xor3A_1913 : i32 to vector<16xi32>
      %xor3A_1915 = arith.xori %iota3A, %xor3A_1914 : vector<16xi32>
      %reshape3A_1916 = vector.shape_cast %xor3A_1915 : vector<16xi32> to vector<16x1xi32>
      %gather3A_1917 = vector.shape_cast %reshape3A_1916 : vector<16x1xi32> to vector<16xi32>
      %gather3A_1918 = tpu.dynamic_gather %add3A_1912[%gather3A_1917] in [0] : vector<16xf32>, vector<16xi32> -> vector<16xf32>
      %add3A_1919 = arith.addf %add3A_1912, %gather3A_1918 : vector<16xf32>
      %xor3A_1920 = arith.constant 2 : i32
      %xor3A_1921 = vector.broadcast %xor3A_1920 : i32 to vector<16xi32>
      %xor3A_1922 = arith.xori %iota3A, %xor3A_1921 : vector<16xi32>
      %reshape3A_1923 = vector.shape_cast %xor3A_1922 : vector<16xi32> to vector<16x1xi32>
      %gather3A_1924 = vector.shape_cast %reshape3A_1923 : vector<16x1xi32> to vector<16xi32>
      %gather3A_1925 = tpu.dynamic_gather %add3A_1919[%gather3A_1924] in [0] : vector<16xf32>, vector<16xi32> -> vector<16xf32>
      %add3A_1926 = arith.addf %add3A_1919, %gather3A_1925 : vector<16xf32>
      %xor3A_1927 = arith.constant 1 : i32
      %xor3A_1928 = vector.broadcast %xor3A_1927 : i32 to vector<16xi32>
      %xor3A_1929 = arith.xori %iota3A, %xor3A_1928 : vector<16xi32>
      %reshape3A_1930 = vector.shape_cast %xor3A_1929 : vector<16xi32> to vector<16x1xi32>
      %gather3A_1931 = vector.shape_cast %reshape3A_1930 : vector<16x1xi32> to vector<16xi32>
      %gather3A_1932 = tpu.dynamic_gather %add3A_1926[%gather3A_1931] in [0] : vector<16xf32>, vector<16xi32> -> vector<16xf32>
      %add3A_1933 = arith.addf %add3A_1926, %gather3A_1932 : vector<16xf32>
      %eq3A_1934 = arith.constant 15 : i32
      %eq3A_1935 = vector.broadcast %eq3A_1934 : i32 to vector<16xi32>
      %eq3A_1936 = arith.cmpi eq, %iota3A, %eq3A_1935 : vector<16xi32>
      %select_n3A_1937 = arith.select %eq3A_1936, %add3A_1933, %select_n3A_1846 : vector<16xi1>, vector<16xf32>
      %mul3A_1938 = arith.constant 16 : i32
      %mul3A_1939 = arith.muli %scan3A_459, %mul3A_1938 : i32
      %swap3A_1940 = arith.index_cast %mul3A_1939 : i32 to index
      %swap3A_1941 = tpu.vector_load %arg18[%swap3A_1940] {strides = array<i32>} : memref<128xf32, #tpu.memory_space<vmem>>, vector<16xf32>,
      %swap3A_1942 = vector.shape_cast %swap3A_1941 : vector<16xf32> to vector<16xf32>
      %swap3A_1943 = vector.shape_cast %select_n3A_1937 : vector<16xf32> to vector<16xf32>
      tpu.vector_store %arg18[%swap3A_1940], %swap3A_1943 {strides = array<i32>} : memref<128xf32, #tpu.memory_space<vmem>>, vector<16xf32>,
    }
    %scan3A_458 = arith.constant 8 : i32
    "tpu.region"() ({
      %run_scoped3A = tpu.sem_alloc : memref<!tpu.dma_semaphore, #tpu.memory_space<semaphore_mem>>
      %dma_start3A_459 = tpu.memref_slice %arg8[%mul3A_2] : memref<4096xf32, #tpu.memory_space<hbm>> -> memref<128xf32, #tpu.memory_space<hbm>>
      %dma_start3A_460 = tpu.memref_slice %arg8[%mul3A_2] : memref<4096xf32, #tpu.memory_space<hbm>> -> memref<128xf32, #tpu.memory_space<hbm>>
      tpu.enqueue_dma source(%arg18 : memref<128xf32, #tpu.memory_space<vmem>>) target(%dma_start3A_460 : memref<128xf32, #tpu.memory_space<hbm>>) target_semaphore(%run_scoped3A : memref<!tpu.dma_semaphore, #tpu.memory_space<semaphore_mem>>)
      %dma_wait3A_461 = tpu.memref_slice %arg8[%mul3A_2] : memref<4096xf32, #tpu.memory_space<hbm>> -> memref<128xf32, #tpu.memory_space<hbm>>
      %dma_wait3A_462 = tpu.memref_slice %arg8[%mul3A_2] : memref<4096xf32, #tpu.memory_space<hbm>> -> memref<128xf32, #tpu.memory_space<hbm>>
      tpu.wait_dma2 semaphore(%run_scoped3A : memref<!tpu.dma_semaphore, #tpu.memory_space<semaphore_mem>>) src(%arg18 : memref<128xf32, #tpu.memory_space<vmem>>) dst(%dma_wait3A_462 : memref<128xf32, #tpu.memory_space<hbm>>)
      tpu.yield
    }) : () -> ()
    "tpu.region"() ({
      %run_scoped3A = tpu.sem_alloc : memref<!tpu.dma_semaphore, #tpu.memory_space<semaphore_mem>>
      %dma_start3A_459 = tpu.memref_slice %arg9[%mul3A_2] : memref<4096xf32, #tpu.memory_space<hbm>> -> memref<128xf32, #tpu.memory_space<hbm>>
      %dma_start3A_460 = tpu.memref_slice %arg9[%mul3A_2] : memref<4096xf32, #tpu.memory_space<hbm>> -> memref<128xf32, #tpu.memory_space<hbm>>
      tpu.enqueue_dma source(%arg19 : memref<128xf32, #tpu.memory_space<vmem>>) target(%dma_start3A_460 : memref<128xf32, #tpu.memory_space<hbm>>) target_semaphore(%run_scoped3A : memref<!tpu.dma_semaphore, #tpu.memory_space<semaphore_mem>>)
      %dma_wait3A_461 = tpu.memref_slice %arg9[%mul3A_2] : memref<4096xf32, #tpu.memory_space<hbm>> -> memref<128xf32, #tpu.memory_space<hbm>>
      %dma_wait3A_462 = tpu.memref_slice %arg9[%mul3A_2] : memref<4096xf32, #tpu.memory_space<hbm>> -> memref<128xf32, #tpu.memory_space<hbm>>
      tpu.wait_dma2 semaphore(%run_scoped3A : memref<!tpu.dma_semaphore, #tpu.memory_space<semaphore_mem>>) src(%arg19 : memref<128xf32, #tpu.memory_space<vmem>>) dst(%dma_wait3A_462 : memref<128xf32, #tpu.memory_space<hbm>>)
      tpu.yield
    }) : () -> ()
    return
  }
}

module attributes {stable_mosaic.version = 14 : i64} {
  func.func @_tc_transpose(%arg0: i32, %arg1: memref<64x1024xf32, #tpu.memory_space<vmem>>, %arg2: memref<64x1024xf32, #tpu.memory_space<vmem>>, %arg3: memref<64x1024xf32, #tpu.memory_space<vmem>>, %arg4: memref<64x1024xf32, #tpu.memory_space<vmem>>, %arg5: memref<1024x128xf32, #tpu.memory_space<vmem>>, %arg6: memref<1024x128xf32, #tpu.memory_space<vmem>>) attributes {dimension_semantics = [#tpu.dimension_semantics<arbitrary>], iteration_bounds = array<i64: 49>, scalar_prefetch = 0 : i64, scratch_operands = 0 : i64, tpu.core_type = #tpu.core_type<tc>, window_params = [{transform_indices = @transform_0, window_bounds = array<i64: 64, 1024>}, {transform_indices = @transform_1, window_bounds = array<i64: 64, 1024>}, {transform_indices = @transform_2, window_bounds = array<i64: 64, 1024>}, {transform_indices = @transform_3, window_bounds = array<i64: 64, 1024>}, {transform_indices = @transform_4, window_bounds = array<i64: 1024, 128>}, {transform_indices = @transform_5, window_bounds = array<i64: 1024, 128>}]} {
    %iota3A = tpu.iota {dimensions = array<i32: 0>} : vector<64x64xi32>
    %iota3A_0 = tpu.iota {dimensions = array<i32: 1>} : vector<64x64xi32>
    %add3A = arith.constant 0 : i32
    %add3A_1 = vector.broadcast %add3A : i32 to vector<64x64xi32>
    %add3A_2 = arith.addi %iota3A, %add3A_1 : vector<64x64xi32>
    %eq3A = arith.cmpi eq, %add3A_2, %iota3A_0 : vector<64x64xi32>
    %convert_element_type3A = arith.extui %eq3A : vector<64x64xi1> to vector<64x64xi32>
    %convert_element_type3A_3 = arith.sitofp %convert_element_type3A : vector<64x64xi32> to vector<64x64xf32>
    %get3A = arith.constant 0 : index
    %get3A_4 = arith.constant 0 : index
    %get3A_5 = vector.load %arg1[%get3A, %get3A_4] : memref<64x1024xf32, #tpu.memory_space<vmem>>, vector<64x1024xf32>
    %dot_general3A = arith.constant dense<0.000000e+00> : vector<1024x64xf32>
    %dot_general3A_6 = tpu.matmul %get3A_5, %convert_element_type3A_3, %dot_general3A {dimension_numbers = #tpu.dot_dimension_numbers<[0], [0], [1], [1], [0, 1, 1, 1], [], []>, transpose_lhs_hint = false} : vector<64x1024xf32>, vector<64x64xf32>, vector<1024x64xf32> -> vector<1024x64xf32>
    %get3A_7 = arith.constant 0 : index
    %get3A_8 = arith.constant 0 : index
    %get3A_9 = vector.load %arg2[%get3A_7, %get3A_8] : memref<64x1024xf32, #tpu.memory_space<vmem>>, vector<64x1024xf32>
    %dot_general3A_10 = arith.constant dense<0.000000e+00> : vector<1024x64xf32>
    %dot_general3A_11 = tpu.matmul %get3A_9, %convert_element_type3A_3, %dot_general3A_10 {dimension_numbers = #tpu.dot_dimension_numbers<[0], [0], [1], [1], [0, 1, 1, 1], [], []>, transpose_lhs_hint = false} : vector<64x1024xf32>, vector<64x64xf32>, vector<1024x64xf32> -> vector<1024x64xf32>
    %concatenate3A = tpu.concatenate %dot_general3A_6, %dot_general3A_11 in 1 : vector<1024x64xf32>, vector<1024x64xf32> -> vector<1024x128xf32>
    %swap3A = arith.constant 0 : index
    %swap3A_12 = arith.constant 0 : index
    %swap3A_13 = vector.load %arg5[%swap3A, %swap3A_12] : memref<1024x128xf32, #tpu.memory_space<vmem>>, vector<1024x128xf32>
    tpu.vector_store %arg5[%swap3A, %swap3A_12], %concatenate3A {strides = array<i32>} : memref<1024x128xf32, #tpu.memory_space<vmem>>, vector<1024x128xf32>,
    %get3A_14 = arith.constant 0 : index
    %get3A_15 = arith.constant 0 : index
    %get3A_16 = vector.load %arg3[%get3A_14, %get3A_15] : memref<64x1024xf32, #tpu.memory_space<vmem>>, vector<64x1024xf32>
    %dot_general3A_17 = arith.constant dense<0.000000e+00> : vector<1024x64xf32>
    %dot_general3A_18 = tpu.matmul %get3A_16, %convert_element_type3A_3, %dot_general3A_17 {dimension_numbers = #tpu.dot_dimension_numbers<[0], [0], [1], [1], [0, 1, 1, 1], [], []>, transpose_lhs_hint = false} : vector<64x1024xf32>, vector<64x64xf32>, vector<1024x64xf32> -> vector<1024x64xf32>
    %get3A_19 = arith.constant 0 : index
    %get3A_20 = arith.constant 0 : index
    %get3A_21 = vector.load %arg4[%get3A_19, %get3A_20] : memref<64x1024xf32, #tpu.memory_space<vmem>>, vector<64x1024xf32>
    %dot_general3A_22 = arith.constant dense<0.000000e+00> : vector<1024x64xf32>
    %dot_general3A_23 = tpu.matmul %get3A_21, %convert_element_type3A_3, %dot_general3A_22 {dimension_numbers = #tpu.dot_dimension_numbers<[0], [0], [1], [1], [0, 1, 1, 1], [], []>, transpose_lhs_hint = false} : vector<64x1024xf32>, vector<64x64xf32>, vector<1024x64xf32> -> vector<1024x64xf32>
    %concatenate3A_24 = tpu.concatenate %dot_general3A_18, %dot_general3A_23 in 1 : vector<1024x64xf32>, vector<1024x64xf32> -> vector<1024x128xf32>
    %swap3A_25 = arith.constant 0 : index
    %swap3A_26 = arith.constant 0 : index
    %swap3A_27 = vector.load %arg6[%swap3A_25, %swap3A_26] : memref<1024x128xf32, #tpu.memory_space<vmem>>, vector<1024x128xf32>
    tpu.vector_store %arg6[%swap3A_25, %swap3A_26], %concatenate3A_24 {strides = array<i32>} : memref<1024x128xf32, #tpu.memory_space<vmem>>, vector<1024x128xf32>,
    return
  }
  func.func @transform_0(%arg0: i32) -> (i32, i32) {
    %c0_i32 = arith.constant 0 : i32
    %c0_i32_0 = arith.constant 0 : i32
    return %c0_i32, %arg0 : i32, i32
  }
  func.func @transform_1(%arg0: i32) -> (i32, i32) {
    %add3A = arith.constant 49 : i32
    %add3A_0 = arith.addi %arg0, %add3A : i32
    %c0_i32 = arith.constant 0 : i32
    %c0_i32_1 = arith.constant 0 : i32
    return %c0_i32, %add3A_0 : i32, i32
  }
  func.func @transform_2(%arg0: i32) -> (i32, i32) {
    %c0_i32 = arith.constant 0 : i32
    %c0_i32_0 = arith.constant 0 : i32
    return %c0_i32, %arg0 : i32, i32
  }
  func.func @transform_3(%arg0: i32) -> (i32, i32) {
    %add3A = arith.constant 49 : i32
    %add3A_0 = arith.addi %arg0, %add3A : i32
    %c0_i32 = arith.constant 0 : i32
    %c0_i32_1 = arith.constant 0 : i32
    return %c0_i32, %add3A_0 : i32, i32
  }
  func.func @transform_4(%arg0: i32) -> (i32, i32) {
    %c0_i32 = arith.constant 0 : i32
    %c0_i32_0 = arith.constant 0 : i32
    return %arg0, %c0_i32 : i32, i32
  }
  func.func @transform_5(%arg0: i32) -> (i32, i32) {
    %c0_i32 = arith.constant 0 : i32
    %c0_i32_0 = arith.constant 0 : i32
    return %arg0, %c0_i32 : i32, i32
  }
}

module attributes {stable_mosaic.version = 14 : i64} {
  func.func @_tc_finish(%arg0: memref<32x128xf32, #tpu.memory_space<vmem>>, %arg1: memref<32x128xf32, #tpu.memory_space<vmem>>, %arg2: memref<32x128xf32, #tpu.memory_space<vmem>>, %arg3: memref<1x1xf32, #tpu.memory_space<vmem>>) attributes {dimension_semantics = [], scalar_prefetch = 0 : i64, scratch_operands = 0 : i64, tpu.core_type = #tpu.core_type<tc>} {
    %get3A = arith.constant 0 : index
    %get3A_0 = arith.constant 0 : index
    %get3A_1 = vector.load %arg0[%get3A, %get3A_0] : memref<32x128xf32, #tpu.memory_space<vmem>>, vector<32x128xf32>
    %log3A = math.log %get3A_1 : vector<32x128xf32>
    %mul3A = arith.constant 7.500000e-01 : f32
    %mul3A_2 = vector.broadcast %mul3A : f32 to vector<32x128xf32>
    %mul3A_3 = arith.mulf %log3A, %mul3A_2 : vector<32x128xf32>
    %exp3A = math.exp %mul3A_3 : vector<32x128xf32>
    %mul3A_4 = arith.constant 0.0316227749 : f32
    %mul3A_5 = vector.broadcast %mul3A_4 : f32 to vector<32x128xf32>
    %mul3A_6 = arith.mulf %exp3A, %mul3A_5 : vector<32x128xf32>
    %min3A = arith.constant 1.000000e+00 : f32
    %min3A_7 = vector.broadcast %min3A : f32 to vector<32x128xf32>
    %min3A_8 = arith.minimumf %mul3A_6, %min3A_7 : vector<32x128xf32>
    %get3A_9 = arith.constant 0 : index
    %get3A_10 = arith.constant 0 : index
    %get3A_11 = vector.load %arg1[%get3A_9, %get3A_10] : memref<32x128xf32, #tpu.memory_space<vmem>>, vector<32x128xf32>
    %sub3A = arith.subf %get3A_11, %log3A : vector<32x128xf32>
    %get3A_12 = arith.constant 0 : index
    %get3A_13 = arith.constant 0 : index
    %get3A_14 = vector.load %arg2[%get3A_12, %get3A_13] : memref<32x128xf32, #tpu.memory_space<vmem>>, vector<32x128xf32>
    %mul3A_15 = arith.mulf %min3A_8, %sub3A : vector<32x128xf32>
    %mul3A_16 = arith.mulf %mul3A_15, %sub3A : vector<32x128xf32>
    %reduce_sum3A = vector.shape_cast %mul3A_16 : vector<32x128xf32> to vector<1x32x128xf32>
    %reduce_sum3A_17 = arith.constant dense<0.000000e+00> : vector<1xf32>
    %reduce_sum3A_18 = vector.multi_reduction <add>, %reduce_sum3A, %reduce_sum3A_17 [1, 2] : vector<1x32x128xf32> to vector<1xf32>
    %reduce_sum3A_19 = vector.shape_cast %reduce_sum3A_18 : vector<1xf32> to vector<1x1x1xf32>
    %reduce_sum3A_20 = vector.extract %reduce_sum3A_19[0, 0, 0] : f32 from vector<1x1x1xf32>
    %mul3A_21 = arith.mulf %min3A_8, %sub3A : vector<32x128xf32>
    %reduce_sum3A_22 = vector.shape_cast %mul3A_21 : vector<32x128xf32> to vector<1x32x128xf32>
    %reduce_sum3A_23 = arith.constant dense<0.000000e+00> : vector<1xf32>
    %reduce_sum3A_24 = vector.multi_reduction <add>, %reduce_sum3A_22, %reduce_sum3A_23 [1, 2] : vector<1x32x128xf32> to vector<1xf32>
    %reduce_sum3A_25 = vector.shape_cast %reduce_sum3A_24 : vector<1xf32> to vector<1x1x1xf32>
    %reduce_sum3A_26 = vector.extract %reduce_sum3A_25[0, 0, 0] : f32 from vector<1x1x1xf32>
    %reduce_sum3A_27 = vector.shape_cast %min3A_8 : vector<32x128xf32> to vector<1x32x128xf32>
    %reduce_sum3A_28 = arith.constant dense<0.000000e+00> : vector<1xf32>
    %reduce_sum3A_29 = vector.multi_reduction <add>, %reduce_sum3A_27, %reduce_sum3A_28 [1, 2] : vector<1x32x128xf32> to vector<1xf32>
    %reduce_sum3A_30 = vector.shape_cast %reduce_sum3A_29 : vector<1xf32> to vector<1x1x1xf32>
    %reduce_sum3A_31 = vector.extract %reduce_sum3A_30[0, 0, 0] : f32 from vector<1x1x1xf32>
    %reduce_sum3A_32 = vector.shape_cast %get3A_14 : vector<32x128xf32> to vector<1x32x128xf32>
    %reduce_sum3A_33 = arith.constant dense<0.000000e+00> : vector<1xf32>
    %reduce_sum3A_34 = vector.multi_reduction <add>, %reduce_sum3A_32, %reduce_sum3A_33 [1, 2] : vector<1x32x128xf32> to vector<1xf32>
    %reduce_sum3A_35 = vector.shape_cast %reduce_sum3A_34 : vector<1xf32> to vector<1x1x1xf32>
    %reduce_sum3A_36 = vector.extract %reduce_sum3A_35[0, 0, 0] : f32 from vector<1x1x1xf32>
    %mul3A_37 = arith.mulf %get3A_14, %get3A_14 : vector<32x128xf32>
    %reduce_sum3A_38 = vector.shape_cast %mul3A_37 : vector<32x128xf32> to vector<1x32x128xf32>
    %reduce_sum3A_39 = arith.constant dense<0.000000e+00> : vector<1xf32>
    %reduce_sum3A_40 = vector.multi_reduction <add>, %reduce_sum3A_38, %reduce_sum3A_39 [1, 2] : vector<1x32x128xf32> to vector<1xf32>
    %reduce_sum3A_41 = vector.shape_cast %reduce_sum3A_40 : vector<1xf32> to vector<1x1x1xf32>
    %reduce_sum3A_42 = vector.extract %reduce_sum3A_41[0, 0, 0] : f32 from vector<1x1x1xf32>
    %mul3A_43 = arith.constant 4.096000e+03 : f32
    %mul3A_44 = arith.mulf %mul3A_43, %reduce_sum3A_20 : f32
    %mul3A_45 = arith.constant 2.000000e+00 : f32
    %mul3A_46 = arith.mulf %mul3A_45, %reduce_sum3A_26 : f32
    %mul3A_47 = arith.mulf %mul3A_46, %reduce_sum3A_36 : f32
    %add3A = arith.addf %mul3A_44, %mul3A_47 : f32
    %mul3A_48 = arith.mulf %reduce_sum3A_31, %reduce_sum3A_42 : f32
    %add3A_49 = arith.addf %add3A, %mul3A_48 : f32
    %div3A = arith.constant 0x4B800000 : f32
    %div3A_50 = arith.divf %add3A_49, %div3A : f32
    %broadcast_in_dim3A = vector.broadcast %div3A_50 : f32 to vector<1x1xf32>
    %swap3A = arith.constant 0 : index
    %swap3A_51 = arith.constant 0 : index
    %swap3A_52 = vector.load %arg3[%swap3A, %swap3A_51] : memref<1x1xf32, #tpu.memory_space<vmem>>, vector<1x1xf32>
    tpu.vector_store %arg3[%swap3A, %swap3A_51], %broadcast_in_dim3A {strides = array<i32>} : memref<1x1xf32, #tpu.memory_space<vmem>>, vector<1x1xf32>,
    return
  }
}

</mosaic_0001>

<sc_bundles>
// kernel: kernel.5.cloned.1.call-start
scs
__scs_entry_jumppad:
0x0: {  	(pc) =	sbr.rel $0x88, $3  }
0x1: {  	(tag) =	ssettag $0x0;
	lr =	simm.s32 $0x1  }
0x2: {  	[smem:$0x3F9A] =	sst lr;
	_ =	strace $0xD0000000  }
0x3: {  	_ = 	snop  }
0x4: {  	_ = 	snop  }
0x5: {  	_ = 	snop  }
0x6: {  	_ = 	snop  }
0x7: {  	_ = 	snop  }
__scs_overlays_trampoline_lowered:
0x8: {  	[smem:$0x3FA9] =	sst s0  }
0x9: {  	[smem:$0x3FAA] =	sst s1  }
0xa: {  	[smem:$0x3FAB] =	sst s2  }
0xb: {  	[smem:$0x3FAC] =	sst s3  }
0xc: {  	[smem:$0x3FAD] =	sst s4  }
0xd: {  	[smem:$0x3FAE] =	sst s5  }
0xe: {  	[smem:$0x3FAF] =	sst s6  }
0xf: {  	[smem:$0x3FB0] =	sst s7  }
0x10: {  	[smem:$0x3FB1] =	sst s8  }
0x11: {  	[smem:$0x3FB2] =	sst s9;
	s0 =	simm.s32 @!p0 $0x0  }
0x12: {  	s1 =	sld [smem:$0x3F98];
	s0 =	simm.s32 @p0 $0x1  }
0x13: {  	[smem:$0x3FB3] =	sst s0;
	s0 =	simm.s32 @!p1 $0x0  }
0x14: {  	s2 =	sld [smem:$0x3F97];
	s0 =	simm.s32 @p1 $0x1  }
0x15: {  	[smem:$0x3FB4] =	sst s0;
	s0 =	simm.s32 @!p2 $0x0  }
0x16: {  	s3 =	sld [smem:$0x3FDB];
	s0 =	simm.s32 @p2 $0x1  }
0x17: {  	s4 =	simm.s32 $0x1BF5;
	[smem:$0x3FB6] =	sst s0  }
0x18: {  	s0 =	sld [smem:$0x3F99];
	_ =	swait.ge [sflag:s4], $0x0  }
0x19: {  	s7 =	sld [smem:$0x3F9A]  }
0x1a: {  	s8 =	sadd.s32 $0xFFFFE003, lr  }
0x1b: {  	s9 =	sadd.s32 $0xFFFFFEF7, lr;
	s5 =	simm.s32 $0xFFFFFFFF;
	p2 =	slt.u32 s8, $0xFFFFF086  }
0x1c: {  	p1 =	slt.u32 s9, $0xF7A;
	s5 =	simm.s32 @!p2 $0x0  }
0x1d: {  	s5 =	simm.s32 @p1 $0x1;
	p0 =	seq.s32 s7, s2  }
0x1e: {  	s7 =	smul.u32 @!p0 $0xF7A, s2;
	p2 =	seq.s32 @!p0 s5, $0x0  }
0x1f: {  	s9 =	smul.u32 $0xF7A, s1;
	s8 =	simm.s32 @!p0 $0x1BF5;
	p2 =	por !p2, p0  }
0x20: {  	[sflag:s8] =	ssyncset.s32 @!p0 $0xFFFFF086;
	s6 =	sadd.s32 @!p0 s3, s7;
	s7 =	simm.s32 @!p0 $0x108  }
0x21: {  	s3 =	sadd.s32 s3, s9;
	s6 =	sadd.s32 @!p0 $0x88, s6;
	s7 =	simm.s32 @p2 $0x1082  }
0x22: {  	[simem:s7], [sflag:s8] =	dma.local @!p0 [hbm:s6], $0xF7A  }
0x23: {  	s9 =	sor.u32 $0xD0000000, s2;
	s6 =	simm.s32 $0x108;
	_ =	swait.ge @!p0 [sflag:s8], $0x0  }
0x24: {  	s3 =	sadd.s32 $0x88, s3;
	s6 =	simm.s32 @!p1 $0x1082;
	[sflag:s4] =	ssyncset.s32 $0xFFFFF086  }
0x25: {  	[simem:s6], [sflag:s4] =	dma.local [hbm:s3], $0xF7A  }
0x26: {  	[smem:$0x3F9A] =	sst s1;
	(tag) =	ssettag s2;
	_ =	strace s9  }
0x27: {  	s1 =	sld [smem:$0x3FAA]  }
0x28: {  	s2 =	sld [smem:$0x3FAB]  }
0x29: {  	s4 =	sld [smem:$0x3FAD]  }
0x2a: {  	p0 =	seq.s32 s5, $0x0;
	s5 =	sld [smem:$0x3FAE]  }
0x2b: {  	s6 =	sld [smem:$0x3FAF]  }
0x2c: {  	s7 =	sld [smem:$0x3FB0]  }
0x2d: {  	s3 =	simm.s32 $0x108;
	s8 =	sld [smem:$0x3FB1]  }
0x2e: {  	s3 =	simm.s32 @!p0 $0x1082;
	s9 =	sld [smem:$0x3FB2]  }
0x2f: {  	lr =	sadd.s32 s0, s3;
	s0 =	sld [smem:$0x3FA9]  }
0x30: {  	s3 =	sld [smem:$0x3FAC]  }
0x31: {  	[smem:$0x3FB5] =	sst s10  }
0x32: {  	s10 =	sld [smem:$0x3FB3];
	_ =	sdelay $0x3  }
0x33: {  	p0 =	seq.s32 s10, $0x1;
	s10 =	sld [smem:$0x3FB5];
	_ =	sdelay $0x3  }
0x34: {  	[smem:$0x3FB5] =	sst s10  }
0x35: {  	s10 =	sld [smem:$0x3FB4];
	_ =	sdelay $0x3  }
0x36: {  	p1 =	seq.s32 s10, $0x1;
	s10 =	sld [smem:$0x3FB5];
	_ =	sdelay $0x3  }
0x37: {  	[smem:$0x3FB5] =	sst s10  }
0x38: {  	s10 =	sld [smem:$0x3FB6]  }
0x39: {  	_ = 	snop;
	(pc) =	sbr.ind lr, $3  }
0x3a: {  	_ = 	snop  }
0x3b: {  	_ = 	snop  }
0x3c: {  	p2 =	seq.s32 s10, $0x1;
	s10 =	sld [smem:$0x3FB5]  }
0x3d: {  	_ =	shalt  }
0x3e: {  	_ =	shalt  }
0x3f: {  	_ =	shalt  }
0x40: {  	_ =	shalt  }
0x41: {  	_ =	shalt  }
0x42: {  	_ =	shalt  }
0x43: {  	_ =	shalt  }
0x44: {  	_ =	shalt  }
0x45: {  	_ =	shalt  }
0x46: {  	_ =	shalt  }
0x47: {  	_ =	shalt  }
0x48: {  	_ =	shalt  }
0x49: {  	_ =	shalt  }
0x4a: {  	_ =	shalt  }
0x4b: {  	_ =	shalt  }
0x4c: {  	_ =	shalt  }
0x4d: {  	_ =	shalt  }
0x4e: {  	_ =	shalt  }
0x4f: {  	_ =	shalt  }
0x50: {  	_ =	shalt  }
0x51: {  	_ =	shalt  }
0x52: {  	_ =	shalt  }
0x53: {  	_ =	shalt  }
0x54: {  	_ =	shalt  }
0x55: {  	_ =	shalt  }
0x56: {  	_ =	shalt  }
0x57: {  	_ =	shalt  }
0x58: {  	_ =	shalt  }
0x59: {  	_ =	shalt  }
0x5a: {  	_ =	shalt  }
0x5b: {  	_ =	shalt  }
0x5c: {  	_ =	shalt  }
0x5d: {  	_ =	shalt  }
0x5e: {  	_ =	shalt  }
0x5f: {  	_ =	shalt  }
0x60: {  	_ =	shalt  }
0x61: {  	_ =	shalt  }
0x62: {  	_ =	shalt  }
0x63: {  	_ =	shalt  }
0x64: {  	_ =	shalt  }
0x65: {  	_ =	shalt  }
0x66: {  	_ =	shalt  }
0x67: {  	_ =	shalt  }
0x68: {  	_ =	shalt  }
0x69: {  	_ =	shalt  }
0x6a: {  	_ =	shalt  }
0x6b: {  	_ =	shalt  }
0x6c: {  	_ =	shalt  }
0x6d: {  	_ =	shalt  }
0x6e: {  	_ =	shalt  }
0x6f: {  	_ =	shalt  }
0x70: {  	_ =	shalt  }
0x71: {  	_ =	shalt  }
0x72: {  	_ =	shalt  }
0x73: {  	_ =	shalt  }
0x74: {  	_ =	shalt  }
0x75: {  	_ =	shalt  }
0x76: {  	_ =	shalt  }
0x77: {  	_ =	shalt  }
0x78: {  	_ =	shalt  }
0x79: {  	_ =	shalt  }
0x7a: {  	_ =	shalt  }
0x7b: {  	_ =	shalt  }
0x7c: {  	_ =	shalt  }
0x7d: {  	_ =	shalt  }
0x7e: {  	_ =	shalt  }
0x7f: {  	_ =	shalt  }
0x80: {  	_ =	shalt  }
0x81: {  	_ =	shalt  }
0x82: {  	_ =	shalt  }
0x83: {  	_ =	shalt  }
0x84: {  	_ =	shalt  }
0x85: {  	_ =	shalt  }
0x86: {  	_ =	shalt  }
0x87: {  	_ =	shalt  }
.Lfunc_end0:
.L_simem_size_0:
called_computation_lowered:
.L_overlay_start_0:
0x88: {  	s2 =	sld [smem:$0x3FD9]  }
0x89: {  	s3 =	sld [smem:$0x3FFE];
	_ =	sdelay $0x1  }
0x8a: {  	s1 =	srdreg.scid  }
0x8b: {  	s0 =	sand.u32 $0x1, s1  }
0x8c: {  	s17 =	sshll.u32 s0, $0xA;
	s2 =	sadd.s32 s3, s2  }
0x8d: {  	s2 =	sadd.s32 s2, s17  }
0x8e: {  	[smem:$0x3FC1] =	sst s2  }
0x8f: {  	_ = 	snop  }
0x90: {  	s2 =	sld [smem:$0x3FC5]  }
0x91: {  	s18 =	sld [smem:$0x3FC4];
	(tm) =	ssettm $0x1  }
0x92: {  	s4 =	sld [smem:$0x3FFB];
	_ =	sdelay $0x3  }
0x93: {  	_ =	strace s4  }
0x94: {  	s4 =	sld [smem:$0x3FFC];
	_ =	sdelay $0x3  }
0x95: {  	_ =	strace s4  }
0x96: {  	s4 =	sld [smem:$0x3FFD];
	_ =	sdelay $0x3  }
0x97: {  	_ =	strace s4  }
0x98: {  	_ =	strace $0x8FFFFFFF  }
0x99: {  	s19 =	sld [smem:$0x3FDB];
	_ =	sdelay $0x1  }
0x9a: {  	s5 =	simm.s32 $_scs_section_size  }
0x9b: {  	s6 =	simm.s32 $_size__tile_overlayer_lowered;
	s7 =	simm.s32 $_tile_overlayer_lowered  }
0x9c: {  	s22 =	simm.s32 $0x1BFF;
	s21 =	sshll.u32 s7, $0x1;
	s4 =	sadd.s32 s5, s19  }
0x9d: {  	s8 =	simm.s32 $0x0;
	s20 =	sshll.u32 s6, $0x1;
	s6 =	sadd.s32 s21, s4  }
0x9e: {  	[timem:s8], [sflag:s22] =	dma.local [hbm:s6], s20  }
0x9f: {  	_ =	swait.ge [sflag:s22], s20  }
0xa0: {  	s5 =	ssub.s32 $0x0, s20;
	[sflag:s22] =	ssyncset.done $0x0  }
0xa1: {  	[sflag:s22] =	ssyncadd.s32 s5;
	_ =	sdelay $0x1  }
0xa2: {  	s23 =	simm.s32 $0x1B8B  }
0xa3: {  	_ =	swait.ge [sflag:s23], $0x1  }
0xa4: {  	[sflag:s23] =	ssyncset.done $0x0  }
0xa5: {  	s25 =	simm.s32 $0x1B8E;
	s24 =	sld [smem:$0x3FFE];
	[sflag:s23] =	ssyncadd.s32 $0xFFFFFFFF  }
0xa6: {  	s26 =	simm.s32 $execute0_lowered;
	[smem:$0x3FD2] =	sst s25  }
0xa7: {  	s6 =	sshll.u32 s26, $0x1;
	_ =	strace $0x80000046;
	[dreg:$0x1] =	wrdreg $0xFFFFFFFF  }
0xa8: {  	s28 =	simm.s32 $_size_execute0_lowered;
	s4 =	sadd.s32 s4, s6;
	[dreg:$0x0] =	wrdreg $0x0  }
0xa9: {  	s6 =	sshll.u32 s28, $0x1;
	[dreg:$0x2] =	wrdreg s4  }
0xaa: {  	[dreg:$0x3] =	wrdreg s6  }
0xab: {  	[dreg:$0x4] =	wrdreg $0xC0  }
0xac: {  	_ =	task [dreg:s8], $0x5FFFF  }
0xad: {  	[dreg:$0x1] =	wrdreg $0xFFFFFFFF  }
0xae: {  	[dreg:$0x0] =	wrdreg $0x60  }
0xaf: {  	[dreg:$0x2] =	wrdreg s24  }
0xb0: {  	[dreg:$0x3] =	wrdreg s2  }
0xb1: {  	[dreg:$0x4] =	wrdreg s18  }
0xb2: {  	[dreg:$0x5] =	wrdreg $0x9  }
0xb3: {  	_ =	task.clear_ibuf [dreg:s8], $0x6FFFF;
	_ =	strace $0x90000046  }
0xb4: {  	s29 =	simm.s32 $0x9;
	_ =	strace $0x80000048  }
0xb5: {  	_ =	swait.ge [sflag:s29], $0x1  }
0xb6: {  	[sflag:s29] =	ssyncadd.s32 $0xFFFFFFFF  }
0xb7: {  	_ =	strace $0x90000048  }
0xb8: {  	_ =	sfence  }
0xb9: {  	s30 =	sld [smem:$0x0];
	_ =	sdelay $0x2  }
0xba: {  	s31 =	sshll.u32 s1, $0xD;
	s1 =	sshrl.u32 s1, $0x2  }
0xbb: {  	s3 =	sand.u32 $0x4000, s31;
	s1 =	sadd.s32 s1, s30  }
0xbc: {  	s0 =	sor.u32 s3, s0;
	s1 =	sshll.u32 s1, $0x11  }
0xbd: {  	s0 =	sor.u32 s1, s0  }
0xbe: {  	s0 =	sadd.s32 $0x8F2B, s0  }
0xbf: {  	[sflag:s0] =	ssyncadd.remote.s32 $0x1  }
0xc0: {  	_ =	sfence.sel $0xFFFF  }
0xc1: {  	[dreg:$0x0] =	wrdreg $0xFFFFFFFF;
	(pc) =	sbr.abs _section_cstart, $3  }
0xc2: {  	[dreg:$0x1] =	wrdreg $0xFFFFFFFF  }
0xc3: {  	_ =	task.clear_ibuf [dreg:s8], $0x2FFFF;
	_ =	strace $0x9FFFFFFF  }
0xc4: {  	(tm) =	ssettm $0x7FFFFFFF  }
0xc5: {  	_ =	shalt  }
tec
execute0_lowered:
.L_overlay_start_1:
0x0: {  	(tag) =	ssettag $0x1  }
0x1: {  	v0 =	vimm.s32 $0xFEDCBA98;
	v1 =	vimm.s32 $0x76543210;
	v2 =	vimm.s32 $0xBA98FEDC  }
0x2: {  	v3 =	vimm.s32 $0x32107654;
	v4 =	vimm.s32 $0xDCFE98BA;
	v5 =	vimm.s32 $0x54761032  }
0x3: {  	s1 =	rddreg [dreg:$0x0];
	v6 =	vimm.s32 $0xEFCDAB89;
	v7 =	vimm.s32 $0x67452301;
	vm0 =	vmmov $0x1  }
0x4: {  	s4 =	rddreg [dreg:$0x1];
	vm1 =	vmmov $0x3;
	vm2 =	vmmov $0x7;
	vm3 =	vmmov $0xf  }
0x5: {  	s8 =	rddreg [dreg:$0x2];
	s0 =	simm.s32 $0x0;
	s6 =	srdreg.scid;
	vm4 =	vmmov $0x1f;
	vm5 =	vmmov $0x3f;
	vm6 =	vmmov $0x7f  }
0x6: {  	s7 =	stileid.u32;
	s12 =	simm.s32 $0x5;
	s14 =	simm.s32 $0x200;
	vm7 =	vmmov $0xff;
	vm8 =	vmmov $0x1ff;
	vm9 =	vmmov $0x3ff  }
0x7: {  	s15 =	simm.s32 $0x180;
	s16 =	simm.s32 $0x4200;
	s17 =	simm.s32 $0x8200;
	vm10 =	vmmov $0x7ff;
	vm11 =	vmmov $0xfff;
	vm12 =	vmmov $0x1fff  }
0x8: {  	s18 =	simm.s32 $0x8280;
	s19 =	simm.s32 $0x3;
	s20 =	simm.s32 $0x4;
	v0 =	vunpack.c.l.s4.s8 v0;
	v1 =	vunpack.c.l.s4.s8 v1;
	v2 =	vunpack.c.l.s4.s8 v2  }
0x9: {  	s21 =	simm.s32 $0x1;
	s22 =	simm.s32 $0x2;
	s23 =	simm.s32 $0x8300;
	v3 =	vunpack.c.l.s4.s8 v3;
	v4 =	vunpack.c.l.s4.s8 v4;
	v5 =	vunpack.c.l.s4.s8 v5  }
0xa: {  	s24 =	simm.s32 $0x8380;
	s25 =	simm.s32 $0x0;
	[smem:$0x7FF] =	sst s0;
	v6 =	vunpack.c.l.s4.s8 v6;
	v7 =	vunpack.c.l.s4.s8 v7;
	v0 =	vunpack.c.0.s8.s32 v0  }
0xb: {  	s2 =	sadd.s32 $0x6A00, s1;
	s3 =	sadd.s32 $0xCAA00, s1;
	s6 =	sand.u32 $0x1, s6;
	v2 =	vunpack.c.0.s8.s32 v2;
	v3 =	vunpack.c.0.s8.s32 v3;
	v4 =	vunpack.c.0.s8.s32 v4  }
0xc: {  	s5 =	sadd.s32 $0x600, s1;
	s7 =	sshll.u32 s7, $0x5;
	s9 =	sshll.u32 s6, $0x4;
	v5 =	vunpack.c.0.s8.s32 v5;
	v6 =	vunpack.c.0.s8.s32 v6;
	v7 =	vunpack.c.0.s8.s32 v7  }
0xd: {  	vm13 =	vmmov $0x3fff;
	_ =	strace $0x80000047;
	s10 =	ssub.s32 $0x2, s6;
	s9 =	sor.u32 s9, s7;
	v3 =	vcombine.low v3, v2;
	v2 =	vunpack.c.0.s8.s32 v1  }
0xe: {  	s6 =	sadd.s32 $0x3800, s1;
	s31 =	sshrl.u32 s10, $0x1;
	s1 =	sadd.s32 s9, s1;
	v8 =	vand.u32 $0xF, v0;
	v4 =	vcombine.low v5, v4;
	v5 =	vcombine.low v7, v6  }
0xf: {  	vm14 =	vmmov $0x7fff;
	s11 =	ssub.s32 s10, s31;
	s7 =	sadd.s32 s4, s9;
	s8 =	sadd.s32 s8, s9;
	v1 =	vimm.s32 $0x0;
	v2 =	vcombine.low v8, v2  }
0x10: {  	s9 =	sadd.s32 $0x18EA00, s1;
	s10 =	sadd.s32 $0x18EC00, s1;
	s11 =	smax.u32 s11, $0x1;
	v3 =	vand.u32 $0xF, v3;
	v4 =	vand.u32 $0xF, v4;
	v5 =	vand.u32 $0xF, v5  }
.LBB2_1:
0x11: {  	[tilespmem:s0], [sflag:$0x5] =	stream.linear.gather [hbm4b:s7+s0], $0x80, $0x38;
	[tilespmem:$0x8400] =	vst v63  }
0x12: {  	_ =	swait.ge [sflag:s12], $0x80  }
0x13: {  	[sflag:s12] =	ssyncset.done $0x0  }
0x14: {  	s26 =	simm.s32 $0x80;
	[sflag:s12] =	ssyncadd.s32 $0xFFFFFF80  }
0x15: {  	[tilespmem:s26], [sflag:$0x5] =	stream.linear.gather [hbm4b:s8+s0], $0x80, $0x38;
	[tilespmem:$0x8400] =	vst v63  }
0x16: {  	_ =	swait.ge [sflag:s12], $0x80  }
0x17: {  	[sflag:s12] =	ssyncset.done $0x0  }
0x18: {  	[sflag:s12] =	ssyncadd.s32 $0xFFFFFF80  }
0x19: {  	v6 =	vld [tilespmem:$0x0]  }
0x1a: {  	v7 =	vld [tilespmem:$0x80]  }
0x1b: {  	v8 =	vld [tilespmem:$0x80]  }
0x1c: {  	v9 =	vld [tilespmem:$0x10]  }
0x1d: {  	v10 =	vld [tilespmem:$0x90]  }
0x1e: {  	v11 =	vld [tilespmem:$0x90]  }
0x1f: {  	v12 =	vld [tilespmem:$0x20]  }
0x20: {  	v13 =	vld [tilespmem:$0xA0]  }
0x21: {  	v14 =	vld [tilespmem:$0xA0]  }
0x22: {  	v15 =	vld [tilespmem:$0x30]  }
0x23: {  	v16 =	vld [tilespmem:$0xB0]  }
0x24: {  	v17 =	vld [tilespmem:$0xB0]  }
0x25: {  	v0 =	vimm.s32 $0xFFFF3C00;
	v18 =	vld [tilespmem:$0x40];
	vm15 =	vlt.s32 v6, $0xC400  }
0x26: {  	v20 =	vld [tilespmem:$0xC0];
	v19 =	vsel vm15, $0x0, v0;
	vm15 =	vlt.s32 v7, $0xC400  }
0x27: {  	v29 =	vld [tilespmem:$0x50];
	v6 =	vadd.s32 v6, v19;
	v27 =	vsel vm15, $0x0, v0;
	vm15 =	vlt.s32 v9, $0xC400  }
0x28: {  	v31 =	vld [tilespmem:$0xD0];
	[tilespmem:$0x100] =	vst v6;
	v6 =	vadd.s32 v8, v27;
	v28 =	vsel vm15, $0x0, v0;
	vm15 =	vlt.s32 v10, $0xC400  }
0x29: {  	v7 =	vld [tilespmem:$0xC0];
	[tilespmem:$0x180] =	vst v6;
	v6 =	vadd.s32 v9, v28;
	v30 =	vsel vm15, $0x0, v0;
	vm15 =	vlt.s32 v12, $0xC400  }
0x2a: {  	v33 =	vld [tilespmem:$0xD0];
	[tilespmem:$0x110] =	vst v6;
	v6 =	vadd.s32 v11, v30;
	v32 =	vsel vm15, $0x0, v0;
	vm15 =	vlt.s32 v13, $0xC400  }
0x2b: {  	v35 =	vld [tilespmem:$0x60];
	[tilespmem:$0x190] =	vst v6;
	v6 =	vadd.s32 v12, v32;
	v34 =	vsel vm15, $0x0, v0;
	vm15 =	vlt.s32 v15, $0xC400  }
0x2c: {  	v37 =	vld [tilespmem:$0xE0];
	[tilespmem:$0x120] =	vst v6;
	v6 =	vadd.s32 v14, v34;
	v36 =	vsel vm15, $0x0, v0;
	vm15 =	vlt.s32 v16, $0xC400  }
0x2d: {  	v39 =	vld [tilespmem:$0xE0];
	[tilespmem:$0x1A0] =	vst v6;
	v6 =	vadd.s32 v15, v36;
	v38 =	vsel vm15, $0x0, v0;
	vm15 =	vlt.s32 v18, $0xC400  }
0x2e: {  	[tilespmem:$0x130] =	vst v6;
	v6 =	vadd.s32 v17, v38;
	v40 =	vsel vm15, $0x0, v0;
	vm15 =	vlt.s32 v7, $0xC400;
	v7 =	vld [tilespmem:$0x70]  }
0x2f: {  	v42 =	vld [tilespmem:$0xF0];
	[tilespmem:$0x1B0] =	vst v6;
	v6 =	vadd.s32 v18, v40;
	v41 =	vsel vm15, $0x0, v0;
	vm15 =	vlt.s32 v29, $0xC400  }
0x30: {  	[tilespmem:$0x140] =	vst v6;
	v6 =	vadd.s32 v20, v41;
	v43 =	vsel vm15, $0x0, v0;
	vm15 =	vlt.s32 v31, $0xC400  }
0x31: {  	v45 =	vld [tilespmem:$0xF0];
	[tilespmem:$0x1C0] =	vst v6;
	v6 =	vadd.s32 v29, v43;
	v44 =	vsel vm15, $0x0, v0;
	vm15 =	vlt.s32 v35, $0xC400  }
0x32: {  	[tilespmem:$0x150] =	vst v6;
	v6 =	vadd.s32 v33, v44;
	v46 =	vsel vm15, $0x0, v0;
	vm15 =	vlt.s32 v37, $0xC400  }
0x33: {  	[tilespmem:$0x1D0] =	vst v6;
	v6 =	vadd.s32 v35, v46;
	v47 =	vsel vm15, $0x0, v0;
	vm15 =	vlt.s32 v7, $0xC400  }
0x34: {  	[tilespmem:$0x160] =	vst v6;
	v6 =	vadd.s32 v39, v47;
	v48 =	vsel vm15, $0x0, v0;
	vm15 =	vlt.s32 v42, $0xC400  }
0x35: {  	[tilespmem:$0x1E0] =	vst v6;
	v6 =	vadd.s32 v7, v48;
	v7 =	vsel vm15, $0x0, v0  }
0x36: {  	[tilespmem:$0x170] =	vst v6;
	v6 =	vadd.s32 v45, v7  }
0x37: {  	s1 =	simm.s32 $0x100;
	[tilespmem:$0x1F0] =	vst v6  }
0x38: {  	[tilespmem:s14], [sflag:$0x1] =	stream.indirect.gather [hbm4b:s2+s26], $0x80, s1, s26, $0xb8;
	[tilespmem:$0x8400] =	vst v63  }
0x39: {  	_ = 	snop  }
0x3a: {  	[tilespmem:s16], [sflag:$0x2] =	stream.indirect.gather [hbm4b:s3+s26], $0x80, s15, s26, $0xb8;
	[tilespmem:$0x8400] =	vst v63  }
0x3b: {  	_ = 	snop  }
0x3c: {  	[tilespmem:s17], [sflag:$0x3] =	stream.indirect.gather [hbm4b:s5+s26], $0x1, s0, s26, $0xb8;
	[tilespmem:$0x8400] =	vst v63  }
0x3d: {  	_ = 	snop  }
0x3e: {  	[tilespmem:s18], [sflag:$0x4] =	stream.indirect.gather [hbm4b:s6+s26], $0x1, s26, s26, $0xb8;
	[tilespmem:$0x8400] =	vst v63  }
0x3f: {  	_ =	swait.ge [sflag:s19], $0x80  }
0x40: {  	[sflag:s19] =	ssyncset.done $0x0  }
0x41: {  	[sflag:s19] =	ssyncadd.s32 $0xFFFFFF80  }
0x42: {  	_ =	swait.ge [sflag:s20], $0x80  }
0x43: {  	[sflag:s20] =	ssyncset.done $0x0  }
0x44: {  	[sflag:s20] =	ssyncadd.s32 $0xFFFFFF80  }
0x45: {  	v6 =	vld [tilespmem:$0x8200]  }
0x46: {  	v7 =	vld [tilespmem:$0x8280]  }
0x47: {  	v49 =	vld [tilespmem:$0x8210]  }
0x48: {  	v50 =	vld [tilespmem:$0x8290]  }
0x49: {  	v51 =	vld [tilespmem:$0x8220]  }
0x4a: {  	v52 =	vld [tilespmem:$0x82A0]  }
0x4b: {  	v53 =	vld [tilespmem:$0x8230]  }
0x4c: {  	v54 =	vld [tilespmem:$0x82B0]  }
0x4d: {  	v55 =	vld [tilespmem:$0x8240]  }
0x4e: {  	v56 =	vld [tilespmem:$0x82C0]  }
0x4f: {  	v57 =	vld [tilespmem:$0x8250]  }
0x50: {  	v58 =	vld [tilespmem:$0x82D0]  }
0x51: {  	v59 =	vld [tilespmem:$0x8260]  }
0x52: {  	v60 =	vld [tilespmem:$0x8270];
	v6 =	vadd.f32 v7, v6  }
0x53: {  	v7 =	vld [tilespmem:$0x82E0];
	v8 =	vadd.f32 v50, v49  }
0x54: {  	v61 =	vld [tilespmem:$0x82F0];
	[tilespmem:$0x8380] =	vst v6;
	v6 =	vadd.f32 v52, v51  }
0x55: {  	v62 =	vadd.f32 v54, v53;
	[tilespmem:$0x8390] =	vst v8  }
0x56: {  	[tilespmem:$0x83A0] =	vst v6;
	v6 =	vadd.f32 v56, v55  }
0x57: {  	v63 =	vadd.f32 v58, v57;
	[tilespmem:$0x83B0] =	vst v62  }
0x58: {  	[tilespmem:$0x83C0] =	vst v6;
	v6 =	vadd.f32 v7, v59  }
0x59: {  	[tilespmem:$0x83D0] =	vst v63;
	v7 =	vadd.f32 v61, v60  }
0x5a: {  	[tilespmem:$0x83E0] =	vst v6  }
0x5b: {  	[tilespmem:$0x83F0] =	vst v7  }
0x5c: {  	_ =	swait.ge [sflag:s21], $0x4000  }
0x5d: {  	[sflag:s21] =	ssyncset.done $0x0  }
0x5e: {  	[sflag:s21] =	ssyncadd.s32 $0xFFFFC000  }
0x5f: {  	_ =	swait.ge [sflag:s22], $0x4000  }
0x60: {  	s28 =	simm.s32 $0x8300;
	[sflag:s22] =	ssyncset.done $0x0  }
0x61: {  	s29 =	simm.s32 $0x0;
	s30 =	simm.s32 $0x0;
	[sflag:s22] =	ssyncadd.s32 $0xFFFFC000  }
.LBB2_2:
0x62: {  	v6 =	vld [tilespmem:s29+$0x0];
	_ =	sdelay $0x1  }
0x63: {  	v7 =	vld [tilespmem:s26+$0x0];
	_ =	sdelay $0x2  }
0x64: {  	vm15 =	vgt.s32 v6, $0xC3FF  }
0x65: {  	s1 =	sshra.s32 s30, $0x2;
	v6 =	vsel vm15, $0x40, v1  }
0x66: {  	vm15 =	vgt.s32 v7, $0xC3FF;
	v7 =	vadd.s32 s1, v6  }
0x67: {  	(v2sf) =	vpush v7, $0x1;
	_ =	sdelay $0x3  }
0x68: {  	(v2sf) =	vpush v7, $0x0;
	_ =	sdelay $0x1  }
0x69: {  	v6 =	vsel vm15, $0x40, v1  }
0x6a: {  	v6 =	vadd.s32 s1, v6  }
0x6b: {  	(v2sf) =	vpush v6, $0x1;
	_ =	sdelay $0x3  }
0x6c: {  	(v2sf) =	vpush v6, $0x0;
	_ =	sdelay $0x2  }
0x6d: {  	s1 =	spop (v2sf)  }
0x6e: {  	(v2sf) =	vpush v7, $0x3;
	v30 =	vld [tilespmem:s1+$0x280]  }
0x6f: {  	v36 =	vld [tilespmem:s1+$0x290]  }
0x70: {  	v38 =	vld [tilespmem:s1+$0x2A0]  }
0x71: {  	s4 =	spop (v2sf);
	v40 =	vld [tilespmem:s1+$0x2B0]  }
0x72: {  	(v2sf) =	vpush v7, $0x2;
	v8 =	vld [tilespmem:s4+$0x200]  }
0x73: {  	v14 =	vld [tilespmem:s4+$0x210]  }
0x74: {  	v18 =	vld [tilespmem:s4+$0x220]  }
0x75: {  	s31 =	spop (v2sf);
	v25 =	vld [tilespmem:s4+$0x230]  }
0x76: {  	(v2sf) =	vpush v6, $0x3;
	v35 =	vld [tilespmem:s31+$0x4280]  }
0x77: {  	v37 =	vld [tilespmem:s31+$0x4290]  }
0x78: {  	v39 =	vld [tilespmem:s31+$0x42A0]  }
0x79: {  	s13 =	spop (v2sf);
	(v2sf) =	vpush v6, $0x2;
	v41 =	vld [tilespmem:s31+$0x42B0]  }
0x7a: {  	v11 =	vld [tilespmem:s13+$0x4200]  }
0x7b: {  	v17 =	vld [tilespmem:s13+$0x4210]  }
0x7c: {  	v23 =	vld [tilespmem:s13+$0x4220]  }
0x7d: {  	v28 =	vld [tilespmem:s13+$0x4230];
	s4 =	spop (v2sf)  }
0x7e: {  	(v2sf) =	vpush v7, $0x5;
	v50 =	vld [tilespmem:s4+$0x380]  }
0x7f: {  	v52 =	vld [tilespmem:s4+$0x390]  }
0x80: {  	v54 =	vld [tilespmem:s4+$0x3A0]  }
0x81: {  	s1 =	spop (v2sf);
	(v2sf) =	vpush v7, $0x4;
	v56 =	vld [tilespmem:s4+$0x3B0]  }
0x82: {  	v42 =	vld [tilespmem:s1+$0x300]  }
0x83: {  	v44 =	vld [tilespmem:s1+$0x310]  }
0x84: {  	v46 =	vld [tilespmem:s1+$0x320]  }
0x85: {  	s13 =	spop (v2sf);
	(v2sf) =	vpush v6, $0x5;
	v48 =	vld [tilespmem:s1+$0x330]  }
0x86: {  	v51 =	vld [tilespmem:s13+$0x4380]  }
0x87: {  	v53 =	vld [tilespmem:s13+$0x4390]  }
0x88: {  	s31 =	spop (v2sf);
	(v2sf) =	vpush v6, $0x4;
	v55 =	vld [tilespmem:s13+$0x43A0]  }
0x89: {  	v57 =	vld [tilespmem:s13+$0x43B0]  }
0x8a: {  	v43 =	vld [tilespmem:s31+$0x4300]  }
0x8b: {  	v45 =	vld [tilespmem:s31+$0x4310]  }
0x8c: {  	v47 =	vld [tilespmem:s31+$0x4320]  }
0x8d: {  	v49 =	vld [tilespmem:s31+$0x4330];
	s1 =	spop (v2sf)  }
0x8e: {  	(v2sf) =	vpush v7, $0x7;
	v62 =	vld [tilespmem:s1+$0x480]  }
0x8f: {  	v0 =	vld [tilespmem:s1+$0x490]  }
0x90: {  	s4 =	spop (v2sf);
	(v2sf) =	vpush v7, $0x6;
	v10 =	vld [tilespmem:s1+$0x4A0]  }
0x91: {  	v24 =	vld [tilespmem:s1+$0x4B0]  }
0x92: {  	v8 =	vmul.f32 v11, v8;
	v34 =	vmul.f32 v17, v14;
	v58 =	vld [tilespmem:s4+$0x400]  }
0x93: {  	v35 =	vmul.f32 v35, v30;
	v36 =	vmul.f32 v37, v36;
	v60 =	vld [tilespmem:s4+$0x410]  }
0x94: {  	v11 =	vmul.f32 v23, v18;
	v8 =	vadd.f32 v34, v8;
	s13 =	spop (v2sf);
	(v2sf) =	vpush v6, $0x7;
	v12 =	vld [tilespmem:s4+$0x420]  }
0x95: {  	v39 =	vmul.f32 v39, v38;
	v14 =	vadd.f32 v36, v35;
	v13 =	vld [tilespmem:s4+$0x430]  }
0x96: {  	v37 =	vmul.f32 v28, v25;
	v8 =	vadd.f32 v11, v8;
	v63 =	vld [tilespmem:s13+$0x4480]  }
0x97: {  	v41 =	vmul.f32 v41, v40;
	v11 =	vadd.f32 v39, v14;
	s31 =	spop (v2sf);
	(v2sf) =	vpush v6, $0x6;
	v1 =	vld [tilespmem:s13+$0x4490]  }
0x98: {  	v8 =	vadd.f32 v37, v8;
	v43 =	vmul.f32 v43, v42;
	v45 =	vmul.f32 v45, v44;
	v9 =	vld [tilespmem:s13+$0x44A0]  }
0x99: {  	v11 =	vadd.f32 v41, v11;
	v51 =	vmul.f32 v51, v50;
	v52 =	vmul.f32 v53, v52;
	v31 =	vld [tilespmem:s13+$0x44B0]  }
0x9a: {  	v53 =	vperm.xlane v8, v2;
	v17 =	vadd.f32 v45, v43;
	v45 =	vmul.f32 v47, v46;
	v59 =	vld [tilespmem:s31+$0x4400]  }
0x9b: {  	v14 =	vadd.f32 v52, v51;
	v46 =	vperm.xlane v11, v2;
	v47 =	vmul.f32 v55, v54;
	v61 =	vld [tilespmem:s31+$0x4410]  }
0x9c: {  	v48 =	vmul.f32 v49, v48;
	v8 =	vadd.f32 v8, v53;
	v17 =	vadd.f32 v45, v17;
	v15 =	vld [tilespmem:s31+$0x4420]  }
0x9d: {  	v49 =	vmul.f32 v57, v56;
	v11 =	vadd.f32 v11, v46;
	v14 =	vadd.f32 v47, v14;
	v16 =	vld [tilespmem:s31+$0x4430];
	s4 =	spop (v2sf)  }
0x9e: {  	v50 =	vperm.xlane v8, v3;
	v17 =	vadd.f32 v48, v17;
	v23 =	vld [tilespmem:s4+$0x5A0]  }
0x9f: {  	v51 =	vperm.xlane v11, v3;
	v14 =	vadd.f32 v49, v14;
	s1 =	spop (v2sf);
	v18 =	vld [tilespmem:s4+$0x5B0]  }
0xa0: {  	v8 =	vadd.f32 v8, v50;
	v52 =	vperm.xlane v17, v2;
	(v2sf) =	vpush v7, $0x9;
	v22 =	vld [tilespmem:s1+$0x500]  }
0xa1: {  	v11 =	vadd.f32 v11, v51;
	v53 =	vperm.xlane v14, v2;
	v32 =	vld [tilespmem:s1+$0x510]  }
0xa2: {  	v54 =	vperm.xlane v8, v4;
	v17 =	vadd.f32 v17, v52;
	v19 =	vld [tilespmem:s1+$0x520]  }
0xa3: {  	v55 =	vperm.xlane v11, v4;
	v14 =	vadd.f32 v14, v53;
	s13 =	spop (v2sf);
	v21 =	vld [tilespmem:s1+$0x530]  }
0xa4: {  	v47 =	vadd.f32 v8, v54;
	v56 =	vperm.xlane v17, v3;
	(v2sf) =	vpush v7, $0x8;
	v26 =	vld [tilespmem:s13+$0x4580]  }
0xa5: {  	v48 =	vadd.f32 v11, v55;
	v57 =	vperm.xlane v14, v3;
	(v2sf) =	vpush v6, $0x9;
	v34 =	vld [tilespmem:s13+$0x4590]  }
0xa6: {  	v52 =	vadd.f32 v17, v56;
	s31 =	spop (v2sf);
	(v2sf) =	vpush v6, $0x8;
	v30 =	vld [tilespmem:s13+$0x45A0]  }
0xa7: {  	v54 =	vadd.f32 v14, v57;
	v55 =	vmul.f32 v59, v58;
	v60 =	vmul.f32 v61, v60;
	v25 =	vld [tilespmem:s13+$0x45B0]  }
0xa8: {  	v62 =	vmul.f32 v63, v62;
	v61 =	vperm.xlane v52, v4;
	v29 =	vld [tilespmem:s31+$0x4500]  }
0xa9: {  	v63 =	vperm.xlane v54, v4;
	v59 =	vadd.f32 v60, v55;
	v60 =	vmul.f32 v15, v12;
	v27 =	vld [tilespmem:s31+$0x4530]  }
0xaa: {  	v0 =	vmul.f32 v1, v0;
	v1 =	vadd.f32 v52, v61;
	v33 =	vld [tilespmem:s31+$0x4510]  }
0xab: {  	v54 =	vadd.f32 v54, v63;
	v63 =	vmul.f32 v16, v13;
	v61 =	vadd.f32 v60, v59;
	v20 =	vld [tilespmem:s31+$0x4520]  }
0xac: {  	v9 =	vmul.f32 v9, v10;
	[tilespmem:$0x1FFE0] =	vst v21;
	v21 =	vld [tilespmem:s4+$0x580]  }
0xad: {  	v0 =	vadd.f32 v0, v62;
	v62 =	vperm.xlane v1, v5;
	v10 =	vadd.f32 v63, v61;
	v61 =	vld [tilespmem:$0x1FFE0]  }
0xae: {  	[tilespmem:$0x1FFF0] =	vst v27;
	v27 =	vld [tilespmem:s4+$0x590]  }
0xaf: {  	v1 =	vadd.f32 v1, v62;
	v62 =	vld [tilespmem:$0x1FFF0];
	s1 =	spop (v2sf)  }
0xb0: {  	(v2sf) =	vpush v7, $0xB;
	v37 =	vld [tilespmem:s1+$0x680]  }
0xb1: {  	v46 =	vld [tilespmem:s1+$0x690]  }
0xb2: {  	v44 =	vld [tilespmem:s1+$0x6A0]  }
0xb3: {  	s4 =	spop (v2sf);
	(v2sf) =	vpush v7, $0xA;
	v50 =	vld [tilespmem:s1+$0x6B0]  }
0xb4: {  	s13 =	spop (v2sf);
	v28 =	vld [tilespmem:s4+$0x600];
	(v2sf) =	vpush v6, $0xB  }
0xb5: {  	v38 =	vld [tilespmem:s4+$0x610];
	s31 =	spop (v2sf);
	(v2sf) =	vpush v6, $0xA  }
0xb6: {  	v42 =	vld [tilespmem:s4+$0x620]  }
0xb7: {  	v41 =	vld [tilespmem:s4+$0x630]  }
0xb8: {  	v45 =	vld [tilespmem:s13+$0x4680]  }
0xb9: {  	v43 =	vld [tilespmem:s13+$0x4690]  }
0xba: {  	v49 =	vld [tilespmem:s13+$0x46A0]  }
0xbb: {  	v53 =	vld [tilespmem:s13+$0x46B0]  }
0xbc: {  	v51 =	vperm.xlane v47, v5;
	v17 =	vperm.xlane v48, v5;
	v36 =	vld [tilespmem:s31+$0x4600]  }
0xbd: {  	v40 =	vld [tilespmem:s31+$0x4610]  }
0xbe: {  	v47 =	vadd.f32 v47, v51;
	v48 =	vadd.f32 v48, v17;
	v39 =	vld [tilespmem:s31+$0x4620]  }
0xbf: {  	v35 =	vld [tilespmem:s31+$0x4630];
	s31 =	spop (v2sf)  }
0xc0: {  	v47 =	vsel vm0, v47, v48;
	v48 =	vmul.f32 v31, v24;
	(v2sf) =	vpush v7, $0xD;
	v31 =	vld [tilespmem:s31+$0x780]  }
0xc1: {  	v55 =	vmul.f32 v33, v32;
	v33 =	vld [tilespmem:s31+$0x790]  }
0xc2: {  	v58 =	vmul.f32 v34, v27;
	s1 =	spop (v2sf);
	(v2sf) =	vpush v7, $0xC;
	v27 =	vld [tilespmem:s31+$0x7A0]  }
0xc3: {  	v59 =	vmul.f32 v30, v23;
	v23 =	vld [tilespmem:s31+$0x7B0];
	s4 =	spop (v2sf);
	(v2sf) =	vpush v6, $0xD  }
0xc4: {  	v8 =	vld [tilespmem:s1+$0x700];
	s13 =	spop (v2sf);
	(v2sf) =	vpush v6, $0xC  }
0xc5: {  	v14 =	vld [tilespmem:s1+$0x710]  }
0xc6: {  	v52 =	vmul.f32 v29, v22;
	v12 =	vld [tilespmem:s1+$0x720]  }
0xc7: {  	v0 =	vadd.f32 v9, v0;
	v13 =	vld [tilespmem:s1+$0x730]  }
0xc8: {  	v56 =	vperm.xlane v10, v2;
	v19 =	vmul.f32 v20, v19;
	v9 =	vadd.f32 v55, v52;
	v29 =	vld [tilespmem:s4+$0x4780]  }
0xc9: {  	v0 =	vadd.f32 v48, v0;
	v20 =	vld [tilespmem:s4+$0x4790]  }
0xca: {  	v51 =	vperm.xlane v54, v5;
	v10 =	vadd.f32 v10, v56;
	v9 =	vadd.f32 v19, v9;
	v19 =	vld [tilespmem:s4+$0x47A0]  }
0xcb: {  	v57 =	vperm.xlane v0, v2;
	v30 =	vld [tilespmem:s4+$0x47B0]  }
0xcc: {  	v24 =	vadd.f32 v54, v51;
	v60 =	vperm.xlane v10, v3;
	v11 =	vld [tilespmem:s13+$0x4700]  }
0xcd: {  	v1 =	vsel vm1, v47, v1;
	v0 =	vadd.f32 v0, v57;
	v21 =	vmul.f32 v26, v21;
	v17 =	vld [tilespmem:s13+$0x4710]  }
0xce: {  	v1 =	vsel vm2, v1, v24;
	v18 =	vmul.f32 v25, v18;
	v10 =	vadd.f32 v10, v60;
	v15 =	vld [tilespmem:s13+$0x4720]  }
0xcf: {  	v26 =	vmul.f32 v62, v61;
	v21 =	vadd.f32 v58, v21;
	v37 =	vmul.f32 v45, v37;
	v16 =	vld [tilespmem:s13+$0x4730];
	s1 =	spop (v2sf)  }
0xd0: {  	v45 =	vmul.f32 v49, v44;
	v47 =	vmul.f32 v35, v41;
	(v2sf) =	vpush v7, $0xF;
	v41 =	vld [tilespmem:s1+$0x890]  }
0xd1: {  	v63 =	vmul.f32 v36, v28;
	v36 =	vmul.f32 v40, v38;
	s13 =	spop (v2sf);
	(v2sf) =	vpush v7, $0xE;
	v24 =	vld [tilespmem:s1+$0x8A0]  }
0xd2: {  	v38 =	vmul.f32 v43, v46;
	v7 =	vadd.f32 v59, v21;
	s4 =	spop (v2sf);
	v21 =	vld [tilespmem:s13+$0x800];
	(v2sf) =	vpush v6, $0xF  }
0xd3: {  	v42 =	vmul.f32 v39, v42;
	v40 =	vadd.f32 v36, v63;
	v32 =	vld [tilespmem:s13+$0x810];
	s31 =	spop (v2sf);
	(v2sf) =	vpush v6, $0xE  }
0xd4: {  	v49 =	vperm.xlane v0, v3;
	v36 =	vld [tilespmem:s13+$0x820];
	v6 =	vadd.f32 v26, v9;
	v7 =	vadd.f32 v18, v7  }
0xd5: {  	v34 =	vld [tilespmem:s13+$0x830];
	v9 =	vadd.f32 v38, v37;
	v18 =	vadd.f32 v42, v40  }
0xd6: {  	v0 =	vadd.f32 v0, v49;
	v26 =	vld [tilespmem:s1+$0x880];
	v43 =	vperm.xlane v6, v2;
	v46 =	vperm.xlane v7, v2  }
0xd7: {  	v48 =	vmul.f32 v53, v50;
	v39 =	vld [tilespmem:s4+$0x4880];
	v9 =	vadd.f32 v45, v9;
	v18 =	vadd.f32 v47, v18  }
0xd8: {  	v52 =	vperm.xlane v10, v4;
	v40 =	vld [tilespmem:s4+$0x48B0];
	v6 =	vadd.f32 v6, v43;
	v7 =	vadd.f32 v7, v46  }
0xd9: {  	v54 =	vperm.xlane v0, v4;
	v28 =	vld [tilespmem:s31+$0x4800];
	v9 =	vadd.f32 v48, v9;
	v51 =	vperm.xlane v18, v2  }
0xda: {  	v10 =	vadd.f32 v10, v52;
	v25 =	vld [tilespmem:s31+$0x4810];
	v50 =	vperm.xlane v6, v3;
	v37 =	vperm.xlane v7, v3  }
0xdb: {  	v0 =	vadd.f32 v0, v54;
	v35 =	vld [tilespmem:s31+$0x4820];
	v53 =	vperm.xlane v9, v2;
	v18 =	vadd.f32 v18, v51  }
0xdc: {  	v58 =	vperm.xlane v10, v5;
	v22 =	vld [tilespmem:s31+$0x4830];
	v6 =	vadd.f32 v6, v50;
	v7 =	vadd.f32 v7, v37  }
0xdd: {  	v60 =	vperm.xlane v0, v5;
	v45 =	vld [tilespmem:s1+$0x8B0];
	v9 =	vadd.f32 v9, v53;
	v57 =	vperm.xlane v18, v3  }
0xde: {  	v10 =	vadd.f32 v10, v58;
	v43 =	vld [tilespmem:s4+$0x48A0];
	v55 =	vperm.xlane v6, v4;
	v56 =	vperm.xlane v7, v4  }
0xdf: {  	v0 =	vadd.f32 v0, v60;
	v37 =	vld [tilespmem:s4+$0x4890];
	v59 =	vperm.xlane v9, v3;
	v18 =	vadd.f32 v18, v57;
	s31 =	spop (v2sf)  }
0xe0: {  	v6 =	vadd.f32 v6, v55;
	v7 =	vadd.f32 v7, v56;
	v60 =	vld [tilespmem:s31+$0x980]  }
0xe1: {  	v9 =	vadd.f32 v9, v59;
	v59 =	vmul.f32 v19, v27;
	v27 =	vmul.f32 v25, v32;
	s13 =	spop (v2sf);
	v32 =	vld [tilespmem:s31+$0x9A0]  }
0xe2: {  	v1 =	vsel vm3, v1, v10;
	v61 =	vperm.xlane v6, v5;
	v38 =	vld [tilespmem:s13+$0x900]  }
0xe3: {  	v0 =	vsel vm4, v1, v0;
	v63 =	vperm.xlane v18, v4;
	v62 =	vperm.xlane v7, v5;
	v49 =	vld [tilespmem:s13+$0x910]  }
0xe4: {  	v20 =	vmul.f32 v20, v33;
	v8 =	vmul.f32 v11, v8;
	v52 =	vld [tilespmem:s13+$0x920];
	v6 =	vadd.f32 v6, v61  }
0xe5: {  	v51 =	vmul.f32 v17, v14;
	s1 =	spop (v2sf);
	v55 =	vld [tilespmem:s13+$0x930];
	v1 =	vadd.f32 v7, v62;
	v7 =	vadd.f32 v18, v63  }
0xe6: {  	v33 =	vmul.f32 v35, v36;
	v53 =	vmul.f32 v29, v31;
	v35 =	vld [tilespmem:s1+$0x49A0]  }
0xe7: {  	v31 =	vmul.f32 v37, v41;
	s4 =	spop (v2sf);
	v41 =	vld [tilespmem:s1+$0x49B0];
	v0 =	vsel vm5, v0, v6;
	v6 =	vperm.xlane v7, v5  }
0xe8: {  	v48 =	vperm.xlane v9, v4;
	v47 =	vld [tilespmem:s4+$0x4900]  }
0xe9: {  	v56 =	vmul.f32 v15, v12;
	v50 =	vld [tilespmem:s4+$0x4910];
	v6 =	vadd.f32 v7, v6;
	v7 =	vadd.f32 v51, v8  }
0xea: {  	v34 =	vmul.f32 v22, v34;
	v9 =	vadd.f32 v9, v48;
	v54 =	vld [tilespmem:s4+$0x4920];
	v0 =	vsel vm6, v0, v1  }
0xeb: {  	v61 =	vld [tilespmem:s1+$0x4980];
	v0 =	vsel vm7, v0, v6;
	v6 =	vadd.f32 v56, v7;
	v7 =	vmul.f32 v16, v13  }
0xec: {  	v36 =	vmul.f32 v43, v24;
	v37 =	vmul.f32 v40, v45;
	v63 =	vld [tilespmem:s31+$0x990]  }
0xed: {  	v1 =	vperm.xlane v9, v5;
	v6 =	vadd.f32 v7, v6;
	v7 =	vmul.f32 v28, v21;
	v28 =	vld [tilespmem:s1+$0x4990]  }
0xee: {  	v58 =	vadd.f32 v20, v53;
	v57 =	vld [tilespmem:s4+$0x4930];
	v62 =	vmul.f32 v30, v23;
	v30 =	vmul.f32 v39, v26  }
0xef: {  	v39 =	vld [tilespmem:s31+$0x9B0];
	v42 =	vmul.f32 v35, v32;
	v1 =	vadd.f32 v9, v1;
	v40 =	vmul.f32 v47, v38  }
0xf0: {  	v9 =	vadd.f32 v31, v30;
	v18 =	vmul.f32 v50, v49;
	v8 =	vmul.f32 v61, v60  }
0xf1: {  	v11 =	vmul.f32 v54, v52;
	v0 =	vsel vm8, v0, v1;
	v7 =	vadd.f32 v27, v7  }
0xf2: {  	v1 =	vadd.f32 v59, v58;
	v9 =	vadd.f32 v36, v9;
	v12 =	vmul.f32 v28, v63  }
0xf3: {  	v10 =	vmul.f32 v57, v55;
	v13 =	vadd.f32 v18, v40;
	v7 =	vadd.f32 v33, v7  }
0xf4: {  	v44 =	vmul.f32 v41, v39;
	v1 =	vadd.f32 v62, v1;
	v8 =	vadd.f32 v12, v8  }
0xf5: {  	v11 =	vadd.f32 v11, v13;
	v43 =	vperm.xlane v6, v2;
	v7 =	vadd.f32 v34, v7  }
0xf6: {  	v9 =	vadd.f32 v37, v9;
	v45 =	vperm.xlane v1, v2;
	v8 =	vadd.f32 v42, v8  }
0xf7: {  	v10 =	vadd.f32 v10, v11;
	v6 =	vadd.f32 v6, v43;
	v46 =	vperm.xlane v7, v2  }
0xf8: {  	v47 =	vperm.xlane v9, v2;
	v1 =	vadd.f32 v1, v45;
	v8 =	vadd.f32 v44, v8  }
0xf9: {  	v49 =	vperm.xlane v10, v2;
	v48 =	vperm.xlane v6, v3;
	v7 =	vadd.f32 v7, v46  }
0xfa: {  	v9 =	vadd.f32 v9, v47;
	v14 =	vperm.xlane v1, v3;
	v50 =	vperm.xlane v8, v2  }
0xfb: {  	v10 =	vadd.f32 v10, v49;
	v6 =	vadd.f32 v6, v48;
	v51 =	vperm.xlane v7, v3  }
0xfc: {  	v52 =	vperm.xlane v9, v3;
	v1 =	vadd.f32 v1, v14;
	v8 =	vadd.f32 v8, v50  }
0xfd: {  	v54 =	vperm.xlane v10, v3;
	v53 =	vperm.xlane v6, v4;
	v7 =	vadd.f32 v7, v51  }
0xfe: {  	v9 =	vadd.f32 v9, v52;
	v14 =	vperm.xlane v1, v4;
	v55 =	vperm.xlane v8, v3  }
0xff: {  	v10 =	vadd.f32 v10, v54;
	v6 =	vadd.f32 v6, v53;
	v56 =	vperm.xlane v7, v4  }
0x100: {  	v57 =	vperm.xlane v9, v4;
	v1 =	vadd.f32 v1, v14;
	v8 =	vadd.f32 v8, v55  }
0x101: {  	v59 =	vperm.xlane v10, v4;
	v58 =	vperm.xlane v6, v5;
	v7 =	vadd.f32 v7, v56  }
0x102: {  	v9 =	vadd.f32 v9, v57;
	v14 =	vperm.xlane v1, v5;
	v60 =	vperm.xlane v8, v4  }
0x103: {  	v10 =	vadd.f32 v10, v59;
	v6 =	vadd.f32 v6, v58;
	v61 =	vperm.xlane v7, v5  }
0x104: {  	v62 =	vperm.xlane v9, v5;
	v1 =	vadd.f32 v1, v14;
	v8 =	vadd.f32 v8, v60  }
0x105: {  	v0 =	vsel vm9, v0, v6;
	v6 =	vadd.f32 v7, v61;
	v7 =	vperm.xlane v10, v5  }
0x106: {  	p0 =	sne.s32 s30, $0xE000;
	v0 =	vsel vm10, v0, v1;
	v1 =	vadd.f32 v9, v62;
	v63 =	vperm.xlane v8, v5  }
.Ltmp0:
0x107: {  	v0 =	vsel vm11, v0, v6;
	v6 =	vadd.f32 v10, v7;
	(pc) =	sbr.rel @p0 .LBB2_2-.Ltmp0, $4  }
0x108: {  	v0 =	vsel vm12, v0, v1;
	v1 =	vadd.f32 v8, v63  }
0x109: {  	v0 =	vsel vm13, v0, v6  }
0x10a: {  	s29 =	sadd.s32 $0x10, s29;
	v0 =	vsel vm14, v0, v1  }
0x10b: {  	s26 =	sadd.s32 $0x10, s26;
	s30 =	sadd.s32 $0x2000, s30;
	v1 =	vimm.s32 $0x0;
	[tilespmem:s28+$0x0] =	vst v0;
	s28 =	sadd.s32 $0x10, s28  }
0x10c: {  	[hbm4b:s9+s0] =	stream.linear.scatter [tilespmem:s23], [sflag:$0x5], $0x80, $0x38;
	[tilespmem:$0x8400] =	vst v63  }
0x10d: {  	s25 =	sadd.s32 $0x1, s25;
	_ =	swait.ge [sflag:s12], $0x80  }
0x10e: {  	p0 =	sne.s32 s25, s11;
	[sflag:s12] =	ssyncset.done $0x0  }
.Ltmp1:
0x10f: {  	[sflag:s12] =	ssyncadd.s32 $0xFFFFFF80;
	(pc) =	sbr.rel @p0 .LBB2_1-.Ltmp1, $4  }
0x110: {  	[hbm4b:s10+s0] =	stream.linear.scatter [tilespmem:s24], [sflag:$0x5], $0x80, $0x38;
	[tilespmem:$0x8400] =	vst v63  }
0x111: {  	_ =	swait.ge [sflag:s12], $0x80  }
0x112: {  	[sflag:s12] =	ssyncset.done $0x0  }
0x113: {  	[sflag:s12] =	ssyncadd.s32 $0xFFFFFF80  }
0x114: {  	_ =	sfence.sel $0x180000  }
0x115: {  	[bflag:$0x0] =	sbarrier.arrive $0xFFFF  }
0x116: {  	_ =	strace $0x90000047  }
0x117: {  	s0 =	stileid.u32;
	[bflag:$0x2] =	sbarrier.arrive $0xFFFF  }
0x118: {  	p0 =	sne.s32 s0, $0x0;
	s0 =	rddreg [dreg:$0x3]  }
0x119: {  	s0 =	sadd.s32 @!p0 $0x100000, s0  }
0x11a: {  	[sflag:s0] =	ssyncadd.tile.s32 @!p0 $0x1;
	_ =	shalt  }
.Lfunc_end2:
_tile_overlayer_lowered:
.L_overlay_start_2:
0x11b: {  	(tag) =	ssettag $0x2  }
0x11c: {  	s0 =	rddreg [dreg:$0x0];
	s2 =	stileid.u32  }
0x11d: {  	s1 =	rddreg [dreg:$0x1];
	p0 =	sne.s32 s2, $0x0  }
0x11e: {  	s3 =	rddreg [dreg:$0x2];
	[bflag:$0x3] =	sbarrier.arrive $0xFFFF;
	s2 =	simm.s32 @!p0 $0x1C05  }
0x11f: {  	[timem:s3], [sflag:s2] =	dma.local @!p0 [hbm:s0], s1  }
0x120: {  	s0 =	simm.s32 @!p0 $0x5  }
0x121: {  	_ =	swait.ge @!p0 [sflag:s0], s1  }
0x122: {  	s1 =	ssub.s32 @!p0 $0x0, s1;
	[sflag:s0] =	ssyncset.done @!p0 $0x0  }
0x123: {  	[sflag:s0] =	ssyncadd.s32 @!p0 s1  }
0x124: {  	[bflag:$0x3] =	sbarrier.arrive $0xFFFF  }
0x125: {  	_ =	shalt  }

</sc_bundles>
